<compile_context>
chip_gen: v7x
topology: tpu7x:2x2x1
jax: 0.10.2.dev20260603
libtpu: 0.0.44.dev20260713+nightly
codegen_flags: <defaults>
</compile_context>

<pallas_src>
import functools

import jax
import jax.numpy as jnp
from jax import lax
from jax.experimental import pallas as pl
from jax.experimental.pallas import tpu as pltpu
from jax.experimental.pallas import tpu_sc as plsc

N = 10000
E = 320000
D = 128
H = 8
C = 16

NC = 2
NS = 16
NW = NC * NS
EB = 128
ES = 79
EPW = ES * EB
EMAIN = 9984
ETAIL = 16
EPAD = EPW - EMAIN - ETAIL
NPAD = 10240
RPT = NPAD // NS
NB = 8
GA = 4

_mesh = plsc.VectorSubcoreMesh(core_axis_name="c", subcore_axis_name="s")
_sc_params = pltpu.CompilerParams(use_tc_tiling_on_sc=False)


def _load_pad_indices(w, edge_hbm, si_flat, di_flat, sem):
    pltpu.async_copy(edge_hbm.at[0, pl.ds(w * EMAIN, EMAIN)],
                     si_flat.at[pl.ds(0, EMAIN)], sem)
    pltpu.async_copy(edge_hbm.at[0, pl.ds(NW * EMAIN + w * ETAIL, ETAIL)],
                     si_flat.at[pl.ds(EMAIN, ETAIL)], sem)
    pltpu.async_copy(edge_hbm.at[1, pl.ds(w * EMAIN, EMAIN)],
                     di_flat.at[pl.ds(0, EMAIN)], sem)
    pltpu.async_copy(edge_hbm.at[1, pl.ds(NW * EMAIN + w * ETAIL, ETAIL)],
                     di_flat.at[pl.ds(EMAIN, ETAIL)], sem)
    base = w * EPAD
    for k in range(EPAD // 16):
        lane = base + k * 16 + lax.broadcasted_iota(jnp.int32, (16,), 0)
        si_flat[pl.ds(EMAIN + ETAIL + k * 16, 16)] = lax.rem(lane, N)
        di_flat[pl.ds(EMAIN + ETAIL + k * 16, 16)] = (
            N + lax.rem(lane, NPAD - N))
    for _ in range(2):
        pltpu.make_async_copy(edge_hbm.at[0, pl.ds(0, EMAIN)],
                              si_flat.at[pl.ds(0, EMAIN)], sem).wait()
        pltpu.make_async_copy(edge_hbm.at[0, pl.ds(0, ETAIL)],
                              si_flat.at[pl.ds(EMAIN, ETAIL)], sem).wait()



@functools.partial(
    pl.kernel,
    out_type=jax.ShapeDtypeStruct((NC * NPAD,), jnp.float32),
    mesh=_mesh,
    compiler_params=_sc_params,
    scratch_types=[
        pltpu.VMEM((EPW,), jnp.int32),
        pltpu.VMEM((EPW,), jnp.int32),
        pltpu.VMEM((EB,), jnp.float32),
        pltpu.VMEM((RPT,), jnp.float32),
        pltpu.VMEM_SHARED((NPAD,), jnp.float32),
        pltpu.SemaphoreType.DMA,
        pltpu.SemaphoreType.DMA,
    ],
)
def _sc_degree(edge_hbm, out_hbm, si_v, di_v, ones_v, zb_v, acc, lsem, sem):
    c = lax.axis_index("c")
    s = lax.axis_index("s")
    w = c * NS + s

    def fill(i, _):
        ones_v[pl.ds(i * 16, 16)] = jnp.ones((16,), jnp.float32)
        zb_v[pl.ds(i * 16, 16)] = jnp.zeros((16,), jnp.float32)
        zb_v[pl.ds((EB // 16 + i) * 16, 16)] = jnp.zeros((16,), jnp.float32)
        return 0

    lax.fori_loop(0, EB // 16, fill, 0)

    def zfill(i, _):
        zb_v[pl.ds(i * 16, 16)] = jnp.zeros((16,), jnp.float32)
        return 0

    lax.fori_loop(EB // 16, RPT // 16, zfill, 0)
    pltpu.sync_copy(zb_v, acc.at[pl.ds(s * RPT, RPT)])
    _load_pad_indices(w, edge_hbm, si_v, di_v, lsem)
    plsc.subcore_barrier()

    def fire(j, _):
        pltpu.async_copy(ones_v, acc.at[di_v.at[pl.ds(j * EB, EB)]],
                         sem, add=True)
        return 0

    lax.fori_loop(0, ES, fire, 0)

    def drain(j, _):
        pltpu.make_async_copy(ones_v, acc.at[di_v.at[pl.ds(0, EB)]],
                              sem).wait()
        return 0

    lax.fori_loop(0, ES, drain, 0)
    plsc.subcore_barrier()
    pltpu.sync_copy(acc.at[pl.ds(s * RPT, RPT)],
                    out_hbm.at[pl.ds(c * NPAD + s * RPT, RPT)])


def _make_sc_aggregate(F):

    @functools.partial(
        pl.kernel,
        out_type=jax.ShapeDtypeStruct((NC, NPAD, 128), jnp.float32),
        mesh=_mesh,
        compiler_params=_sc_params,
        scratch_types=[
            pltpu.VMEM((EPW,), jnp.int32),
            pltpu.VMEM((EPW,), jnp.int32),
            pltpu.VMEM((NB, EB, F), jnp.float32),
            pltpu.VMEM_SHARED((NPAD, F), jnp.float32),
            pltpu.VMEM_SHARED((N, F), jnp.float32),
            pltpu.SemaphoreType.DMA,
            pltpu.SemaphoreType.DMA,
            pltpu.SemaphoreType.DMA,
        ],
    )
    def agg(tab_hbm, edge_hbm, zeros_hbm,
            out_hbm, si_v, di_v, rows_v, acc, tab_sh, lsem, gsem, ssem):
        c = lax.axis_index("c")
        s = lax.axis_index("s")
        w = c * NS + s
        TPT = N // NS
        pltpu.sync_copy(zeros_hbm.at[pl.ds(s * RPT, RPT)],
                        acc.at[pl.ds(s * RPT, RPT)])
        pltpu.sync_copy(tab_hbm.at[pl.ds(s * TPT, TPT), pl.ds(0, F)],
                        tab_sh.at[pl.ds(s * TPT, TPT)])
        _load_pad_indices(w, edge_hbm, si_v, di_v, lsem)
        plsc.subcore_barrier()

        for p in range(GA):
            pltpu.async_copy(tab_sh.at[si_v.at[pl.ds(p * EB, EB)]],
                             rows_v.at[p], gsem)

        def step(j, _):
            b = lax.rem(j, NB)
            pltpu.make_async_copy(tab_sh.at[si_v.at[pl.ds(j * EB, EB)]],
                                  rows_v.at[b], gsem).wait()
            pltpu.async_copy(rows_v.at[b], acc.at[di_v.at[pl.ds(j * EB, EB)]],
                             ssem, add=True)

            @pl.when(j >= GA)
            def _():
                bp = lax.rem(j - GA, NB)
                pltpu.make_async_copy(
                    rows_v.at[bp], acc.at[di_v.at[pl.ds((j - GA) * EB, EB)]],
                    ssem).wait()

            @pl.when(j + GA < ES)
            def _():
                bn = lax.rem(j + GA, NB)
                pltpu.async_copy(
                    tab_sh.at[si_v.at[pl.ds((j + GA) * EB, EB)]],
                    rows_v.at[bn], gsem)

            return 0

        lax.fori_loop(0, ES, step, 0)

        def sdrain(j, _):
            pltpu.make_async_copy(rows_v.at[0],
                                  acc.at[di_v.at[pl.ds(0, EB)]],
                                  ssem).wait()
            return 0

        lax.fori_loop(0, GA, sdrain, 0)
        plsc.subcore_barrier()
        pltpu.sync_copy(acc.at[pl.ds(s * RPT, RPT)],
                        out_hbm.at[c, pl.ds(s * RPT, RPT), pl.ds(0, F)])

    return agg


_sc_agg8 = _make_sc_aggregate(H)
_sc_agg16 = _make_sc_aggregate(C)



def _tc_prep_body(x_ref, w1_ref, degp_ref, xs_ref, dis_ref):
    deg = (degp_ref[pl.ds(0, N)] + degp_ref[pl.ds(NPAD, N)] + 1.0)
    dis = lax.rsqrt(deg).reshape(N, 1)
    xw = jnp.dot(x_ref[...], w1_ref[...],
                 preferred_element_type=jnp.float32)
    xs_ref[...] = jnp.concatenate(
        [xw * dis, jnp.zeros((N, 128 - H), jnp.float32)], axis=1)
    dis_ref[...] = dis


_tc_prep = pl.pallas_call(
    _tc_prep_body,
    out_shape=(jax.ShapeDtypeStruct((N, 128), jnp.float32),
               jax.ShapeDtypeStruct((N, 1), jnp.float32)),
)


def _tc_mid_body(aggp_ref, xs_ref, dis_ref, b1_ref, w2_ref, out_ref):
    agg = (aggp_ref[0, :N, :H] + aggp_ref[1, :N, :H]
           + xs_ref[:, :H])
    h = jnp.maximum(dis_ref[...] * agg + b1_ref[...], 0.0)
    hw = jnp.dot(h, w2_ref[...], preferred_element_type=jnp.float32)
    out_ref[...] = jnp.concatenate(
        [hw * dis_ref[...], jnp.zeros((N, 128 - C), jnp.float32)], axis=1)


_tc_mid = pl.pallas_call(
    _tc_mid_body,
    out_shape=jax.ShapeDtypeStruct((N, 128), jnp.float32),
)


def _tc_out_body(aggp_ref, xs2_ref, dis_ref, b2_ref, out_ref):
    o = dis_ref[...] * (aggp_ref[0, :N, :C] + aggp_ref[1, :N, :C]
                        + xs2_ref[:, :C]) + b2_ref[...]
    m = jnp.max(o, axis=1, keepdims=True)
    e = jnp.exp(o - m)
    lse = jnp.log(jnp.sum(e, axis=1, keepdims=True)) + m
    out_ref[...] = o - lse


_tc_out = pl.pallas_call(
    _tc_out_body,
    out_shape=jax.ShapeDtypeStruct((N, C), jnp.float32),
)



def kernel(x, edge_index, W1, b1, W2, b2):
    zeros8 = jnp.zeros((NPAD, H), jnp.float32)
    zeros16 = jnp.zeros((NPAD, C), jnp.float32)

    degp = _sc_degree(edge_index)
    xs1, dis = _tc_prep(x, W1, degp)
    agg1 = _sc_agg8(xs1, edge_index, zeros8)
    xs2 = _tc_mid(agg1, xs1, dis, b1.reshape(1, H), W2)
    agg2 = _sc_agg16(xs2, edge_index, zeros16)
    return _tc_out(agg2, xs2, dis, b2.reshape(1, C))

# --- scband reference (transcript-rebuilt; emitter-appended) ---
"""Pipeline reference for scband-gcn-8718783611358 (READ-ONLY COPY).

The authoritative reference and input builder live on the scoring server;
editing this copy changes nothing except your own understanding.
"""

import jax, jax.numpy as jnp
import numpy as np

N = 10000
E = 320000
D = 128
H = 8
C = 16


def setup_inputs(seed: int = 0) -> dict:
    key = jax.random.key(seed)
    k1, k2, k3, k4, k5, k6 = jax.random.split(key, 6)
    x = jax.random.normal(k1, (N, D), dtype=jnp.float32)
    edge_index = jax.random.randint(k2, (2, E), 0, N, dtype=jnp.int32)
    W1 = jax.random.normal(k3, (D, H), dtype=jnp.float32) * (1.0 / np.sqrt(D))
    b1 = jnp.zeros((H,), dtype=jnp.float32)
    W2 = jax.random.normal(k4, (H, C), dtype=jnp.float32) * (1.0 / np.sqrt(H))
    b2 = jnp.zeros((C,), dtype=jnp.float32)
    return {"x": x, "edge_index": edge_index, "W1": W1, "b1": b1, "W2": W2, "b2": b2}


def _gcn_conv(x, src, dst, W, b, n_nodes):
    # GCNConv: symmetric normalization with self-loops
    # x' = D^{-1/2} (A + I) D^{-1/2} X W + b
    loop = jnp.arange(n_nodes, dtype=src.dtype)
    src_sl = jnp.concatenate([src, loop])
    dst_sl = jnp.concatenate([dst, loop])
    ones = jnp.ones(src_sl.shape[0], dtype=x.dtype)
    deg = jnp.zeros((n_nodes,), dtype=x.dtype).at[dst_sl].add(ones)
    deg_inv_sqrt = jnp.where(deg > 0, jax.lax.rsqrt(deg), 0.0)
    norm = deg_inv_sqrt[src_sl] * deg_inv_sqrt[dst_sl]
    xw = x @ W
    msg = jnp.take(xw, src_sl, axis=0) * norm[:, None]
    out = jnp.zeros((n_nodes, W.shape[1]), dtype=x.dtype).at[dst_sl].add(msg)
    return out + b


def reference(x, edge_index, W1, b1, W2, b2):
    # eval mode: dropout(p=0.6) is identity
    src = edge_index[0]
    dst = edge_index[1]
    h = _gcn_conv(x, src, dst, W1, b1, N)
    h = jax.nn.relu(h)
    out = _gcn_conv(h, src, dst, W2, b2, N)
    return jax.nn.log_softmax(out, axis=1)

if __name__ == "__main__":
    import jax
    _d = setup_inputs()
    print(jax.jit(kernel)(*tuple(_d.values())))

</pallas_src>

<mosaic_0001>
#map = affine_map<(d0, d1) -> (0, 0)>
#map1 = affine_map<(d0, d1) -> (0, 0, 0)>
module attributes {stable_mosaic.version = 14 : i64} {
  func.func @agg(%arg0: i32, %arg1: i32, %arg2: memref<10000x128xf32, #tpu.memory_space<hbm>>, %arg3: memref<2x320000xi32, #tpu.memory_space<hbm>>, %arg4: memref<10240x8xf32, #tpu.memory_space<hbm>>, %arg5: memref<2x10240x128xf32, #tpu.memory_space<hbm>>, %arg6: memref<10112xi32, #tpu.memory_space<vmem>>, %arg7: memref<10112xi32, #tpu.memory_space<vmem>>, %arg8: memref<8x128x8xf32, #tpu.memory_space<vmem>>, %arg9: memref<10240x8xf32, #tpu.memory_space<vmem_shared>>, %arg10: memref<10000x8xf32, #tpu.memory_space<vmem_shared>>, %arg11: memref<!tpu.dma_semaphore, #tpu.memory_space<semaphore_mem>>, %arg12: memref<!tpu.dma_semaphore, #tpu.memory_space<semaphore_mem>>, %arg13: memref<!tpu.dma_semaphore, #tpu.memory_space<semaphore_mem>>) attributes {dimension_semantics = [#tpu.dimension_semantics<core_parallel>, #tpu.dimension_semantics<subcore_parallel>], iteration_bounds = array<i64: 2, 16>, scalar_prefetch = 0 : i64, scratch_operands = 8 : i64, tpu.core_type = #tpu.core_type<sc_vector_subcore>, window_params = [{transform_indices = #map}, {transform_indices = #map}, {transform_indices = #map}, {transform_indices = #map1}]} {
    %mul3A = arith.constant 16 : i32
    %mul3A_0 = arith.muli %arg0, %mul3A : i32
    %add3A = arith.addi %mul3A_0, %arg1 : i32
    %mul3A_1 = arith.constant 640 : i32
    %mul3A_2 = arith.muli %arg1, %mul3A_1 : i32
    %mul3A_3 = arith.constant 640 : i32
    %mul3A_4 = arith.muli %arg1, %mul3A_3 : i32
    "tpu.region"() ({
      %run_scoped3A = tpu.sem_alloc : memref<!tpu.dma_semaphore, #tpu.memory_space<semaphore_mem>>
      %dma_start3A_310 = arith.constant 0 : i32
      %dma_start3A_311 = tpu.memref_slice %arg9[%mul3A_4, %dma_start3A_310] : memref<10240x8xf32, #tpu.memory_space<vmem_shared>> -> memref<640x8xf32, #tpu.memory_space<vmem_shared>>
      %dma_start3A_312 = arith.constant 0 : i32
      %dma_start3A_313 = tpu.memref_slice %arg4[%mul3A_2, %dma_start3A_312] : memref<10240x8xf32, #tpu.memory_space<hbm>> -> memref<640x8xf32, #tpu.memory_space<hbm>>
      tpu.enqueue_dma source(%dma_start3A_313 : memref<640x8xf32, #tpu.memory_space<hbm>>) target(%dma_start3A_311 : memref<640x8xf32, #tpu.memory_space<vmem_shared>>) target_semaphore(%run_scoped3A : memref<!tpu.dma_semaphore, #tpu.memory_space<semaphore_mem>>)
      %dma_wait3A_314 = arith.constant 0 : i32
      %dma_wait3A_315 = tpu.memref_slice %arg9[%mul3A_4, %dma_wait3A_314] : memref<10240x8xf32, #tpu.memory_space<vmem_shared>> -> memref<640x8xf32, #tpu.memory_space<vmem_shared>>
      %dma_wait3A_316 = arith.constant 0 : i32
      %dma_wait3A_317 = tpu.memref_slice %arg4[%mul3A_2, %dma_wait3A_316] : memref<10240x8xf32, #tpu.memory_space<hbm>> -> memref<640x8xf32, #tpu.memory_space<hbm>>
      tpu.wait_dma2 semaphore(%run_scoped3A : memref<!tpu.dma_semaphore, #tpu.memory_space<semaphore_mem>>) src(%dma_wait3A_317 : memref<640x8xf32, #tpu.memory_space<hbm>>) dst(%dma_wait3A_315 : memref<640x8xf32, #tpu.memory_space<vmem_shared>>)
      tpu.yield
    }) : () -> ()
    %mul3A_5 = arith.constant 625 : i32
    %mul3A_6 = arith.muli %arg1, %mul3A_5 : i32
    %mul3A_7 = arith.constant 625 : i32
    %mul3A_8 = arith.muli %arg1, %mul3A_7 : i32
    "tpu.region"() ({
      %run_scoped3A = tpu.sem_alloc : memref<!tpu.dma_semaphore, #tpu.memory_space<semaphore_mem>>
      %dma_start3A_310 = arith.constant 0 : i32
      %dma_start3A_311 = tpu.memref_slice %arg10[%mul3A_8, %dma_start3A_310] : memref<10000x8xf32, #tpu.memory_space<vmem_shared>> -> memref<625x8xf32, #tpu.memory_space<vmem_shared>>
      %dma_start3A_312 = arith.constant 0 : i32
      %dma_start3A_313 = tpu.memref_slice %arg2[%mul3A_6, %dma_start3A_312] : memref<10000x128xf32, #tpu.memory_space<hbm>> -> memref<625x8xf32, #tpu.memory_space<hbm>>
      tpu.enqueue_dma source(%dma_start3A_313 : memref<625x8xf32, #tpu.memory_space<hbm>>) target(%dma_start3A_311 : memref<625x8xf32, #tpu.memory_space<vmem_shared>>) target_semaphore(%run_scoped3A : memref<!tpu.dma_semaphore, #tpu.memory_space<semaphore_mem>>)
      %dma_wait3A_314 = arith.constant 0 : i32
      %dma_wait3A_315 = tpu.memref_slice %arg10[%mul3A_8, %dma_wait3A_314] : memref<10000x8xf32, #tpu.memory_space<vmem_shared>> -> memref<625x8xf32, #tpu.memory_space<vmem_shared>>
      %dma_wait3A_316 = arith.constant 0 : i32
      %dma_wait3A_317 = tpu.memref_slice %arg2[%mul3A_6, %dma_wait3A_316] : memref<10000x128xf32, #tpu.memory_space<hbm>> -> memref<625x8xf32, #tpu.memory_space<hbm>>
      tpu.wait_dma2 semaphore(%run_scoped3A : memref<!tpu.dma_semaphore, #tpu.memory_space<semaphore_mem>>) src(%dma_wait3A_317 : memref<625x8xf32, #tpu.memory_space<hbm>>) dst(%dma_wait3A_315 : memref<625x8xf32, #tpu.memory_space<vmem_shared>>)
      tpu.yield
    }) : () -> ()
    %mul3A_9 = arith.constant 9984 : i32
    %mul3A_10 = arith.muli %add3A, %mul3A_9 : i32
    %dma_start3A = arith.constant 0 : i32
    %dma_start3A_11 = arith.constant 0 : i32
    %dma_start3A_12 = tpu.memref_slice %arg6[%dma_start3A_11] : memref<10112xi32, #tpu.memory_space<vmem>> -> memref<9984xi32, #tpu.memory_space<vmem>>
    %dma_start3A_13 = tpu.memref_slice %arg3[%dma_start3A, %mul3A_10] : memref<2x320000xi32, #tpu.memory_space<hbm>> -> memref<1x9984xi32, #tpu.memory_space<hbm>>
    %dma_start3A_14 = tpu.memref_squeeze %dma_start3A_13 : memref<1x9984xi32, #tpu.memory_space<hbm>> -> memref<9984xi32, #tpu.memory_space<hbm>>
    %dma_start3A_15 = arith.constant 0 : i32
    %dma_start3A_16 = tpu.memref_slice %arg6[%dma_start3A_15] : memref<10112xi32, #tpu.memory_space<vmem>> -> memref<9984xi32, #tpu.memory_space<vmem>>
    %dma_start3A_17 = tpu.memref_slice %arg3[%dma_start3A, %mul3A_10] : memref<2x320000xi32, #tpu.memory_space<hbm>> -> memref<1x9984xi32, #tpu.memory_space<hbm>>
    %dma_start3A_18 = tpu.memref_squeeze %dma_start3A_17 : memref<1x9984xi32, #tpu.memory_space<hbm>> -> memref<9984xi32, #tpu.memory_space<hbm>>
    tpu.enqueue_dma source(%dma_start3A_18 : memref<9984xi32, #tpu.memory_space<hbm>>) target(%dma_start3A_16 : memref<9984xi32, #tpu.memory_space<vmem>>) target_semaphore(%arg11 : memref<!tpu.dma_semaphore, #tpu.memory_space<semaphore_mem>>)
    %mul3A_19 = arith.constant 16 : i32
    %mul3A_20 = arith.muli %add3A, %mul3A_19 : i32
    %add3A_21 = arith.constant 319488 : i32
    %add3A_22 = arith.addi %add3A_21, %mul3A_20 : i32
    %dma_start3A_23 = arith.constant 0 : i32
    %dma_start3A_24 = arith.constant 9984 : i32
    %dma_start3A_25 = tpu.memref_slice %arg6[%dma_start3A_24] : memref<10112xi32, #tpu.memory_space<vmem>> -> memref<16xi32, #tpu.memory_space<vmem>>
    %dma_start3A_26 = tpu.memref_slice %arg3[%dma_start3A_23, %add3A_22] : memref<2x320000xi32, #tpu.memory_space<hbm>> -> memref<1x16xi32, #tpu.memory_space<hbm>>
    %dma_start3A_27 = tpu.memref_squeeze %dma_start3A_26 : memref<1x16xi32, #tpu.memory_space<hbm>> -> memref<16xi32, #tpu.memory_space<hbm>>
    %dma_start3A_28 = arith.constant 9984 : i32
    %dma_start3A_29 = tpu.memref_slice %arg6[%dma_start3A_28] : memref<10112xi32, #tpu.memory_space<vmem>> -> memref<16xi32, #tpu.memory_space<vmem>>
    %dma_start3A_30 = tpu.memref_slice %arg3[%dma_start3A_23, %add3A_22] : memref<2x320000xi32, #tpu.memory_space<hbm>> -> memref<1x16xi32, #tpu.memory_space<hbm>>
    %dma_start3A_31 = tpu.memref_squeeze %dma_start3A_30 : memref<1x16xi32, #tpu.memory_space<hbm>> -> memref<16xi32, #tpu.memory_space<hbm>>
    tpu.enqueue_dma source(%dma_start3A_31 : memref<16xi32, #tpu.memory_space<hbm>>) target(%dma_start3A_29 : memref<16xi32, #tpu.memory_space<vmem>>) target_semaphore(%arg11 : memref<!tpu.dma_semaphore, #tpu.memory_space<semaphore_mem>>)
    %mul3A_32 = arith.constant 9984 : i32
    %mul3A_33 = arith.muli %add3A, %mul3A_32 : i32
    %dma_start3A_34 = arith.constant 1 : i32
    %dma_start3A_35 = arith.constant 0 : i32
    %dma_start3A_36 = tpu.memref_slice %arg7[%dma_start3A_35] : memref<10112xi32, #tpu.memory_space<vmem>> -> memref<9984xi32, #tpu.memory_space<vmem>>
    %dma_start3A_37 = tpu.memref_slice %arg3[%dma_start3A_34, %mul3A_33] : memref<2x320000xi32, #tpu.memory_space<hbm>> -> memref<1x9984xi32, #tpu.memory_space<hbm>>
    %dma_start3A_38 = tpu.memref_squeeze %dma_start3A_37 : memref<1x9984xi32, #tpu.memory_space<hbm>> -> memref<9984xi32, #tpu.memory_space<hbm>>
    %dma_start3A_39 = arith.constant 0 : i32
    %dma_start3A_40 = tpu.memref_slice %arg7[%dma_start3A_39] : memref<10112xi32, #tpu.memory_space<vmem>> -> memref<9984xi32, #tpu.memory_space<vmem>>
    %dma_start3A_41 = tpu.memref_slice %arg3[%dma_start3A_34, %mul3A_33] : memref<2x320000xi32, #tpu.memory_space<hbm>> -> memref<1x9984xi32, #tpu.memory_space<hbm>>
    %dma_start3A_42 = tpu.memref_squeeze %dma_start3A_41 : memref<1x9984xi32, #tpu.memory_space<hbm>> -> memref<9984xi32, #tpu.memory_space<hbm>>
    tpu.enqueue_dma source(%dma_start3A_42 : memref<9984xi32, #tpu.memory_space<hbm>>) target(%dma_start3A_40 : memref<9984xi32, #tpu.memory_space<vmem>>) target_semaphore(%arg11 : memref<!tpu.dma_semaphore, #tpu.memory_space<semaphore_mem>>)
    %mul3A_43 = arith.constant 16 : i32
    %mul3A_44 = arith.muli %add3A, %mul3A_43 : i32
    %add3A_45 = arith.constant 319488 : i32
    %add3A_46 = arith.addi %add3A_45, %mul3A_44 : i32
    %dma_start3A_47 = arith.constant 1 : i32
    %dma_start3A_48 = arith.constant 9984 : i32
    %dma_start3A_49 = tpu.memref_slice %arg7[%dma_start3A_48] : memref<10112xi32, #tpu.memory_space<vmem>> -> memref<16xi32, #tpu.memory_space<vmem>>
    %dma_start3A_50 = tpu.memref_slice %arg3[%dma_start3A_47, %add3A_46] : memref<2x320000xi32, #tpu.memory_space<hbm>> -> memref<1x16xi32, #tpu.memory_space<hbm>>
    %dma_start3A_51 = tpu.memref_squeeze %dma_start3A_50 : memref<1x16xi32, #tpu.memory_space<hbm>> -> memref<16xi32, #tpu.memory_space<hbm>>
    %dma_start3A_52 = arith.constant 9984 : i32
    %dma_start3A_53 = tpu.memref_slice %arg7[%dma_start3A_52] : memref<10112xi32, #tpu.memory_space<vmem>> -> memref<16xi32, #tpu.memory_space<vmem>>
    %dma_start3A_54 = tpu.memref_slice %arg3[%dma_start3A_47, %add3A_46] : memref<2x320000xi32, #tpu.memory_space<hbm>> -> memref<1x16xi32, #tpu.memory_space<hbm>>
    %dma_start3A_55 = tpu.memref_squeeze %dma_start3A_54 : memref<1x16xi32, #tpu.memory_space<hbm>> -> memref<16xi32, #tpu.memory_space<hbm>>
    tpu.enqueue_dma source(%dma_start3A_55 : memref<16xi32, #tpu.memory_space<hbm>>) target(%dma_start3A_53 : memref<16xi32, #tpu.memory_space<vmem>>) target_semaphore(%arg11 : memref<!tpu.dma_semaphore, #tpu.memory_space<semaphore_mem>>)
    %mul3A_56 = arith.constant 112 : i32
    %mul3A_57 = arith.muli %add3A, %mul3A_56 : i32
    %add3A_58 = arith.constant 0 : i32
    %add3A_59 = arith.addi %mul3A_57, %add3A_58 : i32
    %iota3A = tpu.iota {dimensions = array<i32: 0>} : vector<16xi32>
    %add3A_60 = vector.broadcast %add3A_59 : i32 to vector<16xi32>
    %add3A_61 = arith.addi %add3A_60, %iota3A : vector<16xi32>
    %rem3A = arith.constant 10000 : i32
    %rem3A_62 = vector.broadcast %rem3A : i32 to vector<16xi32>
    %rem3A_63 = arith.remsi %add3A_61, %rem3A_62 : vector<16xi32>
    %swap3A = arith.constant 10000 : index
    %swap3A_64 = tpu.vector_load %arg6[%swap3A] {strides = array<i32>} : memref<10112xi32, #tpu.memory_space<vmem>>, vector<16xi32>,
    %swap3A_65 = vector.shape_cast %swap3A_64 : vector<16xi32> to vector<16xi32>
    %swap3A_66 = vector.shape_cast %rem3A_63 : vector<16xi32> to vector<16xi32>
    tpu.vector_store %arg6[%swap3A], %swap3A_66 {strides = array<i32>} : memref<10112xi32, #tpu.memory_space<vmem>>, vector<16xi32>,
    %rem3A_67 = arith.constant 240 : i32
    %rem3A_68 = vector.broadcast %rem3A_67 : i32 to vector<16xi32>
    %rem3A_69 = arith.remsi %add3A_61, %rem3A_68 : vector<16xi32>
    %add3A_70 = arith.constant 10000 : i32
    %add3A_71 = vector.broadcast %add3A_70 : i32 to vector<16xi32>
    %add3A_72 = arith.addi %add3A_71, %rem3A_69 : vector<16xi32>
    %swap3A_73 = arith.constant 10000 : index
    %swap3A_74 = tpu.vector_load %arg7[%swap3A_73] {strides = array<i32>} : memref<10112xi32, #tpu.memory_space<vmem>>, vector<16xi32>,
    %swap3A_75 = vector.shape_cast %swap3A_74 : vector<16xi32> to vector<16xi32>
    %swap3A_76 = vector.shape_cast %add3A_72 : vector<16xi32> to vector<16xi32>
    tpu.vector_store %arg7[%swap3A_73], %swap3A_76 {strides = array<i32>} : memref<10112xi32, #tpu.memory_space<vmem>>, vector<16xi32>,
    %add3A_77 = arith.constant 16 : i32
    %add3A_78 = arith.addi %mul3A_57, %add3A_77 : i32
    %iota3A_79 = tpu.iota {dimensions = array<i32: 0>} : vector<16xi32>
    %add3A_80 = vector.broadcast %add3A_78 : i32 to vector<16xi32>
    %add3A_81 = arith.addi %add3A_80, %iota3A_79 : vector<16xi32>
    %rem3A_82 = arith.constant 10000 : i32
    %rem3A_83 = vector.broadcast %rem3A_82 : i32 to vector<16xi32>
    %rem3A_84 = arith.remsi %add3A_81, %rem3A_83 : vector<16xi32>
    %swap3A_85 = arith.constant 10016 : index
    %swap3A_86 = tpu.vector_load %arg6[%swap3A_85] {strides = array<i32>} : memref<10112xi32, #tpu.memory_space<vmem>>, vector<16xi32>,
    %swap3A_87 = vector.shape_cast %swap3A_86 : vector<16xi32> to vector<16xi32>
    %swap3A_88 = vector.shape_cast %rem3A_84 : vector<16xi32> to vector<16xi32>
    tpu.vector_store %arg6[%swap3A_85], %swap3A_88 {strides = array<i32>} : memref<10112xi32, #tpu.memory_space<vmem>>, vector<16xi32>,
    %rem3A_89 = arith.constant 240 : i32
    %rem3A_90 = vector.broadcast %rem3A_89 : i32 to vector<16xi32>
    %rem3A_91 = arith.remsi %add3A_81, %rem3A_90 : vector<16xi32>
    %add3A_92 = arith.constant 10000 : i32
    %add3A_93 = vector.broadcast %add3A_92 : i32 to vector<16xi32>
    %add3A_94 = arith.addi %add3A_93, %rem3A_91 : vector<16xi32>
    %swap3A_95 = arith.constant 10016 : index
    %swap3A_96 = tpu.vector_load %arg7[%swap3A_95] {strides = array<i32>} : memref<10112xi32, #tpu.memory_space<vmem>>, vector<16xi32>,
    %swap3A_97 = vector.shape_cast %swap3A_96 : vector<16xi32> to vector<16xi32>
    %swap3A_98 = vector.shape_cast %add3A_94 : vector<16xi32> to vector<16xi32>
    tpu.vector_store %arg7[%swap3A_95], %swap3A_98 {strides = array<i32>} : memref<10112xi32, #tpu.memory_space<vmem>>, vector<16xi32>,
    %add3A_99 = arith.constant 32 : i32
    %add3A_100 = arith.addi %mul3A_57, %add3A_99 : i32
    %iota3A_101 = tpu.iota {dimensions = array<i32: 0>} : vector<16xi32>
    %add3A_102 = vector.broadcast %add3A_100 : i32 to vector<16xi32>
    %add3A_103 = arith.addi %add3A_102, %iota3A_101 : vector<16xi32>
    %rem3A_104 = arith.constant 10000 : i32
    %rem3A_105 = vector.broadcast %rem3A_104 : i32 to vector<16xi32>
    %rem3A_106 = arith.remsi %add3A_103, %rem3A_105 : vector<16xi32>
    %swap3A_107 = arith.constant 10032 : index
    %swap3A_108 = tpu.vector_load %arg6[%swap3A_107] {strides = array<i32>} : memref<10112xi32, #tpu.memory_space<vmem>>, vector<16xi32>,
    %swap3A_109 = vector.shape_cast %swap3A_108 : vector<16xi32> to vector<16xi32>
    %swap3A_110 = vector.shape_cast %rem3A_106 : vector<16xi32> to vector<16xi32>
    tpu.vector_store %arg6[%swap3A_107], %swap3A_110 {strides = array<i32>} : memref<10112xi32, #tpu.memory_space<vmem>>, vector<16xi32>,
    %rem3A_111 = arith.constant 240 : i32
    %rem3A_112 = vector.broadcast %rem3A_111 : i32 to vector<16xi32>
    %rem3A_113 = arith.remsi %add3A_103, %rem3A_112 : vector<16xi32>
    %add3A_114 = arith.constant 10000 : i32
    %add3A_115 = vector.broadcast %add3A_114 : i32 to vector<16xi32>
    %add3A_116 = arith.addi %add3A_115, %rem3A_113 : vector<16xi32>
    %swap3A_117 = arith.constant 10032 : index
    %swap3A_118 = tpu.vector_load %arg7[%swap3A_117] {strides = array<i32>} : memref<10112xi32, #tpu.memory_space<vmem>>, vector<16xi32>,
    %swap3A_119 = vector.shape_cast %swap3A_118 : vector<16xi32> to vector<16xi32>
    %swap3A_120 = vector.shape_cast %add3A_116 : vector<16xi32> to vector<16xi32>
    tpu.vector_store %arg7[%swap3A_117], %swap3A_120 {strides = array<i32>} : memref<10112xi32, #tpu.memory_space<vmem>>, vector<16xi32>,
    %add3A_121 = arith.constant 48 : i32
    %add3A_122 = arith.addi %mul3A_57, %add3A_121 : i32
    %iota3A_123 = tpu.iota {dimensions = array<i32: 0>} : vector<16xi32>
    %add3A_124 = vector.broadcast %add3A_122 : i32 to vector<16xi32>
    %add3A_125 = arith.addi %add3A_124, %iota3A_123 : vector<16xi32>
    %rem3A_126 = arith.constant 10000 : i32
    %rem3A_127 = vector.broadcast %rem3A_126 : i32 to vector<16xi32>
    %rem3A_128 = arith.remsi %add3A_125, %rem3A_127 : vector<16xi32>
    %swap3A_129 = arith.constant 10048 : index
    %swap3A_130 = tpu.vector_load %arg6[%swap3A_129] {strides = array<i32>} : memref<10112xi32, #tpu.memory_space<vmem>>, vector<16xi32>,
    %swap3A_131 = vector.shape_cast %swap3A_130 : vector<16xi32> to vector<16xi32>
    %swap3A_132 = vector.shape_cast %rem3A_128 : vector<16xi32> to vector<16xi32>
    tpu.vector_store %arg6[%swap3A_129], %swap3A_132 {strides = array<i32>} : memref<10112xi32, #tpu.memory_space<vmem>>, vector<16xi32>,
    %rem3A_133 = arith.constant 240 : i32
    %rem3A_134 = vector.broadcast %rem3A_133 : i32 to vector<16xi32>
    %rem3A_135 = arith.remsi %add3A_125, %rem3A_134 : vector<16xi32>
    %add3A_136 = arith.constant 10000 : i32
    %add3A_137 = vector.broadcast %add3A_136 : i32 to vector<16xi32>
    %add3A_138 = arith.addi %add3A_137, %rem3A_135 : vector<16xi32>
    %swap3A_139 = arith.constant 10048 : index
    %swap3A_140 = tpu.vector_load %arg7[%swap3A_139] {strides = array<i32>} : memref<10112xi32, #tpu.memory_space<vmem>>, vector<16xi32>,
    %swap3A_141 = vector.shape_cast %swap3A_140 : vector<16xi32> to vector<16xi32>
    %swap3A_142 = vector.shape_cast %add3A_138 : vector<16xi32> to vector<16xi32>
    tpu.vector_store %arg7[%swap3A_139], %swap3A_142 {strides = array<i32>} : memref<10112xi32, #tpu.memory_space<vmem>>, vector<16xi32>,
    %add3A_143 = arith.constant 64 : i32
    %add3A_144 = arith.addi %mul3A_57, %add3A_143 : i32
    %iota3A_145 = tpu.iota {dimensions = array<i32: 0>} : vector<16xi32>
    %add3A_146 = vector.broadcast %add3A_144 : i32 to vector<16xi32>
    %add3A_147 = arith.addi %add3A_146, %iota3A_145 : vector<16xi32>
    %rem3A_148 = arith.constant 10000 : i32
    %rem3A_149 = vector.broadcast %rem3A_148 : i32 to vector<16xi32>
    %rem3A_150 = arith.remsi %add3A_147, %rem3A_149 : vector<16xi32>
    %swap3A_151 = arith.constant 10064 : index
    %swap3A_152 = tpu.vector_load %arg6[%swap3A_151] {strides = array<i32>} : memref<10112xi32, #tpu.memory_space<vmem>>, vector<16xi32>,
    %swap3A_153 = vector.shape_cast %swap3A_152 : vector<16xi32> to vector<16xi32>
    %swap3A_154 = vector.shape_cast %rem3A_150 : vector<16xi32> to vector<16xi32>
    tpu.vector_store %arg6[%swap3A_151], %swap3A_154 {strides = array<i32>} : memref<10112xi32, #tpu.memory_space<vmem>>, vector<16xi32>,
    %rem3A_155 = arith.constant 240 : i32
    %rem3A_156 = vector.broadcast %rem3A_155 : i32 to vector<16xi32>
    %rem3A_157 = arith.remsi %add3A_147, %rem3A_156 : vector<16xi32>
    %add3A_158 = arith.constant 10000 : i32
    %add3A_159 = vector.broadcast %add3A_158 : i32 to vector<16xi32>
    %add3A_160 = arith.addi %add3A_159, %rem3A_157 : vector<16xi32>
    %swap3A_161 = arith.constant 10064 : index
    %swap3A_162 = tpu.vector_load %arg7[%swap3A_161] {strides = array<i32>} : memref<10112xi32, #tpu.memory_space<vmem>>, vector<16xi32>,
    %swap3A_163 = vector.shape_cast %swap3A_162 : vector<16xi32> to vector<16xi32>
    %swap3A_164 = vector.shape_cast %add3A_160 : vector<16xi32> to vector<16xi32>
    tpu.vector_store %arg7[%swap3A_161], %swap3A_164 {strides = array<i32>} : memref<10112xi32, #tpu.memory_space<vmem>>, vector<16xi32>,
    %add3A_165 = arith.constant 80 : i32
    %add3A_166 = arith.addi %mul3A_57, %add3A_165 : i32
    %iota3A_167 = tpu.iota {dimensions = array<i32: 0>} : vector<16xi32>
    %add3A_168 = vector.broadcast %add3A_166 : i32 to vector<16xi32>
    %add3A_169 = arith.addi %add3A_168, %iota3A_167 : vector<16xi32>
    %rem3A_170 = arith.constant 10000 : i32
    %rem3A_171 = vector.broadcast %rem3A_170 : i32 to vector<16xi32>
    %rem3A_172 = arith.remsi %add3A_169, %rem3A_171 : vector<16xi32>
    %swap3A_173 = arith.constant 10080 : index
    %swap3A_174 = tpu.vector_load %arg6[%swap3A_173] {strides = array<i32>} : memref<10112xi32, #tpu.memory_space<vmem>>, vector<16xi32>,
    %swap3A_175 = vector.shape_cast %swap3A_174 : vector<16xi32> to vector<16xi32>
    %swap3A_176 = vector.shape_cast %rem3A_172 : vector<16xi32> to vector<16xi32>
    tpu.vector_store %arg6[%swap3A_173], %swap3A_176 {strides = array<i32>} : memref<10112xi32, #tpu.memory_space<vmem>>, vector<16xi32>,
    %rem3A_177 = arith.constant 240 : i32
    %rem3A_178 = vector.broadcast %rem3A_177 : i32 to vector<16xi32>
    %rem3A_179 = arith.remsi %add3A_169, %rem3A_178 : vector<16xi32>
    %add3A_180 = arith.constant 10000 : i32
    %add3A_181 = vector.broadcast %add3A_180 : i32 to vector<16xi32>
    %add3A_182 = arith.addi %add3A_181, %rem3A_179 : vector<16xi32>
    %swap3A_183 = arith.constant 10080 : index
    %swap3A_184 = tpu.vector_load %arg7[%swap3A_183] {strides = array<i32>} : memref<10112xi32, #tpu.memory_space<vmem>>, vector<16xi32>,
    %swap3A_185 = vector.shape_cast %swap3A_184 : vector<16xi32> to vector<16xi32>
    %swap3A_186 = vector.shape_cast %add3A_182 : vector<16xi32> to vector<16xi32>
    tpu.vector_store %arg7[%swap3A_183], %swap3A_186 {strides = array<i32>} : memref<10112xi32, #tpu.memory_space<vmem>>, vector<16xi32>,
    %add3A_187 = arith.constant 96 : i32
    %add3A_188 = arith.addi %mul3A_57, %add3A_187 : i32
    %iota3A_189 = tpu.iota {dimensions = array<i32: 0>} : vector<16xi32>
    %add3A_190 = vector.broadcast %add3A_188 : i32 to vector<16xi32>
    %add3A_191 = arith.addi %add3A_190, %iota3A_189 : vector<16xi32>
    %rem3A_192 = arith.constant 10000 : i32
    %rem3A_193 = vector.broadcast %rem3A_192 : i32 to vector<16xi32>
    %rem3A_194 = arith.remsi %add3A_191, %rem3A_193 : vector<16xi32>
    %swap3A_195 = arith.constant 10096 : index
    %swap3A_196 = tpu.vector_load %arg6[%swap3A_195] {strides = array<i32>} : memref<10112xi32, #tpu.memory_space<vmem>>, vector<16xi32>,
    %swap3A_197 = vector.shape_cast %swap3A_196 : vector<16xi32> to vector<16xi32>
    %swap3A_198 = vector.shape_cast %rem3A_194 : vector<16xi32> to vector<16xi32>
    tpu.vector_store %arg6[%swap3A_195], %swap3A_198 {strides = array<i32>} : memref<10112xi32, #tpu.memory_space<vmem>>, vector<16xi32>,
    %rem3A_199 = arith.constant 240 : i32
    %rem3A_200 = vector.broadcast %rem3A_199 : i32 to vector<16xi32>
    %rem3A_201 = arith.remsi %add3A_191, %rem3A_200 : vector<16xi32>
    %add3A_202 = arith.constant 10000 : i32
    %add3A_203 = vector.broadcast %add3A_202 : i32 to vector<16xi32>
    %add3A_204 = arith.addi %add3A_203, %rem3A_201 : vector<16xi32>
    %swap3A_205 = arith.constant 10096 : index
    %swap3A_206 = tpu.vector_load %arg7[%swap3A_205] {strides = array<i32>} : memref<10112xi32, #tpu.memory_space<vmem>>, vector<16xi32>,
    %swap3A_207 = vector.shape_cast %swap3A_206 : vector<16xi32> to vector<16xi32>
    %swap3A_208 = vector.shape_cast %add3A_204 : vector<16xi32> to vector<16xi32>
    tpu.vector_store %arg7[%swap3A_205], %swap3A_208 {strides = array<i32>} : memref<10112xi32, #tpu.memory_space<vmem>>, vector<16xi32>,
    %dma_wait3A = arith.constant 0 : i32
    %dma_wait3A_209 = arith.constant 0 : i32
    %dma_wait3A_210 = tpu.memref_slice %arg6[%dma_wait3A_209] : memref<10112xi32, #tpu.memory_space<vmem>> -> memref<9984xi32, #tpu.memory_space<vmem>>
    %dma_wait3A_211 = arith.constant 0 : i32
    %dma_wait3A_212 = tpu.memref_slice %arg3[%dma_wait3A, %dma_wait3A_211] : memref<2x320000xi32, #tpu.memory_space<hbm>> -> memref<1x9984xi32, #tpu.memory_space<hbm>>
    %dma_wait3A_213 = tpu.memref_squeeze %dma_wait3A_212 : memref<1x9984xi32, #tpu.memory_space<hbm>> -> memref<9984xi32, #tpu.memory_space<hbm>>
    %dma_wait3A_214 = arith.constant 0 : i32
    %dma_wait3A_215 = tpu.memref_slice %arg6[%dma_wait3A_214] : memref<10112xi32, #tpu.memory_space<vmem>> -> memref<9984xi32, #tpu.memory_space<vmem>>
    %dma_wait3A_216 = arith.constant 0 : i32
    %dma_wait3A_217 = tpu.memref_slice %arg3[%dma_wait3A, %dma_wait3A_216] : memref<2x320000xi32, #tpu.memory_space<hbm>> -> memref<1x9984xi32, #tpu.memory_space<hbm>>
    %dma_wait3A_218 = tpu.memref_squeeze %dma_wait3A_217 : memref<1x9984xi32, #tpu.memory_space<hbm>> -> memref<9984xi32, #tpu.memory_space<hbm>>
    tpu.wait_dma2 semaphore(%arg11 : memref<!tpu.dma_semaphore, #tpu.memory_space<semaphore_mem>>) src(%dma_wait3A_218 : memref<9984xi32, #tpu.memory_space<hbm>>) dst(%dma_wait3A_215 : memref<9984xi32, #tpu.memory_space<vmem>>)
    %dma_wait3A_219 = arith.constant 0 : i32
    %dma_wait3A_220 = arith.constant 9984 : i32
    %dma_wait3A_221 = tpu.memref_slice %arg6[%dma_wait3A_220] : memref<10112xi32, #tpu.memory_space<vmem>> -> memref<16xi32, #tpu.memory_space<vmem>>
    %dma_wait3A_222 = arith.constant 0 : i32
    %dma_wait3A_223 = tpu.memref_slice %arg3[%dma_wait3A_219, %dma_wait3A_222] : memref<2x320000xi32, #tpu.memory_space<hbm>> -> memref<1x16xi32, #tpu.memory_space<hbm>>
    %dma_wait3A_224 = tpu.memref_squeeze %dma_wait3A_223 : memref<1x16xi32, #tpu.memory_space<hbm>> -> memref<16xi32, #tpu.memory_space<hbm>>
    %dma_wait3A_225 = arith.constant 9984 : i32
    %dma_wait3A_226 = tpu.memref_slice %arg6[%dma_wait3A_225] : memref<10112xi32, #tpu.memory_space<vmem>> -> memref<16xi32, #tpu.memory_space<vmem>>
    %dma_wait3A_227 = arith.constant 0 : i32
    %dma_wait3A_228 = tpu.memref_slice %arg3[%dma_wait3A_219, %dma_wait3A_227] : memref<2x320000xi32, #tpu.memory_space<hbm>> -> memref<1x16xi32, #tpu.memory_space<hbm>>
    %dma_wait3A_229 = tpu.memref_squeeze %dma_wait3A_228 : memref<1x16xi32, #tpu.memory_space<hbm>> -> memref<16xi32, #tpu.memory_space<hbm>>
    tpu.wait_dma2 semaphore(%arg11 : memref<!tpu.dma_semaphore, #tpu.memory_space<semaphore_mem>>) src(%dma_wait3A_229 : memref<16xi32, #tpu.memory_space<hbm>>) dst(%dma_wait3A_226 : memref<16xi32, #tpu.memory_space<vmem>>)
    %dma_wait3A_230 = arith.constant 0 : i32
    %dma_wait3A_231 = arith.constant 0 : i32
    %dma_wait3A_232 = tpu.memref_slice %arg6[%dma_wait3A_231] : memref<10112xi32, #tpu.memory_space<vmem>> -> memref<9984xi32, #tpu.memory_space<vmem>>
    %dma_wait3A_233 = arith.constant 0 : i32
    %dma_wait3A_234 = tpu.memref_slice %arg3[%dma_wait3A_230, %dma_wait3A_233] : memref<2x320000xi32, #tpu.memory_space<hbm>> -> memref<1x9984xi32, #tpu.memory_space<hbm>>
    %dma_wait3A_235 = tpu.memref_squeeze %dma_wait3A_234 : memref<1x9984xi32, #tpu.memory_space<hbm>> -> memref<9984xi32, #tpu.memory_space<hbm>>
    %dma_wait3A_236 = arith.constant 0 : i32
    %dma_wait3A_237 = tpu.memref_slice %arg6[%dma_wait3A_236] : memref<10112xi32, #tpu.memory_space<vmem>> -> memref<9984xi32, #tpu.memory_space<vmem>>
    %dma_wait3A_238 = arith.constant 0 : i32
    %dma_wait3A_239 = tpu.memref_slice %arg3[%dma_wait3A_230, %dma_wait3A_238] : memref<2x320000xi32, #tpu.memory_space<hbm>> -> memref<1x9984xi32, #tpu.memory_space<hbm>>
    %dma_wait3A_240 = tpu.memref_squeeze %dma_wait3A_239 : memref<1x9984xi32, #tpu.memory_space<hbm>> -> memref<9984xi32, #tpu.memory_space<hbm>>
    tpu.wait_dma2 semaphore(%arg11 : memref<!tpu.dma_semaphore, #tpu.memory_space<semaphore_mem>>) src(%dma_wait3A_240 : memref<9984xi32, #tpu.memory_space<hbm>>) dst(%dma_wait3A_237 : memref<9984xi32, #tpu.memory_space<vmem>>)
    %dma_wait3A_241 = arith.constant 0 : i32
    %dma_wait3A_242 = arith.constant 9984 : i32
    %dma_wait3A_243 = tpu.memref_slice %arg6[%dma_wait3A_242] : memref<10112xi32, #tpu.memory_space<vmem>> -> memref<16xi32, #tpu.memory_space<vmem>>
    %dma_wait3A_244 = arith.constant 0 : i32
    %dma_wait3A_245 = tpu.memref_slice %arg3[%dma_wait3A_241, %dma_wait3A_244] : memref<2x320000xi32, #tpu.memory_space<hbm>> -> memref<1x16xi32, #tpu.memory_space<hbm>>
    %dma_wait3A_246 = tpu.memref_squeeze %dma_wait3A_245 : memref<1x16xi32, #tpu.memory_space<hbm>> -> memref<16xi32, #tpu.memory_space<hbm>>
    %dma_wait3A_247 = arith.constant 9984 : i32
    %dma_wait3A_248 = tpu.memref_slice %arg6[%dma_wait3A_247] : memref<10112xi32, #tpu.memory_space<vmem>> -> memref<16xi32, #tpu.memory_space<vmem>>
    %dma_wait3A_249 = arith.constant 0 : i32
    %dma_wait3A_250 = tpu.memref_slice %arg3[%dma_wait3A_241, %dma_wait3A_249] : memref<2x320000xi32, #tpu.memory_space<hbm>> -> memref<1x16xi32, #tpu.memory_space<hbm>>
    %dma_wait3A_251 = tpu.memref_squeeze %dma_wait3A_250 : memref<1x16xi32, #tpu.memory_space<hbm>> -> memref<16xi32, #tpu.memory_space<hbm>>
    tpu.wait_dma2 semaphore(%arg11 : memref<!tpu.dma_semaphore, #tpu.memory_space<semaphore_mem>>) src(%dma_wait3A_251 : memref<16xi32, #tpu.memory_space<hbm>>) dst(%dma_wait3A_248 : memref<16xi32, #tpu.memory_space<vmem>>)
    %barrier3A = arith.constant 0 : index
    tpu.barrier barrier_id(%barrier3A)
    %dma_start3A_252 = arith.constant 0 : i32
    %dma_start3A_253 = arith.constant 0 : i32
    %dma_start3A_254 = arith.constant 0 : i32
    %dma_start3A_255 = tpu.memref_slice %arg8[%dma_start3A_252, %dma_start3A_253, %dma_start3A_254] : memref<8x128x8xf32, #tpu.memory_space<vmem>> -> memref<1x128x8xf32, #tpu.memory_space<vmem>>
    %dma_start3A_256 = tpu.memref_squeeze %dma_start3A_255 : memref<1x128x8xf32, #tpu.memory_space<vmem>> -> memref<128x8xf32, #tpu.memory_space<vmem>>
    %dma_start3A_257 = arith.constant 0 : i32
    %dma_start3A_258 = tpu.memref_slice %arg6[%dma_start3A_257] : memref<10112xi32, #tpu.memory_space<vmem>> -> memref<128xi32, #tpu.memory_space<vmem>>
    %dma_start3A_259 = arith.constant 0 : i32
    %dma_start3A_260 = arith.constant 0 : i32
    %dma_start3A_261 = tpu.memref_slice %arg10[%dma_start3A_259, %dma_start3A_260] : memref<10000x8xf32, #tpu.memory_space<vmem_shared>> -> memref<10000x8xf32, #tpu.memory_space<vmem_shared>>
    tpu.enqueue_indirect_dma source(%dma_start3A_261 : memref<10000x8xf32, #tpu.memory_space<vmem_shared>>) target(%dma_start3A_256 : memref<128x8xf32, #tpu.memory_space<vmem>>) offsets(%dma_start3A_258 : memref<128xi32, #tpu.memory_space<vmem>>) semaphore(%arg12 : memref<!tpu.dma_semaphore, #tpu.memory_space<semaphore_mem>>)
    %dma_start3A_262 = arith.constant 1 : i32
    %dma_start3A_263 = arith.constant 0 : i32
    %dma_start3A_264 = arith.constant 0 : i32
    %dma_start3A_265 = tpu.memref_slice %arg8[%dma_start3A_262, %dma_start3A_263, %dma_start3A_264] : memref<8x128x8xf32, #tpu.memory_space<vmem>> -> memref<1x128x8xf32, #tpu.memory_space<vmem>>
    %dma_start3A_266 = tpu.memref_squeeze %dma_start3A_265 : memref<1x128x8xf32, #tpu.memory_space<vmem>> -> memref<128x8xf32, #tpu.memory_space<vmem>>
    %dma_start3A_267 = arith.constant 128 : i32
    %dma_start3A_268 = tpu.memref_slice %arg6[%dma_start3A_267] : memref<10112xi32, #tpu.memory_space<vmem>> -> memref<128xi32, #tpu.memory_space<vmem>>
    %dma_start3A_269 = arith.constant 0 : i32
    %dma_start3A_270 = arith.constant 0 : i32
    %dma_start3A_271 = tpu.memref_slice %arg10[%dma_start3A_269, %dma_start3A_270] : memref<10000x8xf32, #tpu.memory_space<vmem_shared>> -> memref<10000x8xf32, #tpu.memory_space<vmem_shared>>
    tpu.enqueue_indirect_dma source(%dma_start3A_271 : memref<10000x8xf32, #tpu.memory_space<vmem_shared>>) target(%dma_start3A_266 : memref<128x8xf32, #tpu.memory_space<vmem>>) offsets(%dma_start3A_268 : memref<128xi32, #tpu.memory_space<vmem>>) semaphore(%arg12 : memref<!tpu.dma_semaphore, #tpu.memory_space<semaphore_mem>>)
    %dma_start3A_272 = arith.constant 2 : i32
    %dma_start3A_273 = arith.constant 0 : i32
    %dma_start3A_274 = arith.constant 0 : i32
    %dma_start3A_275 = tpu.memref_slice %arg8[%dma_start3A_272, %dma_start3A_273, %dma_start3A_274] : memref<8x128x8xf32, #tpu.memory_space<vmem>> -> memref<1x128x8xf32, #tpu.memory_space<vmem>>
    %dma_start3A_276 = tpu.memref_squeeze %dma_start3A_275 : memref<1x128x8xf32, #tpu.memory_space<vmem>> -> memref<128x8xf32, #tpu.memory_space<vmem>>
    %dma_start3A_277 = arith.constant 256 : i32
    %dma_start3A_278 = tpu.memref_slice %arg6[%dma_start3A_277] : memref<10112xi32, #tpu.memory_space<vmem>> -> memref<128xi32, #tpu.memory_space<vmem>>
    %dma_start3A_279 = arith.constant 0 : i32
    %dma_start3A_280 = arith.constant 0 : i32
    %dma_start3A_281 = tpu.memref_slice %arg10[%dma_start3A_279, %dma_start3A_280] : memref<10000x8xf32, #tpu.memory_space<vmem_shared>> -> memref<10000x8xf32, #tpu.memory_space<vmem_shared>>
    tpu.enqueue_indirect_dma source(%dma_start3A_281 : memref<10000x8xf32, #tpu.memory_space<vmem_shared>>) target(%dma_start3A_276 : memref<128x8xf32, #tpu.memory_space<vmem>>) offsets(%dma_start3A_278 : memref<128xi32, #tpu.memory_space<vmem>>) semaphore(%arg12 : memref<!tpu.dma_semaphore, #tpu.memory_space<semaphore_mem>>)
    %dma_start3A_282 = arith.constant 3 : i32
    %dma_start3A_283 = arith.constant 0 : i32
    %dma_start3A_284 = arith.constant 0 : i32
    %dma_start3A_285 = tpu.memref_slice %arg8[%dma_start3A_282, %dma_start3A_283, %dma_start3A_284] : memref<8x128x8xf32, #tpu.memory_space<vmem>> -> memref<1x128x8xf32, #tpu.memory_space<vmem>>
    %dma_start3A_286 = tpu.memref_squeeze %dma_start3A_285 : memref<1x128x8xf32, #tpu.memory_space<vmem>> -> memref<128x8xf32, #tpu.memory_space<vmem>>
    %dma_start3A_287 = arith.constant 384 : i32
    %dma_start3A_288 = tpu.memref_slice %arg6[%dma_start3A_287] : memref<10112xi32, #tpu.memory_space<vmem>> -> memref<128xi32, #tpu.memory_space<vmem>>
    %dma_start3A_289 = arith.constant 0 : i32
    %dma_start3A_290 = arith.constant 0 : i32
    %dma_start3A_291 = tpu.memref_slice %arg10[%dma_start3A_289, %dma_start3A_290] : memref<10000x8xf32, #tpu.memory_space<vmem_shared>> -> memref<10000x8xf32, #tpu.memory_space<vmem_shared>>
    tpu.enqueue_indirect_dma source(%dma_start3A_291 : memref<10000x8xf32, #tpu.memory_space<vmem_shared>>) target(%dma_start3A_286 : memref<128x8xf32, #tpu.memory_space<vmem>>) offsets(%dma_start3A_288 : memref<128xi32, #tpu.memory_space<vmem>>) semaphore(%arg12 : memref<!tpu.dma_semaphore, #tpu.memory_space<semaphore_mem>>)
    %scan3A = arith.constant 0 : i32
    %scan3A_292 = arith.constant 0 : i32
    %scan3A_293 = arith.constant 79 : i32
    %scan3A_294 = arith.addi %scan3A_292, %scan3A_293 : i32
    %scan3A_295 = arith.constant 1 : i32
    %scan3A_296 = scf.for %scan3A_310 = %scan3A_292 to %scan3A_294 step %scan3A_295 iter_args(%scan3A_311 = %scan3A) -> (i32)  : i32 {
      %rem3A_312 = arith.constant 8 : i32
      %rem3A_313 = arith.remsi %scan3A_310, %rem3A_312 : i32
      %mul3A_314 = arith.constant 128 : i32
      %mul3A_315 = arith.muli %scan3A_310, %mul3A_314 : i32
      %dma_wait3A_316 = arith.constant 0 : i32
      %dma_wait3A_317 = arith.constant 0 : i32
      %dma_wait3A_318 = tpu.memref_slice %arg8[%rem3A_313, %dma_wait3A_316, %dma_wait3A_317] : memref<8x128x8xf32, #tpu.memory_space<vmem>> -> memref<1x128x8xf32, #tpu.memory_space<vmem>>
      %dma_wait3A_319 = tpu.memref_squeeze %dma_wait3A_318 : memref<1x128x8xf32, #tpu.memory_space<vmem>> -> memref<128x8xf32, #tpu.memory_space<vmem>>
      %dma_wait3A_320 = tpu.memref_slice %arg6[%mul3A_315] : memref<10112xi32, #tpu.memory_space<vmem>> -> memref<128xi32, #tpu.memory_space<vmem>>
      %dma_wait3A_321 = arith.constant 0 : i32
      %dma_wait3A_322 = arith.constant 0 : i32
      %dma_wait3A_323 = tpu.memref_slice %arg10[%dma_wait3A_321, %dma_wait3A_322] : memref<10000x8xf32, #tpu.memory_space<vmem_shared>> -> memref<10000x8xf32, #tpu.memory_space<vmem_shared>>
      tpu.wait_indirect_dma semaphore(%arg12 : memref<!tpu.dma_semaphore, #tpu.memory_space<semaphore_mem>>) src(%dma_wait3A_323 : memref<10000x8xf32, #tpu.memory_space<vmem_shared>>) dst(%dma_wait3A_319 : memref<128x8xf32, #tpu.memory_space<vmem>>)
      %mul3A_324 = arith.constant 128 : i32
      %mul3A_325 = arith.muli %scan3A_310, %mul3A_324 : i32
      %dma_start3A_326 = arith.constant 0 : i32
      %dma_start3A_327 = arith.constant 0 : i32
      %dma_start3A_328 = tpu.memref_slice %arg8[%rem3A_313, %dma_start3A_326, %dma_start3A_327] : memref<8x128x8xf32, #tpu.memory_space<vmem>> -> memref<1x128x8xf32, #tpu.memory_space<vmem>>
      %dma_start3A_329 = tpu.memref_squeeze %dma_start3A_328 : memref<1x128x8xf32, #tpu.memory_space<vmem>> -> memref<128x8xf32, #tpu.memory_space<vmem>>
      %dma_start3A_330 = tpu.memref_slice %arg7[%mul3A_325] : memref<10112xi32, #tpu.memory_space<vmem>> -> memref<128xi32, #tpu.memory_space<vmem>>
      %dma_start3A_331 = arith.constant 0 : i32
      %dma_start3A_332 = arith.constant 0 : i32
      %dma_start3A_333 = tpu.memref_slice %arg9[%dma_start3A_331, %dma_start3A_332] : memref<10240x8xf32, #tpu.memory_space<vmem_shared>> -> memref<10240x8xf32, #tpu.memory_space<vmem_shared>>
      tpu.enqueue_indirect_dma source(%dma_start3A_329 : memref<128x8xf32, #tpu.memory_space<vmem>>) target(%dma_start3A_333 : memref<10240x8xf32, #tpu.memory_space<vmem_shared>>) offsets(%dma_start3A_330 : memref<128xi32, #tpu.memory_space<vmem>>) semaphore(%arg13 : memref<!tpu.dma_semaphore, #tpu.memory_space<semaphore_mem>>) {add = true}
      %ge3A = arith.constant 4 : i32
      %ge3A_334 = arith.cmpi sge, %scan3A_310, %ge3A : i32
      %convert_element_type3A = arith.extui %ge3A_334 : i1 to i32
      %cond3A = arith.constant 0 : i32
      %cond3A_335 = arith.cmpi ne, %convert_element_type3A, %cond3A : i32
      scf.if %cond3A_335 {
        %sub3A = arith.constant 4 : i32
        %sub3A_343 = arith.subi %scan3A_310, %sub3A : i32
        %rem3A_344 = arith.constant 8 : i32
        %rem3A_345 = arith.remsi %sub3A_343, %rem3A_344 : i32
        %sub3A_346 = arith.constant 4 : i32
        %sub3A_347 = arith.subi %scan3A_310, %sub3A_346 : i32
        %mul3A_348 = arith.constant 128 : i32
        %mul3A_349 = arith.muli %sub3A_347, %mul3A_348 : i32
        %dma_wait3A_350 = arith.constant 0 : i32
        %dma_wait3A_351 = arith.constant 0 : i32
        %dma_wait3A_352 = tpu.memref_slice %arg8[%rem3A_345, %dma_wait3A_350, %dma_wait3A_351] : memref<8x128x8xf32, #tpu.memory_space<vmem>> -> memref<1x128x8xf32, #tpu.memory_space<vmem>>
        %dma_wait3A_353 = tpu.memref_squeeze %dma_wait3A_352 : memref<1x128x8xf32, #tpu.memory_space<vmem>> -> memref<128x8xf32, #tpu.memory_space<vmem>>
        %dma_wait3A_354 = tpu.memref_slice %arg7[%mul3A_349] : memref<10112xi32, #tpu.memory_space<vmem>> -> memref<128xi32, #tpu.memory_space<vmem>>
        %dma_wait3A_355 = arith.constant 0 : i32
        %dma_wait3A_356 = arith.constant 0 : i32
        %dma_wait3A_357 = tpu.memref_slice %arg9[%dma_wait3A_355, %dma_wait3A_356] : memref<10240x8xf32, #tpu.memory_space<vmem_shared>> -> memref<10240x8xf32, #tpu.memory_space<vmem_shared>>
        tpu.wait_indirect_dma semaphore(%arg13 : memref<!tpu.dma_semaphore, #tpu.memory_space<semaphore_mem>>) src(%dma_wait3A_353 : memref<128x8xf32, #tpu.memory_space<vmem>>) dst(%dma_wait3A_357 : memref<10240x8xf32, #tpu.memory_space<vmem_shared>>)
      } else {
      }
      %add3A_336 = arith.constant 4 : i32
      %add3A_337 = arith.addi %scan3A_310, %add3A_336 : i32
      %lt3A = arith.constant 79 : i32
      %lt3A_338 = arith.cmpi slt, %add3A_337, %lt3A : i32
      %convert_element_type3A_339 = arith.extui %lt3A_338 : i1 to i32
      %cond3A_340 = arith.constant 0 : i32
      %cond3A_341 = arith.cmpi ne, %convert_element_type3A_339, %cond3A_340 : i32
      scf.if %cond3A_341 {
        %add3A_343 = arith.constant 4 : i32
        %add3A_344 = arith.addi %scan3A_310, %add3A_343 : i32
        %rem3A_345 = arith.constant 8 : i32
        %rem3A_346 = arith.remsi %add3A_344, %rem3A_345 : i32
        %add3A_347 = arith.constant 4 : i32
        %add3A_348 = arith.addi %scan3A_310, %add3A_347 : i32
        %mul3A_349 = arith.constant 128 : i32
        %mul3A_350 = arith.muli %add3A_348, %mul3A_349 : i32
        %dma_start3A_351 = arith.constant 0 : i32
        %dma_start3A_352 = arith.constant 0 : i32
        %dma_start3A_353 = tpu.memref_slice %arg8[%rem3A_346, %dma_start3A_351, %dma_start3A_352] : memref<8x128x8xf32, #tpu.memory_space<vmem>> -> memref<1x128x8xf32, #tpu.memory_space<vmem>>
        %dma_start3A_354 = tpu.memref_squeeze %dma_start3A_353 : memref<1x128x8xf32, #tpu.memory_space<vmem>> -> memref<128x8xf32, #tpu.memory_space<vmem>>
        %dma_start3A_355 = tpu.memref_slice %arg6[%mul3A_350] : memref<10112xi32, #tpu.memory_space<vmem>> -> memref<128xi32, #tpu.memory_space<vmem>>
        %dma_start3A_356 = arith.constant 0 : i32
        %dma_start3A_357 = arith.constant 0 : i32
        %dma_start3A_358 = tpu.memref_slice %arg10[%dma_start3A_356, %dma_start3A_357] : memref<10000x8xf32, #tpu.memory_space<vmem_shared>> -> memref<10000x8xf32, #tpu.memory_space<vmem_shared>>
        tpu.enqueue_indirect_dma source(%dma_start3A_358 : memref<10000x8xf32, #tpu.memory_space<vmem_shared>>) target(%dma_start3A_354 : memref<128x8xf32, #tpu.memory_space<vmem>>) offsets(%dma_start3A_355 : memref<128xi32, #tpu.memory_space<vmem>>) semaphore(%arg12 : memref<!tpu.dma_semaphore, #tpu.memory_space<semaphore_mem>>)
      } else {
      }
      %scan3A_342 = arith.constant 0 : i32
      scf.yield %scan3A_342 : i32
    }
    %scan3A_297 = arith.constant 79 : i32
    %scan3A_298 = arith.constant 0 : i32
    %scan3A_299 = arith.constant 0 : i32
    %scan3A_300 = arith.constant 4 : i32
    %scan3A_301 = arith.addi %scan3A_299, %scan3A_300 : i32
    %scan3A_302 = arith.constant 1 : i32
    %scan3A_303 = scf.for %scan3A_310 = %scan3A_299 to %scan3A_301 step %scan3A_302 iter_args(%scan3A_311 = %scan3A_298) -> (i32)  : i32 {
      %dma_wait3A_312 = arith.constant 0 : i32
      %dma_wait3A_313 = arith.constant 0 : i32
      %dma_wait3A_314 = arith.constant 0 : i32
      %dma_wait3A_315 = tpu.memref_slice %arg8[%dma_wait3A_312, %dma_wait3A_313, %dma_wait3A_314] : memref<8x128x8xf32, #tpu.memory_space<vmem>> -> memref<1x128x8xf32, #tpu.memory_space<vmem>>
      %dma_wait3A_316 = tpu.memref_squeeze %dma_wait3A_315 : memref<1x128x8xf32, #tpu.memory_space<vmem>> -> memref<128x8xf32, #tpu.memory_space<vmem>>
      %dma_wait3A_317 = arith.constant 0 : i32
      %dma_wait3A_318 = tpu.memref_slice %arg7[%dma_wait3A_317] : memref<10112xi32, #tpu.memory_space<vmem>> -> memref<128xi32, #tpu.memory_space<vmem>>
      %dma_wait3A_319 = arith.constant 0 : i32
      %dma_wait3A_320 = arith.constant 0 : i32
      %dma_wait3A_321 = tpu.memref_slice %arg9[%dma_wait3A_319, %dma_wait3A_320] : memref<10240x8xf32, #tpu.memory_space<vmem_shared>> -> memref<10240x8xf32, #tpu.memory_space<vmem_shared>>
      tpu.wait_indirect_dma semaphore(%arg13 : memref<!tpu.dma_semaphore, #tpu.memory_space<semaphore_mem>>) src(%dma_wait3A_316 : memref<128x8xf32, #tpu.memory_space<vmem>>) dst(%dma_wait3A_321 : memref<10240x8xf32, #tpu.memory_space<vmem_shared>>)
      %scan3A_322 = arith.constant 0 : i32
      scf.yield %scan3A_322 : i32
    }
    %scan3A_304 = arith.constant 4 : i32
    %barrier3A_305 = arith.constant 0 : index
    tpu.barrier barrier_id(%barrier3A_305)
    %mul3A_306 = arith.constant 640 : i32
    %mul3A_307 = arith.muli %arg1, %mul3A_306 : i32
    %mul3A_308 = arith.constant 640 : i32
    %mul3A_309 = arith.muli %arg1, %mul3A_308 : i32
    "tpu.region"() ({
      %run_scoped3A = tpu.sem_alloc : memref<!tpu.dma_semaphore, #tpu.memory_space<semaphore_mem>>
      %dma_start3A_310 = arith.constant 0 : i32
      %dma_start3A_311 = tpu.memref_slice %arg5[%arg0, %mul3A_309, %dma_start3A_310] : memref<2x10240x128xf32, #tpu.memory_space<hbm>> -> memref<1x640x8xf32, #tpu.memory_space<hbm>>
      %dma_start3A_312 = tpu.memref_squeeze %dma_start3A_311 : memref<1x640x8xf32, #tpu.memory_space<hbm>> -> memref<640x8xf32, #tpu.memory_space<hbm>>
      %dma_start3A_313 = arith.constant 0 : i32
      %dma_start3A_314 = tpu.memref_slice %arg9[%mul3A_307, %dma_start3A_313] : memref<10240x8xf32, #tpu.memory_space<vmem_shared>> -> memref<640x8xf32, #tpu.memory_space<vmem_shared>>
      tpu.enqueue_dma source(%dma_start3A_314 : memref<640x8xf32, #tpu.memory_space<vmem_shared>>) target(%dma_start3A_312 : memref<640x8xf32, #tpu.memory_space<hbm>>) target_semaphore(%run_scoped3A : memref<!tpu.dma_semaphore, #tpu.memory_space<semaphore_mem>>)
      %dma_wait3A_315 = arith.constant 0 : i32
      %dma_wait3A_316 = tpu.memref_slice %arg5[%arg0, %mul3A_309, %dma_wait3A_315] : memref<2x10240x128xf32, #tpu.memory_space<hbm>> -> memref<1x640x8xf32, #tpu.memory_space<hbm>>
      %dma_wait3A_317 = tpu.memref_squeeze %dma_wait3A_316 : memref<1x640x8xf32, #tpu.memory_space<hbm>> -> memref<640x8xf32, #tpu.memory_space<hbm>>
      %dma_wait3A_318 = arith.constant 0 : i32
      %dma_wait3A_319 = tpu.memref_slice %arg9[%mul3A_307, %dma_wait3A_318] : memref<10240x8xf32, #tpu.memory_space<vmem_shared>> -> memref<640x8xf32, #tpu.memory_space<vmem_shared>>
      tpu.wait_dma2 semaphore(%run_scoped3A : memref<!tpu.dma_semaphore, #tpu.memory_space<semaphore_mem>>) src(%dma_wait3A_319 : memref<640x8xf32, #tpu.memory_space<vmem_shared>>) dst(%dma_wait3A_317 : memref<640x8xf32, #tpu.memory_space<hbm>>)
      tpu.yield
    }) : () -> ()
    return
  }
}

#map = affine_map<(d0, d1) -> (0, 0)>
#map1 = affine_map<(d0, d1) -> (0)>
module attributes {stable_mosaic.version = 14 : i64} {
  func.func @_sc_degree(%arg0: i32, %arg1: i32, %arg2: memref<2x320000xi32, #tpu.memory_space<hbm>>, %arg3: memref<20480xf32, #tpu.memory_space<hbm>>, %arg4: memref<10112xi32, #tpu.memory_space<vmem>>, %arg5: memref<10112xi32, #tpu.memory_space<vmem>>, %arg6: memref<128xf32, #tpu.memory_space<vmem>>, %arg7: memref<640xf32, #tpu.memory_space<vmem>>, %arg8: memref<10240xf32, #tpu.memory_space<vmem_shared>>, %arg9: memref<!tpu.dma_semaphore, #tpu.memory_space<semaphore_mem>>, %arg10: memref<!tpu.dma_semaphore, #tpu.memory_space<semaphore_mem>>) attributes {dimension_semantics = [#tpu.dimension_semantics<core_parallel>, #tpu.dimension_semantics<subcore_parallel>], iteration_bounds = array<i64: 2, 16>, scalar_prefetch = 0 : i64, scratch_operands = 7 : i64, tpu.core_type = #tpu.core_type<sc_vector_subcore>, window_params = [{transform_indices = #map}, {transform_indices = #map1}]} {
    %mul3A = arith.constant 16 : i32
    %mul3A_0 = arith.muli %arg0, %mul3A : i32
    %add3A = arith.addi %mul3A_0, %arg1 : i32
    %scan3A = arith.constant 0 : i32
    %scan3A_1 = arith.constant 0 : i32
    %scan3A_2 = arith.constant 8 : i32
    %scan3A_3 = arith.addi %scan3A_1, %scan3A_2 : i32
    %scan3A_4 = arith.constant 1 : i32
    %scan3A_5 = scf.for %scan3A_281 = %scan3A_1 to %scan3A_3 step %scan3A_4 iter_args(%scan3A_282 = %scan3A) -> (i32)  : i32 {
      %broadcast_in_dim3A = arith.constant 1.000000e+00 : f32
      %broadcast_in_dim3A_283 = vector.broadcast %broadcast_in_dim3A : f32 to vector<16xf32>
      %mul3A_284 = arith.constant 16 : i32
      %mul3A_285 = arith.muli %scan3A_281, %mul3A_284 : i32
      %swap3A_286 = arith.index_cast %mul3A_285 : i32 to index
      %swap3A_287 = tpu.vector_load %arg6[%swap3A_286] {strides = array<i32>} : memref<128xf32, #tpu.memory_space<vmem>>, vector<16xf32>,
      %swap3A_288 = vector.shape_cast %swap3A_287 : vector<16xf32> to vector<16xf32>
      %swap3A_289 = vector.shape_cast %broadcast_in_dim3A_283 : vector<16xf32> to vector<16xf32>
      tpu.vector_store %arg6[%swap3A_286], %swap3A_289 {strides = array<i32>} : memref<128xf32, #tpu.memory_space<vmem>>, vector<16xf32>,
      %broadcast_in_dim3A_290 = arith.constant 0.000000e+00 : f32
      %broadcast_in_dim3A_291 = vector.broadcast %broadcast_in_dim3A_290 : f32 to vector<16xf32>
      %mul3A_292 = arith.constant 16 : i32
      %mul3A_293 = arith.muli %scan3A_281, %mul3A_292 : i32
      %swap3A_294 = arith.index_cast %mul3A_293 : i32 to index
      %swap3A_295 = tpu.vector_load %arg7[%swap3A_294] {strides = array<i32>} : memref<640xf32, #tpu.memory_space<vmem>>, vector<16xf32>,
      %swap3A_296 = vector.shape_cast %swap3A_295 : vector<16xf32> to vector<16xf32>
      %swap3A_297 = vector.shape_cast %broadcast_in_dim3A_291 : vector<16xf32> to vector<16xf32>
      tpu.vector_store %arg7[%swap3A_294], %swap3A_297 {strides = array<i32>} : memref<640xf32, #tpu.memory_space<vmem>>, vector<16xf32>,
      %broadcast_in_dim3A_298 = arith.constant 0.000000e+00 : f32
      %broadcast_in_dim3A_299 = vector.broadcast %broadcast_in_dim3A_298 : f32 to vector<16xf32>
      %add3A_300 = arith.constant 8 : i32
      %add3A_301 = arith.addi %add3A_300, %scan3A_281 : i32
      %mul3A_302 = arith.constant 16 : i32
      %mul3A_303 = arith.muli %add3A_301, %mul3A_302 : i32
      %swap3A_304 = arith.index_cast %mul3A_303 : i32 to index
      %swap3A_305 = tpu.vector_load %arg7[%swap3A_304] {strides = array<i32>} : memref<640xf32, #tpu.memory_space<vmem>>, vector<16xf32>,
      %swap3A_306 = vector.shape_cast %swap3A_305 : vector<16xf32> to vector<16xf32>
      %swap3A_307 = vector.shape_cast %broadcast_in_dim3A_299 : vector<16xf32> to vector<16xf32>
      tpu.vector_store %arg7[%swap3A_304], %swap3A_307 {strides = array<i32>} : memref<640xf32, #tpu.memory_space<vmem>>, vector<16xf32>,
      %scan3A_308 = arith.constant 0 : i32
      scf.yield %scan3A_308 : i32
    }
    %scan3A_6 = arith.constant 8 : i32
    %scan3A_7 = arith.constant 0 : i32
    %scan3A_8 = arith.constant 8 : i32
    %scan3A_9 = arith.constant 32 : i32
    %scan3A_10 = arith.addi %scan3A_8, %scan3A_9 : i32
    %scan3A_11 = arith.constant 1 : i32
    %scan3A_12 = scf.for %scan3A_281 = %scan3A_8 to %scan3A_10 step %scan3A_11 iter_args(%scan3A_282 = %scan3A_7) -> (i32)  : i32 {
      %broadcast_in_dim3A = arith.constant 0.000000e+00 : f32
      %broadcast_in_dim3A_283 = vector.broadcast %broadcast_in_dim3A : f32 to vector<16xf32>
      %mul3A_284 = arith.constant 16 : i32
      %mul3A_285 = arith.muli %scan3A_281, %mul3A_284 : i32
      %swap3A_286 = arith.index_cast %mul3A_285 : i32 to index
      %swap3A_287 = tpu.vector_load %arg7[%swap3A_286] {strides = array<i32>} : memref<640xf32, #tpu.memory_space<vmem>>, vector<16xf32>,
      %swap3A_288 = vector.shape_cast %swap3A_287 : vector<16xf32> to vector<16xf32>
      %swap3A_289 = vector.shape_cast %broadcast_in_dim3A_283 : vector<16xf32> to vector<16xf32>
      tpu.vector_store %arg7[%swap3A_286], %swap3A_289 {strides = array<i32>} : memref<640xf32, #tpu.memory_space<vmem>>, vector<16xf32>,
      %scan3A_290 = arith.constant 0 : i32
      scf.yield %scan3A_290 : i32
    }
    %scan3A_13 = arith.constant 32 : i32
    %mul3A_14 = arith.constant 640 : i32
    %mul3A_15 = arith.muli %arg1, %mul3A_14 : i32
    "tpu.region"() ({
      %run_scoped3A = tpu.sem_alloc : memref<!tpu.dma_semaphore, #tpu.memory_space<semaphore_mem>>
      %dma_start3A_281 = tpu.memref_slice %arg8[%mul3A_15] : memref<10240xf32, #tpu.memory_space<vmem_shared>> -> memref<640xf32, #tpu.memory_space<vmem_shared>>
      %dma_start3A_282 = tpu.memref_slice %arg8[%mul3A_15] : memref<10240xf32, #tpu.memory_space<vmem_shared>> -> memref<640xf32, #tpu.memory_space<vmem_shared>>
      tpu.enqueue_dma source(%arg7 : memref<640xf32, #tpu.memory_space<vmem>>) target(%dma_start3A_282 : memref<640xf32, #tpu.memory_space<vmem_shared>>) target_semaphore(%run_scoped3A : memref<!tpu.dma_semaphore, #tpu.memory_space<semaphore_mem>>)
      %dma_wait3A_283 = tpu.memref_slice %arg8[%mul3A_15] : memref<10240xf32, #tpu.memory_space<vmem_shared>> -> memref<640xf32, #tpu.memory_space<vmem_shared>>
      %dma_wait3A_284 = tpu.memref_slice %arg8[%mul3A_15] : memref<10240xf32, #tpu.memory_space<vmem_shared>> -> memref<640xf32, #tpu.memory_space<vmem_shared>>
      tpu.wait_dma2 semaphore(%run_scoped3A : memref<!tpu.dma_semaphore, #tpu.memory_space<semaphore_mem>>) src(%arg7 : memref<640xf32, #tpu.memory_space<vmem>>) dst(%dma_wait3A_284 : memref<640xf32, #tpu.memory_space<vmem_shared>>)
      tpu.yield
    }) : () -> ()
    %mul3A_16 = arith.constant 9984 : i32
    %mul3A_17 = arith.muli %add3A, %mul3A_16 : i32
    %dma_start3A = arith.constant 0 : i32
    %dma_start3A_18 = arith.constant 0 : i32
    %dma_start3A_19 = tpu.memref_slice %arg4[%dma_start3A_18] : memref<10112xi32, #tpu.memory_space<vmem>> -> memref<9984xi32, #tpu.memory_space<vmem>>
    %dma_start3A_20 = tpu.memref_slice %arg2[%dma_start3A, %mul3A_17] : memref<2x320000xi32, #tpu.memory_space<hbm>> -> memref<1x9984xi32, #tpu.memory_space<hbm>>
    %dma_start3A_21 = tpu.memref_squeeze %dma_start3A_20 : memref<1x9984xi32, #tpu.memory_space<hbm>> -> memref<9984xi32, #tpu.memory_space<hbm>>
    %dma_start3A_22 = arith.constant 0 : i32
    %dma_start3A_23 = tpu.memref_slice %arg4[%dma_start3A_22] : memref<10112xi32, #tpu.memory_space<vmem>> -> memref<9984xi32, #tpu.memory_space<vmem>>
    %dma_start3A_24 = tpu.memref_slice %arg2[%dma_start3A, %mul3A_17] : memref<2x320000xi32, #tpu.memory_space<hbm>> -> memref<1x9984xi32, #tpu.memory_space<hbm>>
    %dma_start3A_25 = tpu.memref_squeeze %dma_start3A_24 : memref<1x9984xi32, #tpu.memory_space<hbm>> -> memref<9984xi32, #tpu.memory_space<hbm>>
    tpu.enqueue_dma source(%dma_start3A_25 : memref<9984xi32, #tpu.memory_space<hbm>>) target(%dma_start3A_23 : memref<9984xi32, #tpu.memory_space<vmem>>) target_semaphore(%arg9 : memref<!tpu.dma_semaphore, #tpu.memory_space<semaphore_mem>>)
    %mul3A_26 = arith.constant 16 : i32
    %mul3A_27 = arith.muli %add3A, %mul3A_26 : i32
    %add3A_28 = arith.constant 319488 : i32
    %add3A_29 = arith.addi %add3A_28, %mul3A_27 : i32
    %dma_start3A_30 = arith.constant 0 : i32
    %dma_start3A_31 = arith.constant 9984 : i32
    %dma_start3A_32 = tpu.memref_slice %arg4[%dma_start3A_31] : memref<10112xi32, #tpu.memory_space<vmem>> -> memref<16xi32, #tpu.memory_space<vmem>>
    %dma_start3A_33 = tpu.memref_slice %arg2[%dma_start3A_30, %add3A_29] : memref<2x320000xi32, #tpu.memory_space<hbm>> -> memref<1x16xi32, #tpu.memory_space<hbm>>
    %dma_start3A_34 = tpu.memref_squeeze %dma_start3A_33 : memref<1x16xi32, #tpu.memory_space<hbm>> -> memref<16xi32, #tpu.memory_space<hbm>>
    %dma_start3A_35 = arith.constant 9984 : i32
    %dma_start3A_36 = tpu.memref_slice %arg4[%dma_start3A_35] : memref<10112xi32, #tpu.memory_space<vmem>> -> memref<16xi32, #tpu.memory_space<vmem>>
    %dma_start3A_37 = tpu.memref_slice %arg2[%dma_start3A_30, %add3A_29] : memref<2x320000xi32, #tpu.memory_space<hbm>> -> memref<1x16xi32, #tpu.memory_space<hbm>>
    %dma_start3A_38 = tpu.memref_squeeze %dma_start3A_37 : memref<1x16xi32, #tpu.memory_space<hbm>> -> memref<16xi32, #tpu.memory_space<hbm>>
    tpu.enqueue_dma source(%dma_start3A_38 : memref<16xi32, #tpu.memory_space<hbm>>) target(%dma_start3A_36 : memref<16xi32, #tpu.memory_space<vmem>>) target_semaphore(%arg9 : memref<!tpu.dma_semaphore, #tpu.memory_space<semaphore_mem>>)
    %mul3A_39 = arith.constant 9984 : i32
    %mul3A_40 = arith.muli %add3A, %mul3A_39 : i32
    %dma_start3A_41 = arith.constant 1 : i32
    %dma_start3A_42 = arith.constant 0 : i32
    %dma_start3A_43 = tpu.memref_slice %arg5[%dma_start3A_42] : memref<10112xi32, #tpu.memory_space<vmem>> -> memref<9984xi32, #tpu.memory_space<vmem>>
    %dma_start3A_44 = tpu.memref_slice %arg2[%dma_start3A_41, %mul3A_40] : memref<2x320000xi32, #tpu.memory_space<hbm>> -> memref<1x9984xi32, #tpu.memory_space<hbm>>
    %dma_start3A_45 = tpu.memref_squeeze %dma_start3A_44 : memref<1x9984xi32, #tpu.memory_space<hbm>> -> memref<9984xi32, #tpu.memory_space<hbm>>
    %dma_start3A_46 = arith.constant 0 : i32
    %dma_start3A_47 = tpu.memref_slice %arg5[%dma_start3A_46] : memref<10112xi32, #tpu.memory_space<vmem>> -> memref<9984xi32, #tpu.memory_space<vmem>>
    %dma_start3A_48 = tpu.memref_slice %arg2[%dma_start3A_41, %mul3A_40] : memref<2x320000xi32, #tpu.memory_space<hbm>> -> memref<1x9984xi32, #tpu.memory_space<hbm>>
    %dma_start3A_49 = tpu.memref_squeeze %dma_start3A_48 : memref<1x9984xi32, #tpu.memory_space<hbm>> -> memref<9984xi32, #tpu.memory_space<hbm>>
    tpu.enqueue_dma source(%dma_start3A_49 : memref<9984xi32, #tpu.memory_space<hbm>>) target(%dma_start3A_47 : memref<9984xi32, #tpu.memory_space<vmem>>) target_semaphore(%arg9 : memref<!tpu.dma_semaphore, #tpu.memory_space<semaphore_mem>>)
    %mul3A_50 = arith.constant 16 : i32
    %mul3A_51 = arith.muli %add3A, %mul3A_50 : i32
    %add3A_52 = arith.constant 319488 : i32
    %add3A_53 = arith.addi %add3A_52, %mul3A_51 : i32
    %dma_start3A_54 = arith.constant 1 : i32
    %dma_start3A_55 = arith.constant 9984 : i32
    %dma_start3A_56 = tpu.memref_slice %arg5[%dma_start3A_55] : memref<10112xi32, #tpu.memory_space<vmem>> -> memref<16xi32, #tpu.memory_space<vmem>>
    %dma_start3A_57 = tpu.memref_slice %arg2[%dma_start3A_54, %add3A_53] : memref<2x320000xi32, #tpu.memory_space<hbm>> -> memref<1x16xi32, #tpu.memory_space<hbm>>
    %dma_start3A_58 = tpu.memref_squeeze %dma_start3A_57 : memref<1x16xi32, #tpu.memory_space<hbm>> -> memref<16xi32, #tpu.memory_space<hbm>>
    %dma_start3A_59 = arith.constant 9984 : i32
    %dma_start3A_60 = tpu.memref_slice %arg5[%dma_start3A_59] : memref<10112xi32, #tpu.memory_space<vmem>> -> memref<16xi32, #tpu.memory_space<vmem>>
    %dma_start3A_61 = tpu.memref_slice %arg2[%dma_start3A_54, %add3A_53] : memref<2x320000xi32, #tpu.memory_space<hbm>> -> memref<1x16xi32, #tpu.memory_space<hbm>>
    %dma_start3A_62 = tpu.memref_squeeze %dma_start3A_61 : memref<1x16xi32, #tpu.memory_space<hbm>> -> memref<16xi32, #tpu.memory_space<hbm>>
    tpu.enqueue_dma source(%dma_start3A_62 : memref<16xi32, #tpu.memory_space<hbm>>) target(%dma_start3A_60 : memref<16xi32, #tpu.memory_space<vmem>>) target_semaphore(%arg9 : memref<!tpu.dma_semaphore, #tpu.memory_space<semaphore_mem>>)
    %mul3A_63 = arith.constant 112 : i32
    %mul3A_64 = arith.muli %add3A, %mul3A_63 : i32
    %add3A_65 = arith.constant 0 : i32
    %add3A_66 = arith.addi %mul3A_64, %add3A_65 : i32
    %iota3A = tpu.iota {dimensions = array<i32: 0>} : vector<16xi32>
    %add3A_67 = vector.broadcast %add3A_66 : i32 to vector<16xi32>
    %add3A_68 = arith.addi %add3A_67, %iota3A : vector<16xi32>
    %rem3A = arith.constant 10000 : i32
    %rem3A_69 = vector.broadcast %rem3A : i32 to vector<16xi32>
    %rem3A_70 = arith.remsi %add3A_68, %rem3A_69 : vector<16xi32>
    %swap3A = arith.constant 10000 : index
    %swap3A_71 = tpu.vector_load %arg4[%swap3A] {strides = array<i32>} : memref<10112xi32, #tpu.memory_space<vmem>>, vector<16xi32>,
    %swap3A_72 = vector.shape_cast %swap3A_71 : vector<16xi32> to vector<16xi32>
    %swap3A_73 = vector.shape_cast %rem3A_70 : vector<16xi32> to vector<16xi32>
    tpu.vector_store %arg4[%swap3A], %swap3A_73 {strides = array<i32>} : memref<10112xi32, #tpu.memory_space<vmem>>, vector<16xi32>,
    %rem3A_74 = arith.constant 240 : i32
    %rem3A_75 = vector.broadcast %rem3A_74 : i32 to vector<16xi32>
    %rem3A_76 = arith.remsi %add3A_68, %rem3A_75 : vector<16xi32>
    %add3A_77 = arith.constant 10000 : i32
    %add3A_78 = vector.broadcast %add3A_77 : i32 to vector<16xi32>
    %add3A_79 = arith.addi %add3A_78, %rem3A_76 : vector<16xi32>
    %swap3A_80 = arith.constant 10000 : index
    %swap3A_81 = tpu.vector_load %arg5[%swap3A_80] {strides = array<i32>} : memref<10112xi32, #tpu.memory_space<vmem>>, vector<16xi32>,
    %swap3A_82 = vector.shape_cast %swap3A_81 : vector<16xi32> to vector<16xi32>
    %swap3A_83 = vector.shape_cast %add3A_79 : vector<16xi32> to vector<16xi32>
    tpu.vector_store %arg5[%swap3A_80], %swap3A_83 {strides = array<i32>} : memref<10112xi32, #tpu.memory_space<vmem>>, vector<16xi32>,
    %add3A_84 = arith.constant 16 : i32
    %add3A_85 = arith.addi %mul3A_64, %add3A_84 : i32
    %iota3A_86 = tpu.iota {dimensions = array<i32: 0>} : vector<16xi32>
    %add3A_87 = vector.broadcast %add3A_85 : i32 to vector<16xi32>
    %add3A_88 = arith.addi %add3A_87, %iota3A_86 : vector<16xi32>
    %rem3A_89 = arith.constant 10000 : i32
    %rem3A_90 = vector.broadcast %rem3A_89 : i32 to vector<16xi32>
    %rem3A_91 = arith.remsi %add3A_88, %rem3A_90 : vector<16xi32>
    %swap3A_92 = arith.constant 10016 : index
    %swap3A_93 = tpu.vector_load %arg4[%swap3A_92] {strides = array<i32>} : memref<10112xi32, #tpu.memory_space<vmem>>, vector<16xi32>,
    %swap3A_94 = vector.shape_cast %swap3A_93 : vector<16xi32> to vector<16xi32>
    %swap3A_95 = vector.shape_cast %rem3A_91 : vector<16xi32> to vector<16xi32>
    tpu.vector_store %arg4[%swap3A_92], %swap3A_95 {strides = array<i32>} : memref<10112xi32, #tpu.memory_space<vmem>>, vector<16xi32>,
    %rem3A_96 = arith.constant 240 : i32
    %rem3A_97 = vector.broadcast %rem3A_96 : i32 to vector<16xi32>
    %rem3A_98 = arith.remsi %add3A_88, %rem3A_97 : vector<16xi32>
    %add3A_99 = arith.constant 10000 : i32
    %add3A_100 = vector.broadcast %add3A_99 : i32 to vector<16xi32>
    %add3A_101 = arith.addi %add3A_100, %rem3A_98 : vector<16xi32>
    %swap3A_102 = arith.constant 10016 : index
    %swap3A_103 = tpu.vector_load %arg5[%swap3A_102] {strides = array<i32>} : memref<10112xi32, #tpu.memory_space<vmem>>, vector<16xi32>,
    %swap3A_104 = vector.shape_cast %swap3A_103 : vector<16xi32> to vector<16xi32>
    %swap3A_105 = vector.shape_cast %add3A_101 : vector<16xi32> to vector<16xi32>
    tpu.vector_store %arg5[%swap3A_102], %swap3A_105 {strides = array<i32>} : memref<10112xi32, #tpu.memory_space<vmem>>, vector<16xi32>,
    %add3A_106 = arith.constant 32 : i32
    %add3A_107 = arith.addi %mul3A_64, %add3A_106 : i32
    %iota3A_108 = tpu.iota {dimensions = array<i32: 0>} : vector<16xi32>
    %add3A_109 = vector.broadcast %add3A_107 : i32 to vector<16xi32>
    %add3A_110 = arith.addi %add3A_109, %iota3A_108 : vector<16xi32>
    %rem3A_111 = arith.constant 10000 : i32
    %rem3A_112 = vector.broadcast %rem3A_111 : i32 to vector<16xi32>
    %rem3A_113 = arith.remsi %add3A_110, %rem3A_112 : vector<16xi32>
    %swap3A_114 = arith.constant 10032 : index
    %swap3A_115 = tpu.vector_load %arg4[%swap3A_114] {strides = array<i32>} : memref<10112xi32, #tpu.memory_space<vmem>>, vector<16xi32>,
    %swap3A_116 = vector.shape_cast %swap3A_115 : vector<16xi32> to vector<16xi32>
    %swap3A_117 = vector.shape_cast %rem3A_113 : vector<16xi32> to vector<16xi32>
    tpu.vector_store %arg4[%swap3A_114], %swap3A_117 {strides = array<i32>} : memref<10112xi32, #tpu.memory_space<vmem>>, vector<16xi32>,
    %rem3A_118 = arith.constant 240 : i32
    %rem3A_119 = vector.broadcast %rem3A_118 : i32 to vector<16xi32>
    %rem3A_120 = arith.remsi %add3A_110, %rem3A_119 : vector<16xi32>
    %add3A_121 = arith.constant 10000 : i32
    %add3A_122 = vector.broadcast %add3A_121 : i32 to vector<16xi32>
    %add3A_123 = arith.addi %add3A_122, %rem3A_120 : vector<16xi32>
    %swap3A_124 = arith.constant 10032 : index
    %swap3A_125 = tpu.vector_load %arg5[%swap3A_124] {strides = array<i32>} : memref<10112xi32, #tpu.memory_space<vmem>>, vector<16xi32>,
    %swap3A_126 = vector.shape_cast %swap3A_125 : vector<16xi32> to vector<16xi32>
    %swap3A_127 = vector.shape_cast %add3A_123 : vector<16xi32> to vector<16xi32>
    tpu.vector_store %arg5[%swap3A_124], %swap3A_127 {strides = array<i32>} : memref<10112xi32, #tpu.memory_space<vmem>>, vector<16xi32>,
    %add3A_128 = arith.constant 48 : i32
    %add3A_129 = arith.addi %mul3A_64, %add3A_128 : i32
    %iota3A_130 = tpu.iota {dimensions = array<i32: 0>} : vector<16xi32>
    %add3A_131 = vector.broadcast %add3A_129 : i32 to vector<16xi32>
    %add3A_132 = arith.addi %add3A_131, %iota3A_130 : vector<16xi32>
    %rem3A_133 = arith.constant 10000 : i32
    %rem3A_134 = vector.broadcast %rem3A_133 : i32 to vector<16xi32>
    %rem3A_135 = arith.remsi %add3A_132, %rem3A_134 : vector<16xi32>
    %swap3A_136 = arith.constant 10048 : index
    %swap3A_137 = tpu.vector_load %arg4[%swap3A_136] {strides = array<i32>} : memref<10112xi32, #tpu.memory_space<vmem>>, vector<16xi32>,
    %swap3A_138 = vector.shape_cast %swap3A_137 : vector<16xi32> to vector<16xi32>
    %swap3A_139 = vector.shape_cast %rem3A_135 : vector<16xi32> to vector<16xi32>
    tpu.vector_store %arg4[%swap3A_136], %swap3A_139 {strides = array<i32>} : memref<10112xi32, #tpu.memory_space<vmem>>, vector<16xi32>,
    %rem3A_140 = arith.constant 240 : i32
    %rem3A_141 = vector.broadcast %rem3A_140 : i32 to vector<16xi32>
    %rem3A_142 = arith.remsi %add3A_132, %rem3A_141 : vector<16xi32>
    %add3A_143 = arith.constant 10000 : i32
    %add3A_144 = vector.broadcast %add3A_143 : i32 to vector<16xi32>
    %add3A_145 = arith.addi %add3A_144, %rem3A_142 : vector<16xi32>
    %swap3A_146 = arith.constant 10048 : index
    %swap3A_147 = tpu.vector_load %arg5[%swap3A_146] {strides = array<i32>} : memref<10112xi32, #tpu.memory_space<vmem>>, vector<16xi32>,
    %swap3A_148 = vector.shape_cast %swap3A_147 : vector<16xi32> to vector<16xi32>
    %swap3A_149 = vector.shape_cast %add3A_145 : vector<16xi32> to vector<16xi32>
    tpu.vector_store %arg5[%swap3A_146], %swap3A_149 {strides = array<i32>} : memref<10112xi32, #tpu.memory_space<vmem>>, vector<16xi32>,
    %add3A_150 = arith.constant 64 : i32
    %add3A_151 = arith.addi %mul3A_64, %add3A_150 : i32
    %iota3A_152 = tpu.iota {dimensions = array<i32: 0>} : vector<16xi32>
    %add3A_153 = vector.broadcast %add3A_151 : i32 to vector<16xi32>
    %add3A_154 = arith.addi %add3A_153, %iota3A_152 : vector<16xi32>
    %rem3A_155 = arith.constant 10000 : i32
    %rem3A_156 = vector.broadcast %rem3A_155 : i32 to vector<16xi32>
    %rem3A_157 = arith.remsi %add3A_154, %rem3A_156 : vector<16xi32>
    %swap3A_158 = arith.constant 10064 : index
    %swap3A_159 = tpu.vector_load %arg4[%swap3A_158] {strides = array<i32>} : memref<10112xi32, #tpu.memory_space<vmem>>, vector<16xi32>,
    %swap3A_160 = vector.shape_cast %swap3A_159 : vector<16xi32> to vector<16xi32>
    %swap3A_161 = vector.shape_cast %rem3A_157 : vector<16xi32> to vector<16xi32>
    tpu.vector_store %arg4[%swap3A_158], %swap3A_161 {strides = array<i32>} : memref<10112xi32, #tpu.memory_space<vmem>>, vector<16xi32>,
    %rem3A_162 = arith.constant 240 : i32
    %rem3A_163 = vector.broadcast %rem3A_162 : i32 to vector<16xi32>
    %rem3A_164 = arith.remsi %add3A_154, %rem3A_163 : vector<16xi32>
    %add3A_165 = arith.constant 10000 : i32
    %add3A_166 = vector.broadcast %add3A_165 : i32 to vector<16xi32>
    %add3A_167 = arith.addi %add3A_166, %rem3A_164 : vector<16xi32>
    %swap3A_168 = arith.constant 10064 : index
    %swap3A_169 = tpu.vector_load %arg5[%swap3A_168] {strides = array<i32>} : memref<10112xi32, #tpu.memory_space<vmem>>, vector<16xi32>,
    %swap3A_170 = vector.shape_cast %swap3A_169 : vector<16xi32> to vector<16xi32>
    %swap3A_171 = vector.shape_cast %add3A_167 : vector<16xi32> to vector<16xi32>
    tpu.vector_store %arg5[%swap3A_168], %swap3A_171 {strides = array<i32>} : memref<10112xi32, #tpu.memory_space<vmem>>, vector<16xi32>,
    %add3A_172 = arith.constant 80 : i32
    %add3A_173 = arith.addi %mul3A_64, %add3A_172 : i32
    %iota3A_174 = tpu.iota {dimensions = array<i32: 0>} : vector<16xi32>
    %add3A_175 = vector.broadcast %add3A_173 : i32 to vector<16xi32>
    %add3A_176 = arith.addi %add3A_175, %iota3A_174 : vector<16xi32>
    %rem3A_177 = arith.constant 10000 : i32
    %rem3A_178 = vector.broadcast %rem3A_177 : i32 to vector<16xi32>
    %rem3A_179 = arith.remsi %add3A_176, %rem3A_178 : vector<16xi32>
    %swap3A_180 = arith.constant 10080 : index
    %swap3A_181 = tpu.vector_load %arg4[%swap3A_180] {strides = array<i32>} : memref<10112xi32, #tpu.memory_space<vmem>>, vector<16xi32>,
    %swap3A_182 = vector.shape_cast %swap3A_181 : vector<16xi32> to vector<16xi32>
    %swap3A_183 = vector.shape_cast %rem3A_179 : vector<16xi32> to vector<16xi32>
    tpu.vector_store %arg4[%swap3A_180], %swap3A_183 {strides = array<i32>} : memref<10112xi32, #tpu.memory_space<vmem>>, vector<16xi32>,
    %rem3A_184 = arith.constant 240 : i32
    %rem3A_185 = vector.broadcast %rem3A_184 : i32 to vector<16xi32>
    %rem3A_186 = arith.remsi %add3A_176, %rem3A_185 : vector<16xi32>
    %add3A_187 = arith.constant 10000 : i32
    %add3A_188 = vector.broadcast %add3A_187 : i32 to vector<16xi32>
    %add3A_189 = arith.addi %add3A_188, %rem3A_186 : vector<16xi32>
    %swap3A_190 = arith.constant 10080 : index
    %swap3A_191 = tpu.vector_load %arg5[%swap3A_190] {strides = array<i32>} : memref<10112xi32, #tpu.memory_space<vmem>>, vector<16xi32>,
    %swap3A_192 = vector.shape_cast %swap3A_191 : vector<16xi32> to vector<16xi32>
    %swap3A_193 = vector.shape_cast %add3A_189 : vector<16xi32> to vector<16xi32>
    tpu.vector_store %arg5[%swap3A_190], %swap3A_193 {strides = array<i32>} : memref<10112xi32, #tpu.memory_space<vmem>>, vector<16xi32>,
    %add3A_194 = arith.constant 96 : i32
    %add3A_195 = arith.addi %mul3A_64, %add3A_194 : i32
    %iota3A_196 = tpu.iota {dimensions = array<i32: 0>} : vector<16xi32>
    %add3A_197 = vector.broadcast %add3A_195 : i32 to vector<16xi32>
    %add3A_198 = arith.addi %add3A_197, %iota3A_196 : vector<16xi32>
    %rem3A_199 = arith.constant 10000 : i32
    %rem3A_200 = vector.broadcast %rem3A_199 : i32 to vector<16xi32>
    %rem3A_201 = arith.remsi %add3A_198, %rem3A_200 : vector<16xi32>
    %swap3A_202 = arith.constant 10096 : index
    %swap3A_203 = tpu.vector_load %arg4[%swap3A_202] {strides = array<i32>} : memref<10112xi32, #tpu.memory_space<vmem>>, vector<16xi32>,
    %swap3A_204 = vector.shape_cast %swap3A_203 : vector<16xi32> to vector<16xi32>
    %swap3A_205 = vector.shape_cast %rem3A_201 : vector<16xi32> to vector<16xi32>
    tpu.vector_store %arg4[%swap3A_202], %swap3A_205 {strides = array<i32>} : memref<10112xi32, #tpu.memory_space<vmem>>, vector<16xi32>,
    %rem3A_206 = arith.constant 240 : i32
    %rem3A_207 = vector.broadcast %rem3A_206 : i32 to vector<16xi32>
    %rem3A_208 = arith.remsi %add3A_198, %rem3A_207 : vector<16xi32>
    %add3A_209 = arith.constant 10000 : i32
    %add3A_210 = vector.broadcast %add3A_209 : i32 to vector<16xi32>
    %add3A_211 = arith.addi %add3A_210, %rem3A_208 : vector<16xi32>
    %swap3A_212 = arith.constant 10096 : index
    %swap3A_213 = tpu.vector_load %arg5[%swap3A_212] {strides = array<i32>} : memref<10112xi32, #tpu.memory_space<vmem>>, vector<16xi32>,
    %swap3A_214 = vector.shape_cast %swap3A_213 : vector<16xi32> to vector<16xi32>
    %swap3A_215 = vector.shape_cast %add3A_211 : vector<16xi32> to vector<16xi32>
    tpu.vector_store %arg5[%swap3A_212], %swap3A_215 {strides = array<i32>} : memref<10112xi32, #tpu.memory_space<vmem>>, vector<16xi32>,
    %dma_wait3A = arith.constant 0 : i32
    %dma_wait3A_216 = arith.constant 0 : i32
    %dma_wait3A_217 = tpu.memref_slice %arg4[%dma_wait3A_216] : memref<10112xi32, #tpu.memory_space<vmem>> -> memref<9984xi32, #tpu.memory_space<vmem>>
    %dma_wait3A_218 = arith.constant 0 : i32
    %dma_wait3A_219 = tpu.memref_slice %arg2[%dma_wait3A, %dma_wait3A_218] : memref<2x320000xi32, #tpu.memory_space<hbm>> -> memref<1x9984xi32, #tpu.memory_space<hbm>>
    %dma_wait3A_220 = tpu.memref_squeeze %dma_wait3A_219 : memref<1x9984xi32, #tpu.memory_space<hbm>> -> memref<9984xi32, #tpu.memory_space<hbm>>
    %dma_wait3A_221 = arith.constant 0 : i32
    %dma_wait3A_222 = tpu.memref_slice %arg4[%dma_wait3A_221] : memref<10112xi32, #tpu.memory_space<vmem>> -> memref<9984xi32, #tpu.memory_space<vmem>>
    %dma_wait3A_223 = arith.constant 0 : i32
    %dma_wait3A_224 = tpu.memref_slice %arg2[%dma_wait3A, %dma_wait3A_223] : memref<2x320000xi32, #tpu.memory_space<hbm>> -> memref<1x9984xi32, #tpu.memory_space<hbm>>
    %dma_wait3A_225 = tpu.memref_squeeze %dma_wait3A_224 : memref<1x9984xi32, #tpu.memory_space<hbm>> -> memref<9984xi32, #tpu.memory_space<hbm>>
    tpu.wait_dma2 semaphore(%arg9 : memref<!tpu.dma_semaphore, #tpu.memory_space<semaphore_mem>>) src(%dma_wait3A_225 : memref<9984xi32, #tpu.memory_space<hbm>>) dst(%dma_wait3A_222 : memref<9984xi32, #tpu.memory_space<vmem>>)
    %dma_wait3A_226 = arith.constant 0 : i32
    %dma_wait3A_227 = arith.constant 9984 : i32
    %dma_wait3A_228 = tpu.memref_slice %arg4[%dma_wait3A_227] : memref<10112xi32, #tpu.memory_space<vmem>> -> memref<16xi32, #tpu.memory_space<vmem>>
    %dma_wait3A_229 = arith.constant 0 : i32
    %dma_wait3A_230 = tpu.memref_slice %arg2[%dma_wait3A_226, %dma_wait3A_229] : memref<2x320000xi32, #tpu.memory_space<hbm>> -> memref<1x16xi32, #tpu.memory_space<hbm>>
    %dma_wait3A_231 = tpu.memref_squeeze %dma_wait3A_230 : memref<1x16xi32, #tpu.memory_space<hbm>> -> memref<16xi32, #tpu.memory_space<hbm>>
    %dma_wait3A_232 = arith.constant 9984 : i32
    %dma_wait3A_233 = tpu.memref_slice %arg4[%dma_wait3A_232] : memref<10112xi32, #tpu.memory_space<vmem>> -> memref<16xi32, #tpu.memory_space<vmem>>
    %dma_wait3A_234 = arith.constant 0 : i32
    %dma_wait3A_235 = tpu.memref_slice %arg2[%dma_wait3A_226, %dma_wait3A_234] : memref<2x320000xi32, #tpu.memory_space<hbm>> -> memref<1x16xi32, #tpu.memory_space<hbm>>
    %dma_wait3A_236 = tpu.memref_squeeze %dma_wait3A_235 : memref<1x16xi32, #tpu.memory_space<hbm>> -> memref<16xi32, #tpu.memory_space<hbm>>
    tpu.wait_dma2 semaphore(%arg9 : memref<!tpu.dma_semaphore, #tpu.memory_space<semaphore_mem>>) src(%dma_wait3A_236 : memref<16xi32, #tpu.memory_space<hbm>>) dst(%dma_wait3A_233 : memref<16xi32, #tpu.memory_space<vmem>>)
    %dma_wait3A_237 = arith.constant 0 : i32
    %dma_wait3A_238 = arith.constant 0 : i32
    %dma_wait3A_239 = tpu.memref_slice %arg4[%dma_wait3A_238] : memref<10112xi32, #tpu.memory_space<vmem>> -> memref<9984xi32, #tpu.memory_space<vmem>>
    %dma_wait3A_240 = arith.constant 0 : i32
    %dma_wait3A_241 = tpu.memref_slice %arg2[%dma_wait3A_237, %dma_wait3A_240] : memref<2x320000xi32, #tpu.memory_space<hbm>> -> memref<1x9984xi32, #tpu.memory_space<hbm>>
    %dma_wait3A_242 = tpu.memref_squeeze %dma_wait3A_241 : memref<1x9984xi32, #tpu.memory_space<hbm>> -> memref<9984xi32, #tpu.memory_space<hbm>>
    %dma_wait3A_243 = arith.constant 0 : i32
    %dma_wait3A_244 = tpu.memref_slice %arg4[%dma_wait3A_243] : memref<10112xi32, #tpu.memory_space<vmem>> -> memref<9984xi32, #tpu.memory_space<vmem>>
    %dma_wait3A_245 = arith.constant 0 : i32
    %dma_wait3A_246 = tpu.memref_slice %arg2[%dma_wait3A_237, %dma_wait3A_245] : memref<2x320000xi32, #tpu.memory_space<hbm>> -> memref<1x9984xi32, #tpu.memory_space<hbm>>
    %dma_wait3A_247 = tpu.memref_squeeze %dma_wait3A_246 : memref<1x9984xi32, #tpu.memory_space<hbm>> -> memref<9984xi32, #tpu.memory_space<hbm>>
    tpu.wait_dma2 semaphore(%arg9 : memref<!tpu.dma_semaphore, #tpu.memory_space<semaphore_mem>>) src(%dma_wait3A_247 : memref<9984xi32, #tpu.memory_space<hbm>>) dst(%dma_wait3A_244 : memref<9984xi32, #tpu.memory_space<vmem>>)
    %dma_wait3A_248 = arith.constant 0 : i32
    %dma_wait3A_249 = arith.constant 9984 : i32
    %dma_wait3A_250 = tpu.memref_slice %arg4[%dma_wait3A_249] : memref<10112xi32, #tpu.memory_space<vmem>> -> memref<16xi32, #tpu.memory_space<vmem>>
    %dma_wait3A_251 = arith.constant 0 : i32
    %dma_wait3A_252 = tpu.memref_slice %arg2[%dma_wait3A_248, %dma_wait3A_251] : memref<2x320000xi32, #tpu.memory_space<hbm>> -> memref<1x16xi32, #tpu.memory_space<hbm>>
    %dma_wait3A_253 = tpu.memref_squeeze %dma_wait3A_252 : memref<1x16xi32, #tpu.memory_space<hbm>> -> memref<16xi32, #tpu.memory_space<hbm>>
    %dma_wait3A_254 = arith.constant 9984 : i32
    %dma_wait3A_255 = tpu.memref_slice %arg4[%dma_wait3A_254] : memref<10112xi32, #tpu.memory_space<vmem>> -> memref<16xi32, #tpu.memory_space<vmem>>
    %dma_wait3A_256 = arith.constant 0 : i32
    %dma_wait3A_257 = tpu.memref_slice %arg2[%dma_wait3A_248, %dma_wait3A_256] : memref<2x320000xi32, #tpu.memory_space<hbm>> -> memref<1x16xi32, #tpu.memory_space<hbm>>
    %dma_wait3A_258 = tpu.memref_squeeze %dma_wait3A_257 : memref<1x16xi32, #tpu.memory_space<hbm>> -> memref<16xi32, #tpu.memory_space<hbm>>
    tpu.wait_dma2 semaphore(%arg9 : memref<!tpu.dma_semaphore, #tpu.memory_space<semaphore_mem>>) src(%dma_wait3A_258 : memref<16xi32, #tpu.memory_space<hbm>>) dst(%dma_wait3A_255 : memref<16xi32, #tpu.memory_space<vmem>>)
    %barrier3A = arith.constant 0 : index
    tpu.barrier barrier_id(%barrier3A)
    %scan3A_259 = arith.constant 0 : i32
    %scan3A_260 = arith.constant 0 : i32
    %scan3A_261 = arith.constant 79 : i32
    %scan3A_262 = arith.addi %scan3A_260, %scan3A_261 : i32
    %scan3A_263 = arith.constant 1 : i32
    %scan3A_264 = scf.for %scan3A_281 = %scan3A_260 to %scan3A_262 step %scan3A_263 iter_args(%scan3A_282 = %scan3A_259) -> (i32)  : i32 {
      %mul3A_283 = arith.constant 128 : i32
      %mul3A_284 = arith.muli %scan3A_281, %mul3A_283 : i32
      %dma_start3A_285 = tpu.memref_slice %arg5[%mul3A_284] : memref<10112xi32, #tpu.memory_space<vmem>> -> memref<128xi32, #tpu.memory_space<vmem>>
      %dma_start3A_286 = arith.constant 0 : i32
      %dma_start3A_287 = tpu.memref_slice %arg8[%dma_start3A_286] : memref<10240xf32, #tpu.memory_space<vmem_shared>> -> memref<10240xf32, #tpu.memory_space<vmem_shared>>
      tpu.enqueue_indirect_dma source(%arg6 : memref<128xf32, #tpu.memory_space<vmem>>) target(%dma_start3A_287 : memref<10240xf32, #tpu.memory_space<vmem_shared>>) offsets(%dma_start3A_285 : memref<128xi32, #tpu.memory_space<vmem>>) semaphore(%arg10 : memref<!tpu.dma_semaphore, #tpu.memory_space<semaphore_mem>>) {add = true}
      %scan3A_288 = arith.constant 0 : i32
      scf.yield %scan3A_288 : i32
    }
    %scan3A_265 = arith.constant 79 : i32
    %scan3A_266 = arith.constant 0 : i32
    %scan3A_267 = arith.constant 0 : i32
    %scan3A_268 = arith.constant 79 : i32
    %scan3A_269 = arith.addi %scan3A_267, %scan3A_268 : i32
    %scan3A_270 = arith.constant 1 : i32
    %scan3A_271 = scf.for %scan3A_281 = %scan3A_267 to %scan3A_269 step %scan3A_270 iter_args(%scan3A_282 = %scan3A_266) -> (i32)  : i32 {
      %dma_wait3A_283 = arith.constant 0 : i32
      %dma_wait3A_284 = tpu.memref_slice %arg5[%dma_wait3A_283] : memref<10112xi32, #tpu.memory_space<vmem>> -> memref<128xi32, #tpu.memory_space<vmem>>
      %dma_wait3A_285 = arith.constant 0 : i32
      %dma_wait3A_286 = tpu.memref_slice %arg8[%dma_wait3A_285] : memref<10240xf32, #tpu.memory_space<vmem_shared>> -> memref<10240xf32, #tpu.memory_space<vmem_shared>>
      tpu.wait_indirect_dma semaphore(%arg10 : memref<!tpu.dma_semaphore, #tpu.memory_space<semaphore_mem>>) src(%arg6 : memref<128xf32, #tpu.memory_space<vmem>>) dst(%dma_wait3A_286 : memref<10240xf32, #tpu.memory_space<vmem_shared>>)
      %scan3A_287 = arith.constant 0 : i32
      scf.yield %scan3A_287 : i32
    }
    %scan3A_272 = arith.constant 79 : i32
    %barrier3A_273 = arith.constant 0 : index
    tpu.barrier barrier_id(%barrier3A_273)
    %mul3A_274 = arith.constant 640 : i32
    %mul3A_275 = arith.muli %arg1, %mul3A_274 : i32
    %mul3A_276 = arith.constant 10240 : i32
    %mul3A_277 = arith.muli %arg0, %mul3A_276 : i32
    %mul3A_278 = arith.constant 640 : i32
    %mul3A_279 = arith.muli %arg1, %mul3A_278 : i32
    %add3A_280 = arith.addi %mul3A_277, %mul3A_279 : i32
    "tpu.region"() ({
      %run_scoped3A = tpu.sem_alloc : memref<!tpu.dma_semaphore, #tpu.memory_space<semaphore_mem>>
      %dma_start3A_281 = tpu.memref_slice %arg3[%add3A_280] : memref<20480xf32, #tpu.memory_space<hbm>> -> memref<640xf32, #tpu.memory_space<hbm>>
      %dma_start3A_282 = tpu.memref_slice %arg8[%mul3A_275] : memref<10240xf32, #tpu.memory_space<vmem_shared>> -> memref<640xf32, #tpu.memory_space<vmem_shared>>
      tpu.enqueue_dma source(%dma_start3A_282 : memref<640xf32, #tpu.memory_space<vmem_shared>>) target(%dma_start3A_281 : memref<640xf32, #tpu.memory_space<hbm>>) target_semaphore(%run_scoped3A : memref<!tpu.dma_semaphore, #tpu.memory_space<semaphore_mem>>)
      %dma_wait3A_283 = tpu.memref_slice %arg3[%add3A_280] : memref<20480xf32, #tpu.memory_space<hbm>> -> memref<640xf32, #tpu.memory_space<hbm>>
      %dma_wait3A_284 = tpu.memref_slice %arg8[%mul3A_275] : memref<10240xf32, #tpu.memory_space<vmem_shared>> -> memref<640xf32, #tpu.memory_space<vmem_shared>>
      tpu.wait_dma2 semaphore(%run_scoped3A : memref<!tpu.dma_semaphore, #tpu.memory_space<semaphore_mem>>) src(%dma_wait3A_284 : memref<640xf32, #tpu.memory_space<vmem_shared>>) dst(%dma_wait3A_283 : memref<640xf32, #tpu.memory_space<hbm>>)
      tpu.yield
    }) : () -> ()
    return
  }
}

#map = affine_map<(d0, d1) -> (0, 0)>
#map1 = affine_map<(d0, d1) -> (0, 0, 0)>
module attributes {stable_mosaic.version = 14 : i64} {
  func.func @agg(%arg0: i32, %arg1: i32, %arg2: memref<10000x128xf32, #tpu.memory_space<hbm>>, %arg3: memref<2x320000xi32, #tpu.memory_space<hbm>>, %arg4: memref<10240x16xf32, #tpu.memory_space<hbm>>, %arg5: memref<2x10240x128xf32, #tpu.memory_space<hbm>>, %arg6: memref<10112xi32, #tpu.memory_space<vmem>>, %arg7: memref<10112xi32, #tpu.memory_space<vmem>>, %arg8: memref<8x128x16xf32, #tpu.memory_space<vmem>>, %arg9: memref<10240x16xf32, #tpu.memory_space<vmem_shared>>, %arg10: memref<10000x16xf32, #tpu.memory_space<vmem_shared>>, %arg11: memref<!tpu.dma_semaphore, #tpu.memory_space<semaphore_mem>>, %arg12: memref<!tpu.dma_semaphore, #tpu.memory_space<semaphore_mem>>, %arg13: memref<!tpu.dma_semaphore, #tpu.memory_space<semaphore_mem>>) attributes {dimension_semantics = [#tpu.dimension_semantics<core_parallel>, #tpu.dimension_semantics<subcore_parallel>], iteration_bounds = array<i64: 2, 16>, scalar_prefetch = 0 : i64, scratch_operands = 8 : i64, tpu.core_type = #tpu.core_type<sc_vector_subcore>, window_params = [{transform_indices = #map}, {transform_indices = #map}, {transform_indices = #map}, {transform_indices = #map1}]} {
    %mul3A = arith.constant 16 : i32
    %mul3A_0 = arith.muli %arg0, %mul3A : i32
    %add3A = arith.addi %mul3A_0, %arg1 : i32
    %mul3A_1 = arith.constant 640 : i32
    %mul3A_2 = arith.muli %arg1, %mul3A_1 : i32
    %mul3A_3 = arith.constant 640 : i32
    %mul3A_4 = arith.muli %arg1, %mul3A_3 : i32
    "tpu.region"() ({
      %run_scoped3A = tpu.sem_alloc : memref<!tpu.dma_semaphore, #tpu.memory_space<semaphore_mem>>
      %dma_start3A_310 = arith.constant 0 : i32
      %dma_start3A_311 = tpu.memref_slice %arg9[%mul3A_4, %dma_start3A_310] : memref<10240x16xf32, #tpu.memory_space<vmem_shared>> -> memref<640x16xf32, #tpu.memory_space<vmem_shared>>
      %dma_start3A_312 = arith.constant 0 : i32
      %dma_start3A_313 = tpu.memref_slice %arg4[%mul3A_2, %dma_start3A_312] : memref<10240x16xf32, #tpu.memory_space<hbm>> -> memref<640x16xf32, #tpu.memory_space<hbm>>
      tpu.enqueue_dma source(%dma_start3A_313 : memref<640x16xf32, #tpu.memory_space<hbm>>) target(%dma_start3A_311 : memref<640x16xf32, #tpu.memory_space<vmem_shared>>) target_semaphore(%run_scoped3A : memref<!tpu.dma_semaphore, #tpu.memory_space<semaphore_mem>>)
      %dma_wait3A_314 = arith.constant 0 : i32
      %dma_wait3A_315 = tpu.memref_slice %arg9[%mul3A_4, %dma_wait3A_314] : memref<10240x16xf32, #tpu.memory_space<vmem_shared>> -> memref<640x16xf32, #tpu.memory_space<vmem_shared>>
      %dma_wait3A_316 = arith.constant 0 : i32
      %dma_wait3A_317 = tpu.memref_slice %arg4[%mul3A_2, %dma_wait3A_316] : memref<10240x16xf32, #tpu.memory_space<hbm>> -> memref<640x16xf32, #tpu.memory_space<hbm>>
      tpu.wait_dma2 semaphore(%run_scoped3A : memref<!tpu.dma_semaphore, #tpu.memory_space<semaphore_mem>>) src(%dma_wait3A_317 : memref<640x16xf32, #tpu.memory_space<hbm>>) dst(%dma_wait3A_315 : memref<640x16xf32, #tpu.memory_space<vmem_shared>>)
      tpu.yield
    }) : () -> ()
    %mul3A_5 = arith.constant 625 : i32
    %mul3A_6 = arith.muli %arg1, %mul3A_5 : i32
    %mul3A_7 = arith.constant 625 : i32
    %mul3A_8 = arith.muli %arg1, %mul3A_7 : i32
    "tpu.region"() ({
      %run_scoped3A = tpu.sem_alloc : memref<!tpu.dma_semaphore, #tpu.memory_space<semaphore_mem>>
      %dma_start3A_310 = arith.constant 0 : i32
      %dma_start3A_311 = tpu.memref_slice %arg10[%mul3A_8, %dma_start3A_310] : memref<10000x16xf32, #tpu.memory_space<vmem_shared>> -> memref<625x16xf32, #tpu.memory_space<vmem_shared>>
      %dma_start3A_312 = arith.constant 0 : i32
      %dma_start3A_313 = tpu.memref_slice %arg2[%mul3A_6, %dma_start3A_312] : memref<10000x128xf32, #tpu.memory_space<hbm>> -> memref<625x16xf32, #tpu.memory_space<hbm>>
      tpu.enqueue_dma source(%dma_start3A_313 : memref<625x16xf32, #tpu.memory_space<hbm>>) target(%dma_start3A_311 : memref<625x16xf32, #tpu.memory_space<vmem_shared>>) target_semaphore(%run_scoped3A : memref<!tpu.dma_semaphore, #tpu.memory_space<semaphore_mem>>)
      %dma_wait3A_314 = arith.constant 0 : i32
      %dma_wait3A_315 = tpu.memref_slice %arg10[%mul3A_8, %dma_wait3A_314] : memref<10000x16xf32, #tpu.memory_space<vmem_shared>> -> memref<625x16xf32, #tpu.memory_space<vmem_shared>>
      %dma_wait3A_316 = arith.constant 0 : i32
      %dma_wait3A_317 = tpu.memref_slice %arg2[%mul3A_6, %dma_wait3A_316] : memref<10000x128xf32, #tpu.memory_space<hbm>> -> memref<625x16xf32, #tpu.memory_space<hbm>>
      tpu.wait_dma2 semaphore(%run_scoped3A : memref<!tpu.dma_semaphore, #tpu.memory_space<semaphore_mem>>) src(%dma_wait3A_317 : memref<625x16xf32, #tpu.memory_space<hbm>>) dst(%dma_wait3A_315 : memref<625x16xf32, #tpu.memory_space<vmem_shared>>)
      tpu.yield
    }) : () -> ()
    %mul3A_9 = arith.constant 9984 : i32
    %mul3A_10 = arith.muli %add3A, %mul3A_9 : i32
    %dma_start3A = arith.constant 0 : i32
    %dma_start3A_11 = arith.constant 0 : i32
    %dma_start3A_12 = tpu.memref_slice %arg6[%dma_start3A_11] : memref<10112xi32, #tpu.memory_space<vmem>> -> memref<9984xi32, #tpu.memory_space<vmem>>
    %dma_start3A_13 = tpu.memref_slice %arg3[%dma_start3A, %mul3A_10] : memref<2x320000xi32, #tpu.memory_space<hbm>> -> memref<1x9984xi32, #tpu.memory_space<hbm>>
    %dma_start3A_14 = tpu.memref_squeeze %dma_start3A_13 : memref<1x9984xi32, #tpu.memory_space<hbm>> -> memref<9984xi32, #tpu.memory_space<hbm>>
    %dma_start3A_15 = arith.constant 0 : i32
    %dma_start3A_16 = tpu.memref_slice %arg6[%dma_start3A_15] : memref<10112xi32, #tpu.memory_space<vmem>> -> memref<9984xi32, #tpu.memory_space<vmem>>
    %dma_start3A_17 = tpu.memref_slice %arg3[%dma_start3A, %mul3A_10] : memref<2x320000xi32, #tpu.memory_space<hbm>> -> memref<1x9984xi32, #tpu.memory_space<hbm>>
    %dma_start3A_18 = tpu.memref_squeeze %dma_start3A_17 : memref<1x9984xi32, #tpu.memory_space<hbm>> -> memref<9984xi32, #tpu.memory_space<hbm>>
    tpu.enqueue_dma source(%dma_start3A_18 : memref<9984xi32, #tpu.memory_space<hbm>>) target(%dma_start3A_16 : memref<9984xi32, #tpu.memory_space<vmem>>) target_semaphore(%arg11 : memref<!tpu.dma_semaphore, #tpu.memory_space<semaphore_mem>>)
    %mul3A_19 = arith.constant 16 : i32
    %mul3A_20 = arith.muli %add3A, %mul3A_19 : i32
    %add3A_21 = arith.constant 319488 : i32
    %add3A_22 = arith.addi %add3A_21, %mul3A_20 : i32
    %dma_start3A_23 = arith.constant 0 : i32
    %dma_start3A_24 = arith.constant 9984 : i32
    %dma_start3A_25 = tpu.memref_slice %arg6[%dma_start3A_24] : memref<10112xi32, #tpu.memory_space<vmem>> -> memref<16xi32, #tpu.memory_space<vmem>>
    %dma_start3A_26 = tpu.memref_slice %arg3[%dma_start3A_23, %add3A_22] : memref<2x320000xi32, #tpu.memory_space<hbm>> -> memref<1x16xi32, #tpu.memory_space<hbm>>
    %dma_start3A_27 = tpu.memref_squeeze %dma_start3A_26 : memref<1x16xi32, #tpu.memory_space<hbm>> -> memref<16xi32, #tpu.memory_space<hbm>>
    %dma_start3A_28 = arith.constant 9984 : i32
    %dma_start3A_29 = tpu.memref_slice %arg6[%dma_start3A_28] : memref<10112xi32, #tpu.memory_space<vmem>> -> memref<16xi32, #tpu.memory_space<vmem>>
    %dma_start3A_30 = tpu.memref_slice %arg3[%dma_start3A_23, %add3A_22] : memref<2x320000xi32, #tpu.memory_space<hbm>> -> memref<1x16xi32, #tpu.memory_space<hbm>>
    %dma_start3A_31 = tpu.memref_squeeze %dma_start3A_30 : memref<1x16xi32, #tpu.memory_space<hbm>> -> memref<16xi32, #tpu.memory_space<hbm>>
    tpu.enqueue_dma source(%dma_start3A_31 : memref<16xi32, #tpu.memory_space<hbm>>) target(%dma_start3A_29 : memref<16xi32, #tpu.memory_space<vmem>>) target_semaphore(%arg11 : memref<!tpu.dma_semaphore, #tpu.memory_space<semaphore_mem>>)
    %mul3A_32 = arith.constant 9984 : i32
    %mul3A_33 = arith.muli %add3A, %mul3A_32 : i32
    %dma_start3A_34 = arith.constant 1 : i32
    %dma_start3A_35 = arith.constant 0 : i32
    %dma_start3A_36 = tpu.memref_slice %arg7[%dma_start3A_35] : memref<10112xi32, #tpu.memory_space<vmem>> -> memref<9984xi32, #tpu.memory_space<vmem>>
    %dma_start3A_37 = tpu.memref_slice %arg3[%dma_start3A_34, %mul3A_33] : memref<2x320000xi32, #tpu.memory_space<hbm>> -> memref<1x9984xi32, #tpu.memory_space<hbm>>
    %dma_start3A_38 = tpu.memref_squeeze %dma_start3A_37 : memref<1x9984xi32, #tpu.memory_space<hbm>> -> memref<9984xi32, #tpu.memory_space<hbm>>
    %dma_start3A_39 = arith.constant 0 : i32
    %dma_start3A_40 = tpu.memref_slice %arg7[%dma_start3A_39] : memref<10112xi32, #tpu.memory_space<vmem>> -> memref<9984xi32, #tpu.memory_space<vmem>>
    %dma_start3A_41 = tpu.memref_slice %arg3[%dma_start3A_34, %mul3A_33] : memref<2x320000xi32, #tpu.memory_space<hbm>> -> memref<1x9984xi32, #tpu.memory_space<hbm>>
    %dma_start3A_42 = tpu.memref_squeeze %dma_start3A_41 : memref<1x9984xi32, #tpu.memory_space<hbm>> -> memref<9984xi32, #tpu.memory_space<hbm>>
    tpu.enqueue_dma source(%dma_start3A_42 : memref<9984xi32, #tpu.memory_space<hbm>>) target(%dma_start3A_40 : memref<9984xi32, #tpu.memory_space<vmem>>) target_semaphore(%arg11 : memref<!tpu.dma_semaphore, #tpu.memory_space<semaphore_mem>>)
    %mul3A_43 = arith.constant 16 : i32
    %mul3A_44 = arith.muli %add3A, %mul3A_43 : i32
    %add3A_45 = arith.constant 319488 : i32
    %add3A_46 = arith.addi %add3A_45, %mul3A_44 : i32
    %dma_start3A_47 = arith.constant 1 : i32
    %dma_start3A_48 = arith.constant 9984 : i32
    %dma_start3A_49 = tpu.memref_slice %arg7[%dma_start3A_48] : memref<10112xi32, #tpu.memory_space<vmem>> -> memref<16xi32, #tpu.memory_space<vmem>>
    %dma_start3A_50 = tpu.memref_slice %arg3[%dma_start3A_47, %add3A_46] : memref<2x320000xi32, #tpu.memory_space<hbm>> -> memref<1x16xi32, #tpu.memory_space<hbm>>
    %dma_start3A_51 = tpu.memref_squeeze %dma_start3A_50 : memref<1x16xi32, #tpu.memory_space<hbm>> -> memref<16xi32, #tpu.memory_space<hbm>>
    %dma_start3A_52 = arith.constant 9984 : i32
    %dma_start3A_53 = tpu.memref_slice %arg7[%dma_start3A_52] : memref<10112xi32, #tpu.memory_space<vmem>> -> memref<16xi32, #tpu.memory_space<vmem>>
    %dma_start3A_54 = tpu.memref_slice %arg3[%dma_start3A_47, %add3A_46] : memref<2x320000xi32, #tpu.memory_space<hbm>> -> memref<1x16xi32, #tpu.memory_space<hbm>>
    %dma_start3A_55 = tpu.memref_squeeze %dma_start3A_54 : memref<1x16xi32, #tpu.memory_space<hbm>> -> memref<16xi32, #tpu.memory_space<hbm>>
    tpu.enqueue_dma source(%dma_start3A_55 : memref<16xi32, #tpu.memory_space<hbm>>) target(%dma_start3A_53 : memref<16xi32, #tpu.memory_space<vmem>>) target_semaphore(%arg11 : memref<!tpu.dma_semaphore, #tpu.memory_space<semaphore_mem>>)
    %mul3A_56 = arith.constant 112 : i32
    %mul3A_57 = arith.muli %add3A, %mul3A_56 : i32
    %add3A_58 = arith.constant 0 : i32
    %add3A_59 = arith.addi %mul3A_57, %add3A_58 : i32
    %iota3A = tpu.iota {dimensions = array<i32: 0>} : vector<16xi32>
    %add3A_60 = vector.broadcast %add3A_59 : i32 to vector<16xi32>
    %add3A_61 = arith.addi %add3A_60, %iota3A : vector<16xi32>
    %rem3A = arith.constant 10000 : i32
    %rem3A_62 = vector.broadcast %rem3A : i32 to vector<16xi32>
    %rem3A_63 = arith.remsi %add3A_61, %rem3A_62 : vector<16xi32>
    %swap3A = arith.constant 10000 : index
    %swap3A_64 = tpu.vector_load %arg6[%swap3A] {strides = array<i32>} : memref<10112xi32, #tpu.memory_space<vmem>>, vector<16xi32>,
    %swap3A_65 = vector.shape_cast %swap3A_64 : vector<16xi32> to vector<16xi32>
    %swap3A_66 = vector.shape_cast %rem3A_63 : vector<16xi32> to vector<16xi32>
    tpu.vector_store %arg6[%swap3A], %swap3A_66 {strides = array<i32>} : memref<10112xi32, #tpu.memory_space<vmem>>, vector<16xi32>,
    %rem3A_67 = arith.constant 240 : i32
    %rem3A_68 = vector.broadcast %rem3A_67 : i32 to vector<16xi32>
    %rem3A_69 = arith.remsi %add3A_61, %rem3A_68 : vector<16xi32>
    %add3A_70 = arith.constant 10000 : i32
    %add3A_71 = vector.broadcast %add3A_70 : i32 to vector<16xi32>
    %add3A_72 = arith.addi %add3A_71, %rem3A_69 : vector<16xi32>
    %swap3A_73 = arith.constant 10000 : index
    %swap3A_74 = tpu.vector_load %arg7[%swap3A_73] {strides = array<i32>} : memref<10112xi32, #tpu.memory_space<vmem>>, vector<16xi32>,
    %swap3A_75 = vector.shape_cast %swap3A_74 : vector<16xi32> to vector<16xi32>
    %swap3A_76 = vector.shape_cast %add3A_72 : vector<16xi32> to vector<16xi32>
    tpu.vector_store %arg7[%swap3A_73], %swap3A_76 {strides = array<i32>} : memref<10112xi32, #tpu.memory_space<vmem>>, vector<16xi32>,
    %add3A_77 = arith.constant 16 : i32
    %add3A_78 = arith.addi %mul3A_57, %add3A_77 : i32
    %iota3A_79 = tpu.iota {dimensions = array<i32: 0>} : vector<16xi32>
    %add3A_80 = vector.broadcast %add3A_78 : i32 to vector<16xi32>
    %add3A_81 = arith.addi %add3A_80, %iota3A_79 : vector<16xi32>
    %rem3A_82 = arith.constant 10000 : i32
    %rem3A_83 = vector.broadcast %rem3A_82 : i32 to vector<16xi32>
    %rem3A_84 = arith.remsi %add3A_81, %rem3A_83 : vector<16xi32>
    %swap3A_85 = arith.constant 10016 : index
    %swap3A_86 = tpu.vector_load %arg6[%swap3A_85] {strides = array<i32>} : memref<10112xi32, #tpu.memory_space<vmem>>, vector<16xi32>,
    %swap3A_87 = vector.shape_cast %swap3A_86 : vector<16xi32> to vector<16xi32>
    %swap3A_88 = vector.shape_cast %rem3A_84 : vector<16xi32> to vector<16xi32>
    tpu.vector_store %arg6[%swap3A_85], %swap3A_88 {strides = array<i32>} : memref<10112xi32, #tpu.memory_space<vmem>>, vector<16xi32>,
    %rem3A_89 = arith.constant 240 : i32
    %rem3A_90 = vector.broadcast %rem3A_89 : i32 to vector<16xi32>
    %rem3A_91 = arith.remsi %add3A_81, %rem3A_90 : vector<16xi32>
    %add3A_92 = arith.constant 10000 : i32
    %add3A_93 = vector.broadcast %add3A_92 : i32 to vector<16xi32>
    %add3A_94 = arith.addi %add3A_93, %rem3A_91 : vector<16xi32>
    %swap3A_95 = arith.constant 10016 : index
    %swap3A_96 = tpu.vector_load %arg7[%swap3A_95] {strides = array<i32>} : memref<10112xi32, #tpu.memory_space<vmem>>, vector<16xi32>,
    %swap3A_97 = vector.shape_cast %swap3A_96 : vector<16xi32> to vector<16xi32>
    %swap3A_98 = vector.shape_cast %add3A_94 : vector<16xi32> to vector<16xi32>
    tpu.vector_store %arg7[%swap3A_95], %swap3A_98 {strides = array<i32>} : memref<10112xi32, #tpu.memory_space<vmem>>, vector<16xi32>,
    %add3A_99 = arith.constant 32 : i32
    %add3A_100 = arith.addi %mul3A_57, %add3A_99 : i32
    %iota3A_101 = tpu.iota {dimensions = array<i32: 0>} : vector<16xi32>
    %add3A_102 = vector.broadcast %add3A_100 : i32 to vector<16xi32>
    %add3A_103 = arith.addi %add3A_102, %iota3A_101 : vector<16xi32>
    %rem3A_104 = arith.constant 10000 : i32
    %rem3A_105 = vector.broadcast %rem3A_104 : i32 to vector<16xi32>
    %rem3A_106 = arith.remsi %add3A_103, %rem3A_105 : vector<16xi32>
    %swap3A_107 = arith.constant 10032 : index
    %swap3A_108 = tpu.vector_load %arg6[%swap3A_107] {strides = array<i32>} : memref<10112xi32, #tpu.memory_space<vmem>>, vector<16xi32>,
    %swap3A_109 = vector.shape_cast %swap3A_108 : vector<16xi32> to vector<16xi32>
    %swap3A_110 = vector.shape_cast %rem3A_106 : vector<16xi32> to vector<16xi32>
    tpu.vector_store %arg6[%swap3A_107], %swap3A_110 {strides = array<i32>} : memref<10112xi32, #tpu.memory_space<vmem>>, vector<16xi32>,
    %rem3A_111 = arith.constant 240 : i32
    %rem3A_112 = vector.broadcast %rem3A_111 : i32 to vector<16xi32>
    %rem3A_113 = arith.remsi %add3A_103, %rem3A_112 : vector<16xi32>
    %add3A_114 = arith.constant 10000 : i32
    %add3A_115 = vector.broadcast %add3A_114 : i32 to vector<16xi32>
    %add3A_116 = arith.addi %add3A_115, %rem3A_113 : vector<16xi32>
    %swap3A_117 = arith.constant 10032 : index
    %swap3A_118 = tpu.vector_load %arg7[%swap3A_117] {strides = array<i32>} : memref<10112xi32, #tpu.memory_space<vmem>>, vector<16xi32>,
    %swap3A_119 = vector.shape_cast %swap3A_118 : vector<16xi32> to vector<16xi32>
    %swap3A_120 = vector.shape_cast %add3A_116 : vector<16xi32> to vector<16xi32>
    tpu.vector_store %arg7[%swap3A_117], %swap3A_120 {strides = array<i32>} : memref<10112xi32, #tpu.memory_space<vmem>>, vector<16xi32>,
    %add3A_121 = arith.constant 48 : i32
    %add3A_122 = arith.addi %mul3A_57, %add3A_121 : i32
    %iota3A_123 = tpu.iota {dimensions = array<i32: 0>} : vector<16xi32>
    %add3A_124 = vector.broadcast %add3A_122 : i32 to vector<16xi32>
    %add3A_125 = arith.addi %add3A_124, %iota3A_123 : vector<16xi32>
    %rem3A_126 = arith.constant 10000 : i32
    %rem3A_127 = vector.broadcast %rem3A_126 : i32 to vector<16xi32>
    %rem3A_128 = arith.remsi %add3A_125, %rem3A_127 : vector<16xi32>
    %swap3A_129 = arith.constant 10048 : index
    %swap3A_130 = tpu.vector_load %arg6[%swap3A_129] {strides = array<i32>} : memref<10112xi32, #tpu.memory_space<vmem>>, vector<16xi32>,
    %swap3A_131 = vector.shape_cast %swap3A_130 : vector<16xi32> to vector<16xi32>
    %swap3A_132 = vector.shape_cast %rem3A_128 : vector<16xi32> to vector<16xi32>
    tpu.vector_store %arg6[%swap3A_129], %swap3A_132 {strides = array<i32>} : memref<10112xi32, #tpu.memory_space<vmem>>, vector<16xi32>,
    %rem3A_133 = arith.constant 240 : i32
    %rem3A_134 = vector.broadcast %rem3A_133 : i32 to vector<16xi32>
    %rem3A_135 = arith.remsi %add3A_125, %rem3A_134 : vector<16xi32>
    %add3A_136 = arith.constant 10000 : i32
    %add3A_137 = vector.broadcast %add3A_136 : i32 to vector<16xi32>
    %add3A_138 = arith.addi %add3A_137, %rem3A_135 : vector<16xi32>
    %swap3A_139 = arith.constant 10048 : index
    %swap3A_140 = tpu.vector_load %arg7[%swap3A_139] {strides = array<i32>} : memref<10112xi32, #tpu.memory_space<vmem>>, vector<16xi32>,
    %swap3A_141 = vector.shape_cast %swap3A_140 : vector<16xi32> to vector<16xi32>
    %swap3A_142 = vector.shape_cast %add3A_138 : vector<16xi32> to vector<16xi32>
    tpu.vector_store %arg7[%swap3A_139], %swap3A_142 {strides = array<i32>} : memref<10112xi32, #tpu.memory_space<vmem>>, vector<16xi32>,
    %add3A_143 = arith.constant 64 : i32
    %add3A_144 = arith.addi %mul3A_57, %add3A_143 : i32
    %iota3A_145 = tpu.iota {dimensions = array<i32: 0>} : vector<16xi32>
    %add3A_146 = vector.broadcast %add3A_144 : i32 to vector<16xi32>
    %add3A_147 = arith.addi %add3A_146, %iota3A_145 : vector<16xi32>
    %rem3A_148 = arith.constant 10000 : i32
    %rem3A_149 = vector.broadcast %rem3A_148 : i32 to vector<16xi32>
    %rem3A_150 = arith.remsi %add3A_147, %rem3A_149 : vector<16xi32>
    %swap3A_151 = arith.constant 10064 : index
    %swap3A_152 = tpu.vector_load %arg6[%swap3A_151] {strides = array<i32>} : memref<10112xi32, #tpu.memory_space<vmem>>, vector<16xi32>,
    %swap3A_153 = vector.shape_cast %swap3A_152 : vector<16xi32> to vector<16xi32>
    %swap3A_154 = vector.shape_cast %rem3A_150 : vector<16xi32> to vector<16xi32>
    tpu.vector_store %arg6[%swap3A_151], %swap3A_154 {strides = array<i32>} : memref<10112xi32, #tpu.memory_space<vmem>>, vector<16xi32>,
    %rem3A_155 = arith.constant 240 : i32
    %rem3A_156 = vector.broadcast %rem3A_155 : i32 to vector<16xi32>
    %rem3A_157 = arith.remsi %add3A_147, %rem3A_156 : vector<16xi32>
    %add3A_158 = arith.constant 10000 : i32
    %add3A_159 = vector.broadcast %add3A_158 : i32 to vector<16xi32>
    %add3A_160 = arith.addi %add3A_159, %rem3A_157 : vector<16xi32>
    %swap3A_161 = arith.constant 10064 : index
    %swap3A_162 = tpu.vector_load %arg7[%swap3A_161] {strides = array<i32>} : memref<10112xi32, #tpu.memory_space<vmem>>, vector<16xi32>,
    %swap3A_163 = vector.shape_cast %swap3A_162 : vector<16xi32> to vector<16xi32>
    %swap3A_164 = vector.shape_cast %add3A_160 : vector<16xi32> to vector<16xi32>
    tpu.vector_store %arg7[%swap3A_161], %swap3A_164 {strides = array<i32>} : memref<10112xi32, #tpu.memory_space<vmem>>, vector<16xi32>,
    %add3A_165 = arith.constant 80 : i32
    %add3A_166 = arith.addi %mul3A_57, %add3A_165 : i32
    %iota3A_167 = tpu.iota {dimensions = array<i32: 0>} : vector<16xi32>
    %add3A_168 = vector.broadcast %add3A_166 : i32 to vector<16xi32>
    %add3A_169 = arith.addi %add3A_168, %iota3A_167 : vector<16xi32>
    %rem3A_170 = arith.constant 10000 : i32
    %rem3A_171 = vector.broadcast %rem3A_170 : i32 to vector<16xi32>
    %rem3A_172 = arith.remsi %add3A_169, %rem3A_171 : vector<16xi32>
    %swap3A_173 = arith.constant 10080 : index
    %swap3A_174 = tpu.vector_load %arg6[%swap3A_173] {strides = array<i32>} : memref<10112xi32, #tpu.memory_space<vmem>>, vector<16xi32>,
    %swap3A_175 = vector.shape_cast %swap3A_174 : vector<16xi32> to vector<16xi32>
    %swap3A_176 = vector.shape_cast %rem3A_172 : vector<16xi32> to vector<16xi32>
    tpu.vector_store %arg6[%swap3A_173], %swap3A_176 {strides = array<i32>} : memref<10112xi32, #tpu.memory_space<vmem>>, vector<16xi32>,
    %rem3A_177 = arith.constant 240 : i32
    %rem3A_178 = vector.broadcast %rem3A_177 : i32 to vector<16xi32>
    %rem3A_179 = arith.remsi %add3A_169, %rem3A_178 : vector<16xi32>
    %add3A_180 = arith.constant 10000 : i32
    %add3A_181 = vector.broadcast %add3A_180 : i32 to vector<16xi32>
    %add3A_182 = arith.addi %add3A_181, %rem3A_179 : vector<16xi32>
    %swap3A_183 = arith.constant 10080 : index
    %swap3A_184 = tpu.vector_load %arg7[%swap3A_183] {strides = array<i32>} : memref<10112xi32, #tpu.memory_space<vmem>>, vector<16xi32>,
    %swap3A_185 = vector.shape_cast %swap3A_184 : vector<16xi32> to vector<16xi32>
    %swap3A_186 = vector.shape_cast %add3A_182 : vector<16xi32> to vector<16xi32>
    tpu.vector_store %arg7[%swap3A_183], %swap3A_186 {strides = array<i32>} : memref<10112xi32, #tpu.memory_space<vmem>>, vector<16xi32>,
    %add3A_187 = arith.constant 96 : i32
    %add3A_188 = arith.addi %mul3A_57, %add3A_187 : i32
    %iota3A_189 = tpu.iota {dimensions = array<i32: 0>} : vector<16xi32>
    %add3A_190 = vector.broadcast %add3A_188 : i32 to vector<16xi32>
    %add3A_191 = arith.addi %add3A_190, %iota3A_189 : vector<16xi32>
    %rem3A_192 = arith.constant 10000 : i32
    %rem3A_193 = vector.broadcast %rem3A_192 : i32 to vector<16xi32>
    %rem3A_194 = arith.remsi %add3A_191, %rem3A_193 : vector<16xi32>
    %swap3A_195 = arith.constant 10096 : index
    %swap3A_196 = tpu.vector_load %arg6[%swap3A_195] {strides = array<i32>} : memref<10112xi32, #tpu.memory_space<vmem>>, vector<16xi32>,
    %swap3A_197 = vector.shape_cast %swap3A_196 : vector<16xi32> to vector<16xi32>
    %swap3A_198 = vector.shape_cast %rem3A_194 : vector<16xi32> to vector<16xi32>
    tpu.vector_store %arg6[%swap3A_195], %swap3A_198 {strides = array<i32>} : memref<10112xi32, #tpu.memory_space<vmem>>, vector<16xi32>,
    %rem3A_199 = arith.constant 240 : i32
    %rem3A_200 = vector.broadcast %rem3A_199 : i32 to vector<16xi32>
    %rem3A_201 = arith.remsi %add3A_191, %rem3A_200 : vector<16xi32>
    %add3A_202 = arith.constant 10000 : i32
    %add3A_203 = vector.broadcast %add3A_202 : i32 to vector<16xi32>
    %add3A_204 = arith.addi %add3A_203, %rem3A_201 : vector<16xi32>
    %swap3A_205 = arith.constant 10096 : index
    %swap3A_206 = tpu.vector_load %arg7[%swap3A_205] {strides = array<i32>} : memref<10112xi32, #tpu.memory_space<vmem>>, vector<16xi32>,
    %swap3A_207 = vector.shape_cast %swap3A_206 : vector<16xi32> to vector<16xi32>
    %swap3A_208 = vector.shape_cast %add3A_204 : vector<16xi32> to vector<16xi32>
    tpu.vector_store %arg7[%swap3A_205], %swap3A_208 {strides = array<i32>} : memref<10112xi32, #tpu.memory_space<vmem>>, vector<16xi32>,
    %dma_wait3A = arith.constant 0 : i32
    %dma_wait3A_209 = arith.constant 0 : i32
    %dma_wait3A_210 = tpu.memref_slice %arg6[%dma_wait3A_209] : memref<10112xi32, #tpu.memory_space<vmem>> -> memref<9984xi32, #tpu.memory_space<vmem>>
    %dma_wait3A_211 = arith.constant 0 : i32
    %dma_wait3A_212 = tpu.memref_slice %arg3[%dma_wait3A, %dma_wait3A_211] : memref<2x320000xi32, #tpu.memory_space<hbm>> -> memref<1x9984xi32, #tpu.memory_space<hbm>>
    %dma_wait3A_213 = tpu.memref_squeeze %dma_wait3A_212 : memref<1x9984xi32, #tpu.memory_space<hbm>> -> memref<9984xi32, #tpu.memory_space<hbm>>
    %dma_wait3A_214 = arith.constant 0 : i32
    %dma_wait3A_215 = tpu.memref_slice %arg6[%dma_wait3A_214] : memref<10112xi32, #tpu.memory_space<vmem>> -> memref<9984xi32, #tpu.memory_space<vmem>>
    %dma_wait3A_216 = arith.constant 0 : i32
    %dma_wait3A_217 = tpu.memref_slice %arg3[%dma_wait3A, %dma_wait3A_216] : memref<2x320000xi32, #tpu.memory_space<hbm>> -> memref<1x9984xi32, #tpu.memory_space<hbm>>
    %dma_wait3A_218 = tpu.memref_squeeze %dma_wait3A_217 : memref<1x9984xi32, #tpu.memory_space<hbm>> -> memref<9984xi32, #tpu.memory_space<hbm>>
    tpu.wait_dma2 semaphore(%arg11 : memref<!tpu.dma_semaphore, #tpu.memory_space<semaphore_mem>>) src(%dma_wait3A_218 : memref<9984xi32, #tpu.memory_space<hbm>>) dst(%dma_wait3A_215 : memref<9984xi32, #tpu.memory_space<vmem>>)
    %dma_wait3A_219 = arith.constant 0 : i32
    %dma_wait3A_220 = arith.constant 9984 : i32
    %dma_wait3A_221 = tpu.memref_slice %arg6[%dma_wait3A_220] : memref<10112xi32, #tpu.memory_space<vmem>> -> memref<16xi32, #tpu.memory_space<vmem>>
    %dma_wait3A_222 = arith.constant 0 : i32
    %dma_wait3A_223 = tpu.memref_slice %arg3[%dma_wait3A_219, %dma_wait3A_222] : memref<2x320000xi32, #tpu.memory_space<hbm>> -> memref<1x16xi32, #tpu.memory_space<hbm>>
    %dma_wait3A_224 = tpu.memref_squeeze %dma_wait3A_223 : memref<1x16xi32, #tpu.memory_space<hbm>> -> memref<16xi32, #tpu.memory_space<hbm>>
    %dma_wait3A_225 = arith.constant 9984 : i32
    %dma_wait3A_226 = tpu.memref_slice %arg6[%dma_wait3A_225] : memref<10112xi32, #tpu.memory_space<vmem>> -> memref<16xi32, #tpu.memory_space<vmem>>
    %dma_wait3A_227 = arith.constant 0 : i32
    %dma_wait3A_228 = tpu.memref_slice %arg3[%dma_wait3A_219, %dma_wait3A_227] : memref<2x320000xi32, #tpu.memory_space<hbm>> -> memref<1x16xi32, #tpu.memory_space<hbm>>
    %dma_wait3A_229 = tpu.memref_squeeze %dma_wait3A_228 : memref<1x16xi32, #tpu.memory_space<hbm>> -> memref<16xi32, #tpu.memory_space<hbm>>
    tpu.wait_dma2 semaphore(%arg11 : memref<!tpu.dma_semaphore, #tpu.memory_space<semaphore_mem>>) src(%dma_wait3A_229 : memref<16xi32, #tpu.memory_space<hbm>>) dst(%dma_wait3A_226 : memref<16xi32, #tpu.memory_space<vmem>>)
    %dma_wait3A_230 = arith.constant 0 : i32
    %dma_wait3A_231 = arith.constant 0 : i32
    %dma_wait3A_232 = tpu.memref_slice %arg6[%dma_wait3A_231] : memref<10112xi32, #tpu.memory_space<vmem>> -> memref<9984xi32, #tpu.memory_space<vmem>>
    %dma_wait3A_233 = arith.constant 0 : i32
    %dma_wait3A_234 = tpu.memref_slice %arg3[%dma_wait3A_230, %dma_wait3A_233] : memref<2x320000xi32, #tpu.memory_space<hbm>> -> memref<1x9984xi32, #tpu.memory_space<hbm>>
    %dma_wait3A_235 = tpu.memref_squeeze %dma_wait3A_234 : memref<1x9984xi32, #tpu.memory_space<hbm>> -> memref<9984xi32, #tpu.memory_space<hbm>>
    %dma_wait3A_236 = arith.constant 0 : i32
    %dma_wait3A_237 = tpu.memref_slice %arg6[%dma_wait3A_236] : memref<10112xi32, #tpu.memory_space<vmem>> -> memref<9984xi32, #tpu.memory_space<vmem>>
    %dma_wait3A_238 = arith.constant 0 : i32
    %dma_wait3A_239 = tpu.memref_slice %arg3[%dma_wait3A_230, %dma_wait3A_238] : memref<2x320000xi32, #tpu.memory_space<hbm>> -> memref<1x9984xi32, #tpu.memory_space<hbm>>
    %dma_wait3A_240 = tpu.memref_squeeze %dma_wait3A_239 : memref<1x9984xi32, #tpu.memory_space<hbm>> -> memref<9984xi32, #tpu.memory_space<hbm>>
    tpu.wait_dma2 semaphore(%arg11 : memref<!tpu.dma_semaphore, #tpu.memory_space<semaphore_mem>>) src(%dma_wait3A_240 : memref<9984xi32, #tpu.memory_space<hbm>>) dst(%dma_wait3A_237 : memref<9984xi32, #tpu.memory_space<vmem>>)
    %dma_wait3A_241 = arith.constant 0 : i32
    %dma_wait3A_242 = arith.constant 9984 : i32
    %dma_wait3A_243 = tpu.memref_slice %arg6[%dma_wait3A_242] : memref<10112xi32, #tpu.memory_space<vmem>> -> memref<16xi32, #tpu.memory_space<vmem>>
    %dma_wait3A_244 = arith.constant 0 : i32
    %dma_wait3A_245 = tpu.memref_slice %arg3[%dma_wait3A_241, %dma_wait3A_244] : memref<2x320000xi32, #tpu.memory_space<hbm>> -> memref<1x16xi32, #tpu.memory_space<hbm>>
    %dma_wait3A_246 = tpu.memref_squeeze %dma_wait3A_245 : memref<1x16xi32, #tpu.memory_space<hbm>> -> memref<16xi32, #tpu.memory_space<hbm>>
    %dma_wait3A_247 = arith.constant 9984 : i32
    %dma_wait3A_248 = tpu.memref_slice %arg6[%dma_wait3A_247] : memref<10112xi32, #tpu.memory_space<vmem>> -> memref<16xi32, #tpu.memory_space<vmem>>
    %dma_wait3A_249 = arith.constant 0 : i32
    %dma_wait3A_250 = tpu.memref_slice %arg3[%dma_wait3A_241, %dma_wait3A_249] : memref<2x320000xi32, #tpu.memory_space<hbm>> -> memref<1x16xi32, #tpu.memory_space<hbm>>
    %dma_wait3A_251 = tpu.memref_squeeze %dma_wait3A_250 : memref<1x16xi32, #tpu.memory_space<hbm>> -> memref<16xi32, #tpu.memory_space<hbm>>
    tpu.wait_dma2 semaphore(%arg11 : memref<!tpu.dma_semaphore, #tpu.memory_space<semaphore_mem>>) src(%dma_wait3A_251 : memref<16xi32, #tpu.memory_space<hbm>>) dst(%dma_wait3A_248 : memref<16xi32, #tpu.memory_space<vmem>>)
    %barrier3A = arith.constant 0 : index
    tpu.barrier barrier_id(%barrier3A)
    %dma_start3A_252 = arith.constant 0 : i32
    %dma_start3A_253 = arith.constant 0 : i32
    %dma_start3A_254 = arith.constant 0 : i32
    %dma_start3A_255 = tpu.memref_slice %arg8[%dma_start3A_252, %dma_start3A_253, %dma_start3A_254] : memref<8x128x16xf32, #tpu.memory_space<vmem>> -> memref<1x128x16xf32, #tpu.memory_space<vmem>>
    %dma_start3A_256 = tpu.memref_squeeze %dma_start3A_255 : memref<1x128x16xf32, #tpu.memory_space<vmem>> -> memref<128x16xf32, #tpu.memory_space<vmem>>
    %dma_start3A_257 = arith.constant 0 : i32
    %dma_start3A_258 = tpu.memref_slice %arg6[%dma_start3A_257] : memref<10112xi32, #tpu.memory_space<vmem>> -> memref<128xi32, #tpu.memory_space<vmem>>
    %dma_start3A_259 = arith.constant 0 : i32
    %dma_start3A_260 = arith.constant 0 : i32
    %dma_start3A_261 = tpu.memref_slice %arg10[%dma_start3A_259, %dma_start3A_260] : memref<10000x16xf32, #tpu.memory_space<vmem_shared>> -> memref<10000x16xf32, #tpu.memory_space<vmem_shared>>
    tpu.enqueue_indirect_dma source(%dma_start3A_261 : memref<10000x16xf32, #tpu.memory_space<vmem_shared>>) target(%dma_start3A_256 : memref<128x16xf32, #tpu.memory_space<vmem>>) offsets(%dma_start3A_258 : memref<128xi32, #tpu.memory_space<vmem>>) semaphore(%arg12 : memref<!tpu.dma_semaphore, #tpu.memory_space<semaphore_mem>>)
    %dma_start3A_262 = arith.constant 1 : i32
    %dma_start3A_263 = arith.constant 0 : i32
    %dma_start3A_264 = arith.constant 0 : i32
    %dma_start3A_265 = tpu.memref_slice %arg8[%dma_start3A_262, %dma_start3A_263, %dma_start3A_264] : memref<8x128x16xf32, #tpu.memory_space<vmem>> -> memref<1x128x16xf32, #tpu.memory_space<vmem>>
    %dma_start3A_266 = tpu.memref_squeeze %dma_start3A_265 : memref<1x128x16xf32, #tpu.memory_space<vmem>> -> memref<128x16xf32, #tpu.memory_space<vmem>>
    %dma_start3A_267 = arith.constant 128 : i32
    %dma_start3A_268 = tpu.memref_slice %arg6[%dma_start3A_267] : memref<10112xi32, #tpu.memory_space<vmem>> -> memref<128xi32, #tpu.memory_space<vmem>>
    %dma_start3A_269 = arith.constant 0 : i32
    %dma_start3A_270 = arith.constant 0 : i32
    %dma_start3A_271 = tpu.memref_slice %arg10[%dma_start3A_269, %dma_start3A_270] : memref<10000x16xf32, #tpu.memory_space<vmem_shared>> -> memref<10000x16xf32, #tpu.memory_space<vmem_shared>>
    tpu.enqueue_indirect_dma source(%dma_start3A_271 : memref<10000x16xf32, #tpu.memory_space<vmem_shared>>) target(%dma_start3A_266 : memref<128x16xf32, #tpu.memory_space<vmem>>) offsets(%dma_start3A_268 : memref<128xi32, #tpu.memory_space<vmem>>) semaphore(%arg12 : memref<!tpu.dma_semaphore, #tpu.memory_space<semaphore_mem>>)
    %dma_start3A_272 = arith.constant 2 : i32
    %dma_start3A_273 = arith.constant 0 : i32
    %dma_start3A_274 = arith.constant 0 : i32
    %dma_start3A_275 = tpu.memref_slice %arg8[%dma_start3A_272, %dma_start3A_273, %dma_start3A_274] : memref<8x128x16xf32, #tpu.memory_space<vmem>> -> memref<1x128x16xf32, #tpu.memory_space<vmem>>
    %dma_start3A_276 = tpu.memref_squeeze %dma_start3A_275 : memref<1x128x16xf32, #tpu.memory_space<vmem>> -> memref<128x16xf32, #tpu.memory_space<vmem>>
    %dma_start3A_277 = arith.constant 256 : i32
    %dma_start3A_278 = tpu.memref_slice %arg6[%dma_start3A_277] : memref<10112xi32, #tpu.memory_space<vmem>> -> memref<128xi32, #tpu.memory_space<vmem>>
    %dma_start3A_279 = arith.constant 0 : i32
    %dma_start3A_280 = arith.constant 0 : i32
    %dma_start3A_281 = tpu.memref_slice %arg10[%dma_start3A_279, %dma_start3A_280] : memref<10000x16xf32, #tpu.memory_space<vmem_shared>> -> memref<10000x16xf32, #tpu.memory_space<vmem_shared>>
    tpu.enqueue_indirect_dma source(%dma_start3A_281 : memref<10000x16xf32, #tpu.memory_space<vmem_shared>>) target(%dma_start3A_276 : memref<128x16xf32, #tpu.memory_space<vmem>>) offsets(%dma_start3A_278 : memref<128xi32, #tpu.memory_space<vmem>>) semaphore(%arg12 : memref<!tpu.dma_semaphore, #tpu.memory_space<semaphore_mem>>)
    %dma_start3A_282 = arith.constant 3 : i32
    %dma_start3A_283 = arith.constant 0 : i32
    %dma_start3A_284 = arith.constant 0 : i32
    %dma_start3A_285 = tpu.memref_slice %arg8[%dma_start3A_282, %dma_start3A_283, %dma_start3A_284] : memref<8x128x16xf32, #tpu.memory_space<vmem>> -> memref<1x128x16xf32, #tpu.memory_space<vmem>>
    %dma_start3A_286 = tpu.memref_squeeze %dma_start3A_285 : memref<1x128x16xf32, #tpu.memory_space<vmem>> -> memref<128x16xf32, #tpu.memory_space<vmem>>
    %dma_start3A_287 = arith.constant 384 : i32
    %dma_start3A_288 = tpu.memref_slice %arg6[%dma_start3A_287] : memref<10112xi32, #tpu.memory_space<vmem>> -> memref<128xi32, #tpu.memory_space<vmem>>
    %dma_start3A_289 = arith.constant 0 : i32
    %dma_start3A_290 = arith.constant 0 : i32
    %dma_start3A_291 = tpu.memref_slice %arg10[%dma_start3A_289, %dma_start3A_290] : memref<10000x16xf32, #tpu.memory_space<vmem_shared>> -> memref<10000x16xf32, #tpu.memory_space<vmem_shared>>
    tpu.enqueue_indirect_dma source(%dma_start3A_291 : memref<10000x16xf32, #tpu.memory_space<vmem_shared>>) target(%dma_start3A_286 : memref<128x16xf32, #tpu.memory_space<vmem>>) offsets(%dma_start3A_288 : memref<128xi32, #tpu.memory_space<vmem>>) semaphore(%arg12 : memref<!tpu.dma_semaphore, #tpu.memory_space<semaphore_mem>>)
    %scan3A = arith.constant 0 : i32
    %scan3A_292 = arith.constant 0 : i32
    %scan3A_293 = arith.constant 79 : i32
    %scan3A_294 = arith.addi %scan3A_292, %scan3A_293 : i32
    %scan3A_295 = arith.constant 1 : i32
    %scan3A_296 = scf.for %scan3A_310 = %scan3A_292 to %scan3A_294 step %scan3A_295 iter_args(%scan3A_311 = %scan3A) -> (i32)  : i32 {
      %rem3A_312 = arith.constant 8 : i32
      %rem3A_313 = arith.remsi %scan3A_310, %rem3A_312 : i32
      %mul3A_314 = arith.constant 128 : i32
      %mul3A_315 = arith.muli %scan3A_310, %mul3A_314 : i32
      %dma_wait3A_316 = arith.constant 0 : i32
      %dma_wait3A_317 = arith.constant 0 : i32
      %dma_wait3A_318 = tpu.memref_slice %arg8[%rem3A_313, %dma_wait3A_316, %dma_wait3A_317] : memref<8x128x16xf32, #tpu.memory_space<vmem>> -> memref<1x128x16xf32, #tpu.memory_space<vmem>>
      %dma_wait3A_319 = tpu.memref_squeeze %dma_wait3A_318 : memref<1x128x16xf32, #tpu.memory_space<vmem>> -> memref<128x16xf32, #tpu.memory_space<vmem>>
      %dma_wait3A_320 = tpu.memref_slice %arg6[%mul3A_315] : memref<10112xi32, #tpu.memory_space<vmem>> -> memref<128xi32, #tpu.memory_space<vmem>>
      %dma_wait3A_321 = arith.constant 0 : i32
      %dma_wait3A_322 = arith.constant 0 : i32
      %dma_wait3A_323 = tpu.memref_slice %arg10[%dma_wait3A_321, %dma_wait3A_322] : memref<10000x16xf32, #tpu.memory_space<vmem_shared>> -> memref<10000x16xf32, #tpu.memory_space<vmem_shared>>
      tpu.wait_indirect_dma semaphore(%arg12 : memref<!tpu.dma_semaphore, #tpu.memory_space<semaphore_mem>>) src(%dma_wait3A_323 : memref<10000x16xf32, #tpu.memory_space<vmem_shared>>) dst(%dma_wait3A_319 : memref<128x16xf32, #tpu.memory_space<vmem>>)
      %mul3A_324 = arith.constant 128 : i32
      %mul3A_325 = arith.muli %scan3A_310, %mul3A_324 : i32
      %dma_start3A_326 = arith.constant 0 : i32
      %dma_start3A_327 = arith.constant 0 : i32
      %dma_start3A_328 = tpu.memref_slice %arg8[%rem3A_313, %dma_start3A_326, %dma_start3A_327] : memref<8x128x16xf32, #tpu.memory_space<vmem>> -> memref<1x128x16xf32, #tpu.memory_space<vmem>>
      %dma_start3A_329 = tpu.memref_squeeze %dma_start3A_328 : memref<1x128x16xf32, #tpu.memory_space<vmem>> -> memref<128x16xf32, #tpu.memory_space<vmem>>
      %dma_start3A_330 = tpu.memref_slice %arg7[%mul3A_325] : memref<10112xi32, #tpu.memory_space<vmem>> -> memref<128xi32, #tpu.memory_space<vmem>>
      %dma_start3A_331 = arith.constant 0 : i32
      %dma_start3A_332 = arith.constant 0 : i32
      %dma_start3A_333 = tpu.memref_slice %arg9[%dma_start3A_331, %dma_start3A_332] : memref<10240x16xf32, #tpu.memory_space<vmem_shared>> -> memref<10240x16xf32, #tpu.memory_space<vmem_shared>>
      tpu.enqueue_indirect_dma source(%dma_start3A_329 : memref<128x16xf32, #tpu.memory_space<vmem>>) target(%dma_start3A_333 : memref<10240x16xf32, #tpu.memory_space<vmem_shared>>) offsets(%dma_start3A_330 : memref<128xi32, #tpu.memory_space<vmem>>) semaphore(%arg13 : memref<!tpu.dma_semaphore, #tpu.memory_space<semaphore_mem>>) {add = true}
      %ge3A = arith.constant 4 : i32
      %ge3A_334 = arith.cmpi sge, %scan3A_310, %ge3A : i32
      %convert_element_type3A = arith.extui %ge3A_334 : i1 to i32
      %cond3A = arith.constant 0 : i32
      %cond3A_335 = arith.cmpi ne, %convert_element_type3A, %cond3A : i32
      scf.if %cond3A_335 {
        %sub3A = arith.constant 4 : i32
        %sub3A_343 = arith.subi %scan3A_310, %sub3A : i32
        %rem3A_344 = arith.constant 8 : i32
        %rem3A_345 = arith.remsi %sub3A_343, %rem3A_344 : i32
        %sub3A_346 = arith.constant 4 : i32
        %sub3A_347 = arith.subi %scan3A_310, %sub3A_346 : i32
        %mul3A_348 = arith.constant 128 : i32
        %mul3A_349 = arith.muli %sub3A_347, %mul3A_348 : i32
        %dma_wait3A_350 = arith.constant 0 : i32
        %dma_wait3A_351 = arith.constant 0 : i32
        %dma_wait3A_352 = tpu.memref_slice %arg8[%rem3A_345, %dma_wait3A_350, %dma_wait3A_351] : memref<8x128x16xf32, #tpu.memory_space<vmem>> -> memref<1x128x16xf32, #tpu.memory_space<vmem>>
        %dma_wait3A_353 = tpu.memref_squeeze %dma_wait3A_352 : memref<1x128x16xf32, #tpu.memory_space<vmem>> -> memref<128x16xf32, #tpu.memory_space<vmem>>
        %dma_wait3A_354 = tpu.memref_slice %arg7[%mul3A_349] : memref<10112xi32, #tpu.memory_space<vmem>> -> memref<128xi32, #tpu.memory_space<vmem>>
        %dma_wait3A_355 = arith.constant 0 : i32
        %dma_wait3A_356 = arith.constant 0 : i32
        %dma_wait3A_357 = tpu.memref_slice %arg9[%dma_wait3A_355, %dma_wait3A_356] : memref<10240x16xf32, #tpu.memory_space<vmem_shared>> -> memref<10240x16xf32, #tpu.memory_space<vmem_shared>>
        tpu.wait_indirect_dma semaphore(%arg13 : memref<!tpu.dma_semaphore, #tpu.memory_space<semaphore_mem>>) src(%dma_wait3A_353 : memref<128x16xf32, #tpu.memory_space<vmem>>) dst(%dma_wait3A_357 : memref<10240x16xf32, #tpu.memory_space<vmem_shared>>)
      } else {
      }
      %add3A_336 = arith.constant 4 : i32
      %add3A_337 = arith.addi %scan3A_310, %add3A_336 : i32
      %lt3A = arith.constant 79 : i32
      %lt3A_338 = arith.cmpi slt, %add3A_337, %lt3A : i32
      %convert_element_type3A_339 = arith.extui %lt3A_338 : i1 to i32
      %cond3A_340 = arith.constant 0 : i32
      %cond3A_341 = arith.cmpi ne, %convert_element_type3A_339, %cond3A_340 : i32
      scf.if %cond3A_341 {
        %add3A_343 = arith.constant 4 : i32
        %add3A_344 = arith.addi %scan3A_310, %add3A_343 : i32
        %rem3A_345 = arith.constant 8 : i32
        %rem3A_346 = arith.remsi %add3A_344, %rem3A_345 : i32
        %add3A_347 = arith.constant 4 : i32
        %add3A_348 = arith.addi %scan3A_310, %add3A_347 : i32
        %mul3A_349 = arith.constant 128 : i32
        %mul3A_350 = arith.muli %add3A_348, %mul3A_349 : i32
        %dma_start3A_351 = arith.constant 0 : i32
        %dma_start3A_352 = arith.constant 0 : i32
        %dma_start3A_353 = tpu.memref_slice %arg8[%rem3A_346, %dma_start3A_351, %dma_start3A_352] : memref<8x128x16xf32, #tpu.memory_space<vmem>> -> memref<1x128x16xf32, #tpu.memory_space<vmem>>
        %dma_start3A_354 = tpu.memref_squeeze %dma_start3A_353 : memref<1x128x16xf32, #tpu.memory_space<vmem>> -> memref<128x16xf32, #tpu.memory_space<vmem>>
        %dma_start3A_355 = tpu.memref_slice %arg6[%mul3A_350] : memref<10112xi32, #tpu.memory_space<vmem>> -> memref<128xi32, #tpu.memory_space<vmem>>
        %dma_start3A_356 = arith.constant 0 : i32
        %dma_start3A_357 = arith.constant 0 : i32
        %dma_start3A_358 = tpu.memref_slice %arg10[%dma_start3A_356, %dma_start3A_357] : memref<10000x16xf32, #tpu.memory_space<vmem_shared>> -> memref<10000x16xf32, #tpu.memory_space<vmem_shared>>
        tpu.enqueue_indirect_dma source(%dma_start3A_358 : memref<10000x16xf32, #tpu.memory_space<vmem_shared>>) target(%dma_start3A_354 : memref<128x16xf32, #tpu.memory_space<vmem>>) offsets(%dma_start3A_355 : memref<128xi32, #tpu.memory_space<vmem>>) semaphore(%arg12 : memref<!tpu.dma_semaphore, #tpu.memory_space<semaphore_mem>>)
      } else {
      }
      %scan3A_342 = arith.constant 0 : i32
      scf.yield %scan3A_342 : i32
    }
    %scan3A_297 = arith.constant 79 : i32
    %scan3A_298 = arith.constant 0 : i32
    %scan3A_299 = arith.constant 0 : i32
    %scan3A_300 = arith.constant 4 : i32
    %scan3A_301 = arith.addi %scan3A_299, %scan3A_300 : i32
    %scan3A_302 = arith.constant 1 : i32
    %scan3A_303 = scf.for %scan3A_310 = %scan3A_299 to %scan3A_301 step %scan3A_302 iter_args(%scan3A_311 = %scan3A_298) -> (i32)  : i32 {
      %dma_wait3A_312 = arith.constant 0 : i32
      %dma_wait3A_313 = arith.constant 0 : i32
      %dma_wait3A_314 = arith.constant 0 : i32
      %dma_wait3A_315 = tpu.memref_slice %arg8[%dma_wait3A_312, %dma_wait3A_313, %dma_wait3A_314] : memref<8x128x16xf32, #tpu.memory_space<vmem>> -> memref<1x128x16xf32, #tpu.memory_space<vmem>>
      %dma_wait3A_316 = tpu.memref_squeeze %dma_wait3A_315 : memref<1x128x16xf32, #tpu.memory_space<vmem>> -> memref<128x16xf32, #tpu.memory_space<vmem>>
      %dma_wait3A_317 = arith.constant 0 : i32
      %dma_wait3A_318 = tpu.memref_slice %arg7[%dma_wait3A_317] : memref<10112xi32, #tpu.memory_space<vmem>> -> memref<128xi32, #tpu.memory_space<vmem>>
      %dma_wait3A_319 = arith.constant 0 : i32
      %dma_wait3A_320 = arith.constant 0 : i32
      %dma_wait3A_321 = tpu.memref_slice %arg9[%dma_wait3A_319, %dma_wait3A_320] : memref<10240x16xf32, #tpu.memory_space<vmem_shared>> -> memref<10240x16xf32, #tpu.memory_space<vmem_shared>>
      tpu.wait_indirect_dma semaphore(%arg13 : memref<!tpu.dma_semaphore, #tpu.memory_space<semaphore_mem>>) src(%dma_wait3A_316 : memref<128x16xf32, #tpu.memory_space<vmem>>) dst(%dma_wait3A_321 : memref<10240x16xf32, #tpu.memory_space<vmem_shared>>)
      %scan3A_322 = arith.constant 0 : i32
      scf.yield %scan3A_322 : i32
    }
    %scan3A_304 = arith.constant 4 : i32
    %barrier3A_305 = arith.constant 0 : index
    tpu.barrier barrier_id(%barrier3A_305)
    %mul3A_306 = arith.constant 640 : i32
    %mul3A_307 = arith.muli %arg1, %mul3A_306 : i32
    %mul3A_308 = arith.constant 640 : i32
    %mul3A_309 = arith.muli %arg1, %mul3A_308 : i32
    "tpu.region"() ({
      %run_scoped3A = tpu.sem_alloc : memref<!tpu.dma_semaphore, #tpu.memory_space<semaphore_mem>>
      %dma_start3A_310 = arith.constant 0 : i32
      %dma_start3A_311 = tpu.memref_slice %arg5[%arg0, %mul3A_309, %dma_start3A_310] : memref<2x10240x128xf32, #tpu.memory_space<hbm>> -> memref<1x640x16xf32, #tpu.memory_space<hbm>>
      %dma_start3A_312 = tpu.memref_squeeze %dma_start3A_311 : memref<1x640x16xf32, #tpu.memory_space<hbm>> -> memref<640x16xf32, #tpu.memory_space<hbm>>
      %dma_start3A_313 = arith.constant 0 : i32
      %dma_start3A_314 = tpu.memref_slice %arg9[%mul3A_307, %dma_start3A_313] : memref<10240x16xf32, #tpu.memory_space<vmem_shared>> -> memref<640x16xf32, #tpu.memory_space<vmem_shared>>
      tpu.enqueue_dma source(%dma_start3A_314 : memref<640x16xf32, #tpu.memory_space<vmem_shared>>) target(%dma_start3A_312 : memref<640x16xf32, #tpu.memory_space<hbm>>) target_semaphore(%run_scoped3A : memref<!tpu.dma_semaphore, #tpu.memory_space<semaphore_mem>>)
      %dma_wait3A_315 = arith.constant 0 : i32
      %dma_wait3A_316 = tpu.memref_slice %arg5[%arg0, %mul3A_309, %dma_wait3A_315] : memref<2x10240x128xf32, #tpu.memory_space<hbm>> -> memref<1x640x16xf32, #tpu.memory_space<hbm>>
      %dma_wait3A_317 = tpu.memref_squeeze %dma_wait3A_316 : memref<1x640x16xf32, #tpu.memory_space<hbm>> -> memref<640x16xf32, #tpu.memory_space<hbm>>
      %dma_wait3A_318 = arith.constant 0 : i32
      %dma_wait3A_319 = tpu.memref_slice %arg9[%mul3A_307, %dma_wait3A_318] : memref<10240x16xf32, #tpu.memory_space<vmem_shared>> -> memref<640x16xf32, #tpu.memory_space<vmem_shared>>
      tpu.wait_dma2 semaphore(%run_scoped3A : memref<!tpu.dma_semaphore, #tpu.memory_space<semaphore_mem>>) src(%dma_wait3A_319 : memref<640x16xf32, #tpu.memory_space<vmem_shared>>) dst(%dma_wait3A_317 : memref<640x16xf32, #tpu.memory_space<hbm>>)
      tpu.yield
    }) : () -> ()
    return
  }
}

module attributes {stable_mosaic.version = 14 : i64} {
  func.func @_tc_prep_body(%arg0: memref<10000x128xf32, #tpu.memory_space<vmem>>, %arg1: memref<128x8xf32, #tpu.memory_space<vmem>>, %arg2: memref<20480xf32, #tpu.memory_space<vmem>>, %arg3: memref<10000x128xf32, #tpu.memory_space<vmem>>, %arg4: memref<10000x1xf32, #tpu.memory_space<vmem>>) attributes {dimension_semantics = [], scalar_prefetch = 0 : i64, scratch_operands = 0 : i64, tpu.core_type = #tpu.core_type<tc>} {
    %get3A = arith.constant 0 : index
    %get3A_0 = vector.load %arg2[%get3A] : memref<20480xf32, #tpu.memory_space<vmem>>, vector<10000xf32>
    %get3A_1 = arith.constant 10240 : index
    %get3A_2 = vector.load %arg2[%get3A_1] : memref<20480xf32, #tpu.memory_space<vmem>>, vector<10000xf32>
    %add3A = arith.addf %get3A_0, %get3A_2 : vector<10000xf32>
    %add3A_3 = arith.constant 1.000000e+00 : f32
    %add3A_4 = vector.broadcast %add3A_3 : f32 to vector<10000xf32>
    %add3A_5 = arith.addf %add3A, %add3A_4 : vector<10000xf32>
    %rsqrt3A = math.rsqrt %add3A_5 : vector<10000xf32>
    %reshape3A = vector.shape_cast %rsqrt3A : vector<10000xf32> to vector<10000x1xf32>
    %get3A_6 = arith.constant 0 : index
    %get3A_7 = arith.constant 0 : index
    %get3A_8 = vector.load %arg0[%get3A_6, %get3A_7] : memref<10000x128xf32, #tpu.memory_space<vmem>>, vector<10000x128xf32>
    %get3A_9 = arith.constant 0 : index
    %get3A_10 = arith.constant 0 : index
    %get3A_11 = vector.load %arg1[%get3A_9, %get3A_10] : memref<128x8xf32, #tpu.memory_space<vmem>>, vector<128x8xf32>
    %dot_general3A = arith.constant dense<0.000000e+00> : vector<10000x8xf32>
    %dot_general3A_12 = tpu.matmul %get3A_8, %get3A_11, %dot_general3A {dimension_numbers = #tpu.dot_dimension_numbers<[1], [0], [0], [1], [0, 0, 1, 1], [], []>, transpose_lhs_hint = false} : vector<10000x128xf32>, vector<128x8xf32>, vector<10000x8xf32> -> vector<10000x8xf32>
    %mul3A = vector.broadcast %reshape3A : vector<10000x1xf32> to vector<10000x8xf32>
    %mul3A_13 = arith.mulf %dot_general3A_12, %mul3A : vector<10000x8xf32>
    %broadcast_in_dim3A = arith.constant 0.000000e+00 : f32
    %broadcast_in_dim3A_14 = vector.broadcast %broadcast_in_dim3A : f32 to vector<10000x120xf32>
    %concatenate3A = tpu.concatenate %mul3A_13, %broadcast_in_dim3A_14 in 1 : vector<10000x8xf32>, vector<10000x120xf32> -> vector<10000x128xf32>
    %swap3A = arith.constant 0 : index
    %swap3A_15 = arith.constant 0 : index
    %swap3A_16 = vector.load %arg3[%swap3A, %swap3A_15] : memref<10000x128xf32, #tpu.memory_space<vmem>>, vector<10000x128xf32>
    tpu.vector_store %arg3[%swap3A, %swap3A_15], %concatenate3A {strides = array<i32>} : memref<10000x128xf32, #tpu.memory_space<vmem>>, vector<10000x128xf32>,
    %swap3A_17 = arith.constant 0 : index
    %swap3A_18 = arith.constant 0 : index
    %swap3A_19 = vector.load %arg4[%swap3A_17, %swap3A_18] : memref<10000x1xf32, #tpu.memory_space<vmem>>, vector<10000x1xf32>
    tpu.vector_store %arg4[%swap3A_17, %swap3A_18], %reshape3A {strides = array<i32>} : memref<10000x1xf32, #tpu.memory_space<vmem>>, vector<10000x1xf32>,
    return
  }
}

module attributes {stable_mosaic.version = 14 : i64} {
  func.func @_tc_mid_body(%arg0: memref<2x10240x128xf32, #tpu.memory_space<vmem>>, %arg1: memref<10000x128xf32, #tpu.memory_space<vmem>>, %arg2: memref<10000x1xf32, #tpu.memory_space<vmem>>, %arg3: memref<1x8xf32, #tpu.memory_space<vmem>>, %arg4: memref<8x16xf32, #tpu.memory_space<vmem>>, %arg5: memref<10000x128xf32, #tpu.memory_space<vmem>>) attributes {dimension_semantics = [], scalar_prefetch = 0 : i64, scratch_operands = 0 : i64, tpu.core_type = #tpu.core_type<tc>} {
    %get3A = arith.constant 0 : index
    %get3A_0 = arith.constant 0 : index
    %get3A_1 = arith.constant 0 : index
    %get3A_2 = vector.load %arg0[%get3A, %get3A_0, %get3A_1] : memref<2x10240x128xf32, #tpu.memory_space<vmem>>, vector<1x10000x8xf32>
    %get3A_3 = vector.shape_cast %get3A_2 : vector<1x10000x8xf32> to vector<10000x8xf32>
    %get3A_4 = arith.constant 1 : index
    %get3A_5 = arith.constant 0 : index
    %get3A_6 = arith.constant 0 : index
    %get3A_7 = vector.load %arg0[%get3A_4, %get3A_5, %get3A_6] : memref<2x10240x128xf32, #tpu.memory_space<vmem>>, vector<1x10000x8xf32>
    %get3A_8 = vector.shape_cast %get3A_7 : vector<1x10000x8xf32> to vector<10000x8xf32>
    %add3A = arith.addf %get3A_3, %get3A_8 : vector<10000x8xf32>
    %get3A_9 = arith.constant 0 : index
    %get3A_10 = arith.constant 0 : index
    %get3A_11 = vector.load %arg1[%get3A_9, %get3A_10] : memref<10000x128xf32, #tpu.memory_space<vmem>>, vector<10000x8xf32>
    %add3A_12 = arith.addf %add3A, %get3A_11 : vector<10000x8xf32>
    %get3A_13 = arith.constant 0 : index
    %get3A_14 = arith.constant 0 : index
    %get3A_15 = vector.load %arg2[%get3A_13, %get3A_14] : memref<10000x1xf32, #tpu.memory_space<vmem>>, vector<10000x1xf32>
    %mul3A = vector.broadcast %get3A_15 : vector<10000x1xf32> to vector<10000x8xf32>
    %mul3A_16 = arith.mulf %mul3A, %add3A_12 : vector<10000x8xf32>
    %get3A_17 = arith.constant 0 : index
    %get3A_18 = arith.constant 0 : index
    %get3A_19 = vector.load %arg3[%get3A_17, %get3A_18] : memref<1x8xf32, #tpu.memory_space<vmem>>, vector<1x8xf32>
    %add3A_20 = vector.broadcast %get3A_19 : vector<1x8xf32> to vector<10000x8xf32>
    %add3A_21 = arith.addf %mul3A_16, %add3A_20 : vector<10000x8xf32>
    %max3A = arith.constant 0.000000e+00 : f32
    %max3A_22 = vector.broadcast %max3A : f32 to vector<10000x8xf32>
    %max3A_23 = arith.maximumf %add3A_21, %max3A_22 : vector<10000x8xf32>
    %get3A_24 = arith.constant 0 : index
    %get3A_25 = arith.constant 0 : index
    %get3A_26 = vector.load %arg4[%get3A_24, %get3A_25] : memref<8x16xf32, #tpu.memory_space<vmem>>, vector<8x16xf32>
    %dot_general3A = arith.constant dense<0.000000e+00> : vector<10000x16xf32>
    %dot_general3A_27 = tpu.matmul %max3A_23, %get3A_26, %dot_general3A {dimension_numbers = #tpu.dot_dimension_numbers<[1], [0], [0], [1], [0, 0, 1, 1], [], []>, transpose_lhs_hint = false} : vector<10000x8xf32>, vector<8x16xf32>, vector<10000x16xf32> -> vector<10000x16xf32>
    %get3A_28 = arith.constant 0 : index
    %get3A_29 = arith.constant 0 : index
    %get3A_30 = vector.load %arg2[%get3A_28, %get3A_29] : memref<10000x1xf32, #tpu.memory_space<vmem>>, vector<10000x1xf32>
    %mul3A_31 = vector.broadcast %get3A_30 : vector<10000x1xf32> to vector<10000x16xf32>
    %mul3A_32 = arith.mulf %dot_general3A_27, %mul3A_31 : vector<10000x16xf32>
    %broadcast_in_dim3A = arith.constant 0.000000e+00 : f32
    %broadcast_in_dim3A_33 = vector.broadcast %broadcast_in_dim3A : f32 to vector<10000x112xf32>
    %concatenate3A = tpu.concatenate %mul3A_32, %broadcast_in_dim3A_33 in 1 : vector<10000x16xf32>, vector<10000x112xf32> -> vector<10000x128xf32>
    %swap3A = arith.constant 0 : index
    %swap3A_34 = arith.constant 0 : index
    %swap3A_35 = vector.load %arg5[%swap3A, %swap3A_34] : memref<10000x128xf32, #tpu.memory_space<vmem>>, vector<10000x128xf32>
    tpu.vector_store %arg5[%swap3A, %swap3A_34], %concatenate3A {strides = array<i32>} : memref<10000x128xf32, #tpu.memory_space<vmem>>, vector<10000x128xf32>,
    return
  }
}

module attributes {stable_mosaic.version = 14 : i64} {
  func.func @_tc_out_body(%arg0: memref<2x10240x128xf32, #tpu.memory_space<vmem>>, %arg1: memref<10000x128xf32, #tpu.memory_space<vmem>>, %arg2: memref<10000x1xf32, #tpu.memory_space<vmem>>, %arg3: memref<1x16xf32, #tpu.memory_space<vmem>>, %arg4: memref<10000x16xf32, #tpu.memory_space<vmem>>) attributes {dimension_semantics = [], scalar_prefetch = 0 : i64, scratch_operands = 0 : i64, tpu.core_type = #tpu.core_type<tc>} {
    %get3A = arith.constant 0 : index
    %get3A_0 = arith.constant 0 : index
    %get3A_1 = vector.load %arg2[%get3A, %get3A_0] : memref<10000x1xf32, #tpu.memory_space<vmem>>, vector<10000x1xf32>
    %get3A_2 = arith.constant 0 : index
    %get3A_3 = arith.constant 0 : index
    %get3A_4 = arith.constant 0 : index
    %get3A_5 = vector.load %arg0[%get3A_2, %get3A_3, %get3A_4] : memref<2x10240x128xf32, #tpu.memory_space<vmem>>, vector<1x10000x16xf32>
    %get3A_6 = vector.shape_cast %get3A_5 : vector<1x10000x16xf32> to vector<10000x16xf32>
    %get3A_7 = arith.constant 1 : index
    %get3A_8 = arith.constant 0 : index
    %get3A_9 = arith.constant 0 : index
    %get3A_10 = vector.load %arg0[%get3A_7, %get3A_8, %get3A_9] : memref<2x10240x128xf32, #tpu.memory_space<vmem>>, vector<1x10000x16xf32>
    %get3A_11 = vector.shape_cast %get3A_10 : vector<1x10000x16xf32> to vector<10000x16xf32>
    %add3A = arith.addf %get3A_6, %get3A_11 : vector<10000x16xf32>
    %get3A_12 = arith.constant 0 : index
    %get3A_13 = arith.constant 0 : index
    %get3A_14 = vector.load %arg1[%get3A_12, %get3A_13] : memref<10000x128xf32, #tpu.memory_space<vmem>>, vector<10000x16xf32>
    %add3A_15 = arith.addf %add3A, %get3A_14 : vector<10000x16xf32>
    %mul3A = vector.broadcast %get3A_1 : vector<10000x1xf32> to vector<10000x16xf32>
    %mul3A_16 = arith.mulf %mul3A, %add3A_15 : vector<10000x16xf32>
    %get3A_17 = arith.constant 0 : index
    %get3A_18 = arith.constant 0 : index
    %get3A_19 = vector.load %arg3[%get3A_17, %get3A_18] : memref<1x16xf32, #tpu.memory_space<vmem>>, vector<1x16xf32>
    %add3A_20 = vector.broadcast %get3A_19 : vector<1x16xf32> to vector<10000x16xf32>
    %add3A_21 = arith.addf %mul3A_16, %add3A_20 : vector<10000x16xf32>
    %reduce_max3A = arith.constant dense<0xFF800000> : vector<10000xf32>
    %reduce_max3A_22 = vector.multi_reduction <maximumf>, %add3A_21, %reduce_max3A [1] : vector<10000x16xf32> to vector<10000xf32>
    %broadcast_in_dim3A = vector.shape_cast %reduce_max3A_22 : vector<10000xf32> to vector<10000x1xf32>
    %sub3A = vector.broadcast %broadcast_in_dim3A : vector<10000x1xf32> to vector<10000x16xf32>
    %sub3A_23 = arith.subf %add3A_21, %sub3A : vector<10000x16xf32>
    %exp3A = math.exp %sub3A_23 : vector<10000x16xf32>
    %reduce_sum3A = arith.constant dense<0.000000e+00> : vector<10000xf32>
    %reduce_sum3A_24 = vector.multi_reduction <add>, %exp3A, %reduce_sum3A [1] : vector<10000x16xf32> to vector<10000xf32>
    %broadcast_in_dim3A_25 = vector.shape_cast %reduce_sum3A_24 : vector<10000xf32> to vector<10000x1xf32>
    %log3A = math.log %broadcast_in_dim3A_25 : vector<10000x1xf32>
    %add3A_26 = arith.addf %log3A, %broadcast_in_dim3A : vector<10000x1xf32>
    %sub3A_27 = vector.broadcast %add3A_26 : vector<10000x1xf32> to vector<10000x16xf32>
    %sub3A_28 = arith.subf %add3A_21, %sub3A_27 : vector<10000x16xf32>
    %swap3A = arith.constant 0 : index
    %swap3A_29 = arith.constant 0 : index
    %swap3A_30 = vector.load %arg4[%swap3A, %swap3A_29] : memref<10000x16xf32, #tpu.memory_space<vmem>>, vector<10000x16xf32>
    tpu.vector_store %arg4[%swap3A, %swap3A_29], %sub3A_28 {strides = array<i32>} : memref<10000x16xf32, #tpu.memory_space<vmem>>, vector<10000x16xf32>,
    return
  }
}

</mosaic_0001>

<sc_bundles>
// kernel: kernel.11.cloned.1.call-start
scs
__scs_entry_jumppad:
0x0: {  	(pc) =	sbr.rel $0x88, $3  }
0x1: {  	(tag) =	ssettag $0x0;
	lr =	simm.s32 $0x1  }
0x2: {  	[smem:$0x3F9B] =	sst lr;
	_ =	strace $0xD0000000  }
0x3: {  	_ = 	snop  }
0x4: {  	_ = 	snop  }
0x5: {  	_ = 	snop  }
0x6: {  	_ = 	snop  }
0x7: {  	_ = 	snop  }
__scs_overlays_trampoline_lowered:
0x8: {  	[smem:$0x3FAA] =	sst s0  }
0x9: {  	[smem:$0x3FAB] =	sst s1  }
0xa: {  	[smem:$0x3FAC] =	sst s2  }
0xb: {  	[smem:$0x3FAD] =	sst s3  }
0xc: {  	[smem:$0x3FAE] =	sst s4  }
0xd: {  	[smem:$0x3FAF] =	sst s5  }
0xe: {  	[smem:$0x3FB0] =	sst s6  }
0xf: {  	[smem:$0x3FB1] =	sst s7  }
0x10: {  	[smem:$0x3FB2] =	sst s8  }
0x11: {  	[smem:$0x3FB3] =	sst s9;
	s0 =	simm.s32 @!p0 $0x0  }
0x12: {  	s1 =	sld [smem:$0x3F99];
	s0 =	simm.s32 @p0 $0x1  }
0x13: {  	[smem:$0x3FB4] =	sst s0;
	s0 =	simm.s32 @!p1 $0x0  }
0x14: {  	s2 =	sld [smem:$0x3F98];
	s0 =	simm.s32 @p1 $0x1  }
0x15: {  	[smem:$0x3FB5] =	sst s0;
	s0 =	simm.s32 @!p2 $0x0  }
0x16: {  	s3 =	sld [smem:$0x3FDB];
	s0 =	simm.s32 @p2 $0x1  }
0x17: {  	s4 =	simm.s32 $0x1BF5;
	[smem:$0x3FB7] =	sst s0  }
0x18: {  	s0 =	sld [smem:$0x3F9A];
	_ =	swait.ge [sflag:s4], $0x0  }
0x19: {  	s7 =	sld [smem:$0x3F9B]  }
0x1a: {  	s8 =	sadd.s32 $0xFFFFE003, lr  }
0x1b: {  	s9 =	sadd.s32 $0xFFFFFEF7, lr;
	s5 =	simm.s32 $0xFFFFFFFF;
	p2 =	slt.u32 s8, $0xFFFFF086  }
0x1c: {  	p1 =	slt.u32 s9, $0xF7A;
	s5 =	simm.s32 @!p2 $0x0  }
0x1d: {  	s5 =	simm.s32 @p1 $0x1;
	p0 =	seq.s32 s7, s2  }
0x1e: {  	s7 =	smul.u32 @!p0 $0xF7A, s2;
	p2 =	seq.s32 @!p0 s5, $0x0  }
0x1f: {  	s9 =	smul.u32 $0xF7A, s1;
	s8 =	simm.s32 @!p0 $0x1BF5;
	p2 =	por !p2, p0  }
0x20: {  	[sflag:s8] =	ssyncset.s32 @!p0 $0xFFFFF086;
	s6 =	sadd.s32 @!p0 s3, s7;
	s7 =	simm.s32 @!p0 $0x108  }
0x21: {  	s3 =	sadd.s32 s3, s9;
	s6 =	sadd.s32 @!p0 $0x88, s6;
	s7 =	simm.s32 @p2 $0x1082  }
0x22: {  	[simem:s7], [sflag:s8] =	dma.local @!p0 [hbm:s6], $0xF7A  }
0x23: {  	s9 =	sor.u32 $0xD0000000, s2;
	s6 =	simm.s32 $0x108;
	_ =	swait.ge @!p0 [sflag:s8], $0x0  }
0x24: {  	s3 =	sadd.s32 $0x88, s3;
	s6 =	simm.s32 @!p1 $0x1082;
	[sflag:s4] =	ssyncset.s32 $0xFFFFF086  }
0x25: {  	[simem:s6], [sflag:s4] =	dma.local [hbm:s3], $0xF7A  }
0x26: {  	[smem:$0x3F9B] =	sst s1;
	(tag) =	ssettag s2;
	_ =	strace s9  }
0x27: {  	s1 =	sld [smem:$0x3FAB]  }
0x28: {  	s2 =	sld [smem:$0x3FAC]  }
0x29: {  	s4 =	sld [smem:$0x3FAE]  }
0x2a: {  	p0 =	seq.s32 s5, $0x0;
	s5 =	sld [smem:$0x3FAF]  }
0x2b: {  	s6 =	sld [smem:$0x3FB0]  }
0x2c: {  	s7 =	sld [smem:$0x3FB1]  }
0x2d: {  	s3 =	simm.s32 $0x108;
	s8 =	sld [smem:$0x3FB2]  }
0x2e: {  	s3 =	simm.s32 @!p0 $0x1082;
	s9 =	sld [smem:$0x3FB3]  }
0x2f: {  	lr =	sadd.s32 s0, s3;
	s0 =	sld [smem:$0x3FAA]  }
0x30: {  	s3 =	sld [smem:$0x3FAD]  }
0x31: {  	[smem:$0x3FB6] =	sst s10  }
0x32: {  	s10 =	sld [smem:$0x3FB4];
	_ =	sdelay $0x3  }
0x33: {  	p0 =	seq.s32 s10, $0x1;
	s10 =	sld [smem:$0x3FB6];
	_ =	sdelay $0x3  }
0x34: {  	[smem:$0x3FB6] =	sst s10  }
0x35: {  	s10 =	sld [smem:$0x3FB5];
	_ =	sdelay $0x3  }
0x36: {  	p1 =	seq.s32 s10, $0x1;
	s10 =	sld [smem:$0x3FB6];
	_ =	sdelay $0x3  }
0x37: {  	[smem:$0x3FB6] =	sst s10  }
0x38: {  	s10 =	sld [smem:$0x3FB7]  }
0x39: {  	_ = 	snop;
	(pc) =	sbr.ind lr, $3  }
0x3a: {  	_ = 	snop  }
0x3b: {  	_ = 	snop  }
0x3c: {  	p2 =	seq.s32 s10, $0x1;
	s10 =	sld [smem:$0x3FB6]  }
0x3d: {  	_ =	shalt  }
0x3e: {  	_ =	shalt  }
0x3f: {  	_ =	shalt  }
0x40: {  	_ =	shalt  }
0x41: {  	_ =	shalt  }
0x42: {  	_ =	shalt  }
0x43: {  	_ =	shalt  }
0x44: {  	_ =	shalt  }
0x45: {  	_ =	shalt  }
0x46: {  	_ =	shalt  }
0x47: {  	_ =	shalt  }
0x48: {  	_ =	shalt  }
0x49: {  	_ =	shalt  }
0x4a: {  	_ =	shalt  }
0x4b: {  	_ =	shalt  }
0x4c: {  	_ =	shalt  }
0x4d: {  	_ =	shalt  }
0x4e: {  	_ =	shalt  }
0x4f: {  	_ =	shalt  }
0x50: {  	_ =	shalt  }
0x51: {  	_ =	shalt  }
0x52: {  	_ =	shalt  }
0x53: {  	_ =	shalt  }
0x54: {  	_ =	shalt  }
0x55: {  	_ =	shalt  }
0x56: {  	_ =	shalt  }
0x57: {  	_ =	shalt  }
0x58: {  	_ =	shalt  }
0x59: {  	_ =	shalt  }
0x5a: {  	_ =	shalt  }
0x5b: {  	_ =	shalt  }
0x5c: {  	_ =	shalt  }
0x5d: {  	_ =	shalt  }
0x5e: {  	_ =	shalt  }
0x5f: {  	_ =	shalt  }
0x60: {  	_ =	shalt  }
0x61: {  	_ =	shalt  }
0x62: {  	_ =	shalt  }
0x63: {  	_ =	shalt  }
0x64: {  	_ =	shalt  }
0x65: {  	_ =	shalt  }
0x66: {  	_ =	shalt  }
0x67: {  	_ =	shalt  }
0x68: {  	_ =	shalt  }
0x69: {  	_ =	shalt  }
0x6a: {  	_ =	shalt  }
0x6b: {  	_ =	shalt  }
0x6c: {  	_ =	shalt  }
0x6d: {  	_ =	shalt  }
0x6e: {  	_ =	shalt  }
0x6f: {  	_ =	shalt  }
0x70: {  	_ =	shalt  }
0x71: {  	_ =	shalt  }
0x72: {  	_ =	shalt  }
0x73: {  	_ =	shalt  }
0x74: {  	_ =	shalt  }
0x75: {  	_ =	shalt  }
0x76: {  	_ =	shalt  }
0x77: {  	_ =	shalt  }
0x78: {  	_ =	shalt  }
0x79: {  	_ =	shalt  }
0x7a: {  	_ =	shalt  }
0x7b: {  	_ =	shalt  }
0x7c: {  	_ =	shalt  }
0x7d: {  	_ =	shalt  }
0x7e: {  	_ =	shalt  }
0x7f: {  	_ =	shalt  }
0x80: {  	_ =	shalt  }
0x81: {  	_ =	shalt  }
0x82: {  	_ =	shalt  }
0x83: {  	_ =	shalt  }
0x84: {  	_ =	shalt  }
0x85: {  	_ =	shalt  }
0x86: {  	_ =	shalt  }
0x87: {  	_ =	shalt  }
.Lfunc_end0:
.L_simem_size_0:
called_computation.1_lowered:
.L_overlay_start_0:
0x88: {  	s2 =	sld [smem:$0x3FD9]  }
0x89: {  	s3 =	sld [smem:$0x3FFE];
	_ =	sdelay $0x1  }
0x8a: {  	s1 =	srdreg.scid  }
0x8b: {  	s0 =	sand.u32 $0x1, s1  }
0x8c: {  	s17 =	sshll.u32 s0, $0xA;
	s2 =	sadd.s32 s3, s2  }
0x8d: {  	s2 =	sadd.s32 s2, s17  }
0x8e: {  	[smem:$0x3FC2] =	sst s2  }
0x8f: {  	_ = 	snop  }
0x90: {  	s2 =	sld [smem:$0x3FD0];
	(tm) =	ssettm $0x1  }
0x91: {  	s18 =	sld [smem:$0x3FFB];
	_ =	sdelay $0x3  }
0x92: {  	_ =	strace s18  }
0x93: {  	s3 =	sld [smem:$0x3FFC];
	_ =	sdelay $0x3  }
0x94: {  	_ =	strace s3  }
0x95: {  	s3 =	sld [smem:$0x3FFD];
	_ =	sdelay $0x3  }
0x96: {  	_ =	strace s3  }
0x97: {  	_ =	strace $0x8FFFFFFF  }
0x98: {  	s19 =	sld [smem:$0x3FDB];
	_ =	sdelay $0x1  }
0x99: {  	s4 =	simm.s32 $_scs_section_size  }
0x9a: {  	s5 =	simm.s32 $_size__tile_overlayer_lowered;
	s6 =	simm.s32 $_tile_overlayer_lowered  }
0x9b: {  	s22 =	simm.s32 $0x1BFF;
	s21 =	sshll.u32 s6, $0x1;
	s3 =	sadd.s32 s4, s19  }
0x9c: {  	s7 =	simm.s32 $0x0;
	s20 =	sshll.u32 s5, $0x1;
	s5 =	sadd.s32 s21, s3  }
0x9d: {  	[timem:s7], [sflag:s22] =	dma.local [hbm:s5], s20  }
0x9e: {  	_ =	swait.ge [sflag:s22], s20  }
0x9f: {  	s4 =	ssub.s32 $0x0, s20;
	[sflag:s22] =	ssyncset.done $0x0  }
0xa0: {  	[sflag:s22] =	ssyncadd.s32 s4;
	_ =	sdelay $0x1  }
0xa1: {  	s23 =	simm.s32 $0x1B8B  }
0xa2: {  	_ =	swait.ge [sflag:s23], $0x1  }
0xa3: {  	[sflag:s23] =	ssyncset.done $0x0  }
0xa4: {  	s25 =	simm.s32 $0x1B8E;
	s24 =	sld [smem:$0x3FFE];
	[sflag:s23] =	ssyncadd.s32 $0xFFFFFFFF  }
0xa5: {  	s26 =	simm.s32 $execute0_lowered;
	[smem:$0x3FD2] =	sst s25  }
0xa6: {  	s5 =	sshll.u32 s26, $0x1;
	_ =	strace $0x80000049;
	[dreg:$0x1] =	wrdreg $0xFFFFFFFF  }
0xa7: {  	s28 =	simm.s32 $_size_execute0_lowered;
	s3 =	sadd.s32 s3, s5;
	[dreg:$0x0] =	wrdreg $0x0  }
0xa8: {  	s5 =	sshll.u32 s28, $0x1;
	[dreg:$0x2] =	wrdreg s3  }
0xa9: {  	[dreg:$0x3] =	wrdreg s5  }
0xaa: {  	[dreg:$0x4] =	wrdreg $0xC0  }
0xab: {  	_ =	task [dreg:s7], $0x5FFFF  }
0xac: {  	[dreg:$0x1] =	wrdreg $0xFFFFFFFF  }
0xad: {  	[dreg:$0x0] =	wrdreg $0x60  }
0xae: {  	[dreg:$0x2] =	wrdreg s24  }
0xaf: {  	[dreg:$0x3] =	wrdreg s2  }
0xb0: {  	[dreg:$0x4] =	wrdreg $0x6F000  }
0xb1: {  	[dreg:$0x5] =	wrdreg $0x83000  }
0xb2: {  	[dreg:$0x6] =	wrdreg $0x9  }
0xb3: {  	_ =	task.clear_ibuf [dreg:s7], $0x7FFFF;
	_ =	strace $0x90000049  }
0xb4: {  	s29 =	simm.s32 $0x9;
	_ =	strace $0x8000004B  }
0xb5: {  	_ =	swait.ge [sflag:s29], $0x1  }
0xb6: {  	[sflag:s29] =	ssyncadd.s32 $0xFFFFFFFF  }
0xb7: {  	_ =	strace $0x9000004B  }
0xb8: {  	_ =	sfence  }
0xb9: {  	s30 =	sld [smem:$0x0];
	_ =	sdelay $0x2  }
0xba: {  	s31 =	sshll.u32 s1, $0xD;
	s1 =	sshrl.u32 s1, $0x2  }
0xbb: {  	s3 =	sand.u32 $0x4000, s31;
	s1 =	sadd.s32 s1, s30  }
0xbc: {  	s0 =	sor.u32 s3, s0;
	s1 =	sshll.u32 s1, $0x11  }
0xbd: {  	s0 =	sor.u32 s1, s0  }
0xbe: {  	s0 =	sadd.s32 $0x8F2B, s0  }
0xbf: {  	[sflag:s0] =	ssyncadd.remote.s32 $0x1  }
0xc0: {  	_ =	sfence.sel $0xFFFF  }
0xc1: {  	[dreg:$0x0] =	wrdreg $0xFFFFFFFF;
	(pc) =	sbr.abs _section_cstart, $3  }
0xc2: {  	[dreg:$0x1] =	wrdreg $0xFFFFFFFF  }
0xc3: {  	_ =	task.clear_ibuf [dreg:s7], $0x2FFFF;
	_ =	strace $0x9FFFFFFF  }
0xc4: {  	(tm) =	ssettm $0x7FFFFFFF  }
0xc5: {  	_ =	shalt  }
tec
execute0_lowered:
.L_overlay_start_1:
0x0: {  	(tag) =	ssettag $0x1  }
0x1: {  	s0 =	srdreg.scid  }
0x2: {  	s1 =	sand.u32 $0x1, s0  }
0x3: {  	s14 =	stileid.u32;
	s0 =	sshll.u32 s1, $0x4  }
0x4: {  	s7 =	sor.u32 s14, s0  }
0x5: {  	s0 =	smul.u32 $0x70, s7  }
0x6: {  	v4 =	vlaneseq.u32  }
0x7: {  	v0 =	vor.u32 s0, v4;
	s9 =	sadd.s32 $0x10, s0  }
0x8: {  	v1 =	vmulhi.u32 $0x88888889, v0;
	v2 =	vor.u32 s9, v4  }
0x9: {  	s5 =	rddreg [dreg:$0x0];
	s11 =	sadd.s32 $0x20, s0;
	v3 =	vmulhi.u32 $0xD1B71759, v2  }
0xa: {  	s6 =	rddreg [dreg:$0x1];
	s12 =	sadd.s32 $0x30, s0;
	v6 =	vor.u32 s11, v4;
	v5 =	vmulhi.u32 $0x88888889, v2  }
0xb: {  	s2 =	rddreg [dreg:$0x2];
	v9 =	vor.u32 s12, v4;
	v7 =	vmulhi.u32 $0xD1B71759, v6;
	v1 =	vshrl.u32 v1, $0x7  }
0xc: {  	s3 =	rddreg [dreg:$0x3];
	v10 =	vmulhi.u32 $0xD1B71759, v9;
	v3 =	vshrl.u32 v3, $0xD;
	v8 =	vmul.u32 $0xF0, v1  }
0xd: {  	s4 =	simm.s32 $0x0;
	s28 =	simm.s32 $0x5B00;
	s10 =	smul.u32 $0x14000, s14;
	v1 =	vmul.u32 $0x2710, v3;
	v3 =	vshrl.u32 v5, $0x7;
	v5 =	vshrl.u32 v7, $0xD  }
0xe: {  	s16 =	simm.s32 $0x1;
	s17 =	smul.u32 $0x2710, s14;
	s30 =	sadd.s32 $0x50, s0;
	v7 =	vmulhi.u32 $0x88888889, v6;
	v3 =	vmul.u32 $0xF0, v3;
	v5 =	vmul.u32 $0x2710, v5  }
0xf: {  	s29 =	simm.s32 $0x2;
	[smem:$0x7FF] =	sst s4;
	s19 =	smul.u32 $0x1400, s14;
	v14 =	vor.u32 s30, v4;
	v11 =	vmulhi.u32 $0x88888889, v9;
	v1 =	vsub.s32 v2, v1  }
0x10: {  	s13 =	sadd.s32 $0x2800, s5;
	s22 =	smul.u32 $0x4E20, s14;
	s25 =	sadd.s32 $0x40, s0;
	v7 =	vshrl.u32 v7, $0x7;
	v12 =	vsub.s32 v2, v3;
	v2 =	vsub.s32 v6, v5  }
0x11: {  	s23 =	sshll.u32 s14, $0x6;
	s8 =	smul.u32 $0x140000, s1;
	s1 =	ssub.s32 $0x2, s1;
	v3 =	vmul.u32 $0xF0, v7;
	v5 =	vshrl.u32 v10, $0xD;
	v10 =	vor.u32 s25, v4  }
0x12: {  	_ =	strace $0x8000004A;
	s18 =	sshrl.u32 s1, $0x1;
	s20 =	sadd.s32 s19, s2;
	v7 =	vshrl.u32 v11, $0x7;
	v5 =	vmul.u32 $0x2710, v5;
	v11 =	vmulhi.u32 $0xD1B71759, v10  }
0x13: {  	s21 =	sshrl.u32 s19, $0x3;
	s19 =	simm.s32 $0x2780;
	s0 =	sadd.s32 $0x60, s0;
	v7 =	vmul.u32 $0xF0, v7;
	v13 =	vsub.s32 v6, v3;
	v6 =	vmulhi.u32 $0x88888889, v10  }
0x14: {  	s8 =	sadd.s32 s10, s8;
	s1 =	ssub.s32 s1, s18;
	s6 =	sadd.s32 s6, s21;
	v15 =	vor.u32 s0, v4;
	v3 =	vsub.s32 v9, v5;
	v5 =	vmulhi.u32 $0xD1B71759, v14  }
0x15: {  	s24 =	smul.u32 $0x2700, s7;
	s26 =	sshll.u32 s7, $0x1;
	s14 =	sshrl.u32 s20, $0x3;
	v9 =	vsub.s32 v9, v7;
	v7 =	vshrl.u32 v11, $0xD;
	v11 =	vmulhi.u32 $0x88888889, v14  }
0x16: {  	s21 =	simm.s32 $0x80;
	s18 =	simm.s32 $0x4;
	s20 =	simm.s32 $0x0;
	v6 =	vshrl.u32 v6, $0x7;
	v7 =	vmul.u32 $0x2710, v7;
	v5 =	vshrl.u32 v5, $0xD  }
0x17: {  	s8 =	sshrl.u32 s8, $0x3;
	[dreg:$0x5] =	wrdreg s6;
	s6 =	sor.u32 $0x1C04, s23;
	v6 =	vmul.u32 $0xF0, v6;
	v11 =	vshrl.u32 v11, $0x7;
	v5 =	vmul.u32 $0x2710, v5  }
0x18: {  	s23 =	simm.s32 $0x5300;
	s10 =	sshrl.u32 s24, $0x3;
	s9 =	sadd.s32 s17, s5;
	v4 =	vsub.s32 v10, v7;
	v7 =	vmul.u32 $0xF0, v11;
	v11 =	vmulhi.u32 $0x88888889, v15  }
0x19: {  	s5 =	sadd.s32 s8, s5;
	s11 =	sshrl.u32 s22, $0x2;
	s7 =	sadd.s32 s13, s10;
	v16 =	vmulhi.u32 $0xD1B71759, v15;
	v9 =	vadd.s32 $0x2710, v9;
	v10 =	vsub.s32 v10, v6  }
0x1a: {  	s17 =	simm.s32 $0x10;
	s22 =	simm.s32 $0x4F00;
	s0 =	simm.s32 $0x3;
	v5 =	vsub.s32 v14, v5;
	v14 =	vsub.s32 v14, v7;
	v7 =	vshrl.u32 v11, $0x7  }
0x1b: {  	s15 =	sadd.s32 s11, s3;
	s11 =	sadd.s32 s26, s13;
	s9 =	sadd.s32 $0x16200, s9;
	v6 =	vsub.s32 v0, v8;
	v11 =	vshrl.u32 v16, $0xD;
	v63 =	vmul.u32 $0xF0, v7  }
0x1c: {  	s10 =	sadd.s32 $0x9C40, s7;
	s12 =	sadd.s32 $0x3D400, s5;
	s13 =	smax.u32 s1, $0x1;
	v8 =	vadd.s32 $0x2710, v13;
	v7 =	vadd.s32 $0x2710, v12;
	v12 =	vmul.u32 $0x2710, v11  }
0x1d: {  	[dreg:$0x6] =	wrdreg s9;
	s31 =	sadd.s32 $0x9C00, s11;
	s11 =	sadd.s32 $0x13840, s11;
	v6 =	vadd.s32 $0x2710, v6;
	v10 =	vadd.s32 $0x2710, v10;
	v13 =	vsub.s32 v15, v63  }
0x1e: {  	s15 =	sshrl.u32 s15, $0x3;
	[dreg:$0x7] =	wrdreg s31;
	s25 =	simm.s32 $0x5700;
	v11 =	vadd.s32 $0x2710, v14;
	v12 =	vsub.s32 v15, v12;
	v13 =	vadd.s32 $0x2710, v13  }
.LBB2_1:
0x1f: {  	s1 =	rddreg [dreg:$0x5]  }
0x20: {  	[spmem:s14], [sflag:s6] =	dma.local [hbm:s1], $0x280  }
0x21: {  	_ =	swait.ge [sflag:s18], $0x280  }
0x22: {  	[sflag:s18] =	ssyncset.done $0x0  }
0x23: {  	s9 =	rddreg [dreg:$0x6];
	[sflag:s18] =	ssyncadd.s32 $0xFFFFFD80  }
0x24: {  	[spmem:s15@s16], [sflag:s6] =	dma.strided [hbm:s9@s17], $0x271, s16, $0x1   }
0x25: {  	_ =	swait.ge [sflag:s18], $0x271  }
0x26: {  	[sflag:s18] =	ssyncset.done $0x0  }
0x27: {  	[sflag:s18] =	ssyncadd.s32 $0xFFFFFD8F  }
0x28: {  	[tilespmem:s4], [sflag:$0x1] =	stream.linear.gather [hbm4b:s7+s4], $0x2700, $0x38;
	[tilespmem:$0x9688] =	vst v63  }
0x29: {  	s5 =	simm.s32 $0x2700;
	s24 =	rddreg [dreg:$0x7]  }
0x2a: {  	[tilespmem:s5], [sflag:$0x1] =	stream.linear.gather [hbm4b:s24+s4], $0x10, $0x38;
	[tilespmem:$0x9688] =	vst v63  }
0x2b: {  	_ = 	snop  }
0x2c: {  	[tilespmem:s19], [sflag:$0x1] =	stream.linear.gather [hbm4b:s10+s4], $0x2700, $0x38;
	[tilespmem:$0x9688] =	vst v63  }
0x2d: {  	s26 =	simm.s32 $0x4E80  }
0x2e: {  	[tilespmem:s26], [sflag:$0x1] =	stream.linear.gather [hbm4b:s11+s4], $0x10, $0x38;
	[tilespmem:$0x9688] =	vst v63  }
0x2f: {  	[tilespmem:$0x2710] =	vst v0  }
0x30: {  	[tilespmem:$0x4E90] =	vst v6  }
0x31: {  	[tilespmem:$0x2720] =	vst v1  }
0x32: {  	[tilespmem:$0x4EA0] =	vst v7  }
0x33: {  	[tilespmem:$0x2730] =	vst v2  }
0x34: {  	[tilespmem:$0x4EB0] =	vst v8  }
0x35: {  	[tilespmem:$0x2740] =	vst v3  }
0x36: {  	[tilespmem:$0x4EC0] =	vst v9  }
0x37: {  	[tilespmem:$0x2750] =	vst v4  }
0x38: {  	[tilespmem:$0x4ED0] =	vst v10  }
0x39: {  	[tilespmem:$0x2760] =	vst v5  }
0x3a: {  	[tilespmem:$0x4EE0] =	vst v11  }
0x3b: {  	[tilespmem:$0x2770] =	vst v12  }
0x3c: {  	[tilespmem:$0x4EF0] =	vst v13  }
0x3d: {  	_ =	swait.ge [sflag:s16], $0x2700  }
0x3e: {  	[sflag:s16] =	ssyncset.done $0x0  }
0x3f: {  	[sflag:s16] =	ssyncadd.s32 $0xFFFFD900  }
0x40: {  	_ =	swait.ge [sflag:s16], $0x10  }
0x41: {  	[sflag:s16] =	ssyncset.done $0x0  }
0x42: {  	[sflag:s16] =	ssyncadd.s32 $0xFFFFFFF0  }
0x43: {  	_ =	swait.ge [sflag:s16], $0x2700  }
0x44: {  	[sflag:s16] =	ssyncset.done $0x0  }
0x45: {  	[sflag:s16] =	ssyncadd.s32 $0xFFFFD900  }
0x46: {  	_ =	swait.ge [sflag:s16], $0x10  }
0x47: {  	[sflag:s16] =	ssyncset.done $0x0  }
0x48: {  	[sflag:s16] =	ssyncadd.s32 $0xFFFFFFF0  }
0x49: {  	[bflag:$0x0] =	sbarrier.arrive $0xFFFF  }
0x4a: {  	[tilespmem:s22], [sflag:$0x2] =	stream.indirect.gather [spmem:s3], $0x8, s4, s21, $0xb8;
	[tilespmem:$0x9688] =	vst v63  }
0x4b: {  	_ = 	snop  }
0x4c: {  	[tilespmem:s23], [sflag:$0x2] =	stream.indirect.gather [spmem:s3], $0x8, s21, s21, $0xb8;
	[tilespmem:$0x9688] =	vst v63  }
0x4d: {  	s5 =	simm.s32 $0x100  }
0x4e: {  	[tilespmem:s25], [sflag:$0x2] =	stream.indirect.gather [spmem:s3], $0x8, s5, s21, $0xb8;
	[tilespmem:$0x9688] =	vst v63  }
0x4f: {  	s8 =	simm.s32 $0x180  }
0x50: {  	[tilespmem:s28], [sflag:$0x2] =	stream.indirect.gather [spmem:s3], $0x8, s8, s21, $0xb8;
	[tilespmem:$0x9688] =	vst v63  }
0x51: {  	_ =	swait.ge [sflag:s29], $0x400  }
0x52: {  	[sflag:s29] =	ssyncset.done $0x0  }
0x53: {  	[sflag:s29] =	ssyncadd.s32 $0xFFFFFC00  }
0x54: {  	[spmem:s2] =	stream.indirect.scatter.add.f32 [tilespmem:s22], [sflag:$0x3], $0x8, s19, s21, $0xb8;
	[tilespmem:$0x9688] =	vst v63  }
0x55: {  	s9 =	simm.s32 $0x200;
	s24 =	simm.s32 $0x5F00  }
0x56: {  	[tilespmem:s24], [sflag:$0x2] =	stream.indirect.gather [spmem:s3], $0x8, s9, s21, $0xb8;
	[tilespmem:$0x9688] =	vst v63  }
0x57: {  	_ =	swait.ge [sflag:s29], $0x400  }
0x58: {  	[sflag:s29] =	ssyncset.done $0x0  }
0x59: {  	s26 =	simm.s32 $0x2800;
	[sflag:s29] =	ssyncadd.s32 $0xFFFFFC00  }
0x5a: {  	[spmem:s2] =	stream.indirect.scatter.add.f32 [tilespmem:s23], [sflag:$0x3], $0x8, s26, s21, $0xb8;
	[tilespmem:$0x9688] =	vst v63  }
0x5b: {  	s5 =	simm.s32 $0x280;
	s8 =	simm.s32 $0x6300  }
0x5c: {  	[tilespmem:s8], [sflag:$0x2] =	stream.indirect.gather [spmem:s3], $0x8, s5, s21, $0xb8;
	[tilespmem:$0x9688] =	vst v63  }
0x5d: {  	_ =	swait.ge [sflag:s29], $0x400  }
0x5e: {  	[sflag:s29] =	ssyncset.done $0x0  }
0x5f: {  	s9 =	simm.s32 $0x2880;
	[sflag:s29] =	ssyncadd.s32 $0xFFFFFC00  }
0x60: {  	[spmem:s2] =	stream.indirect.scatter.add.f32 [tilespmem:s25], [sflag:$0x3], $0x8, s9, s21, $0xb8;
	[tilespmem:$0x9688] =	vst v63  }
0x61: {  	s24 =	simm.s32 $0x300;
	s26 =	simm.s32 $0x6700  }
0x62: {  	[tilespmem:s26], [sflag:$0x2] =	stream.indirect.gather [spmem:s3], $0x8, s24, s21, $0xb8;
	[tilespmem:$0x9688] =	vst v63  }
0x63: {  	_ =	swait.ge [sflag:s29], $0x400  }
0x64: {  	s30 =	simm.s32 $0x2A00;
	p0 =	por $0x0, $0x0;
	[sflag:s29] =	ssyncset.done $0x0  }
0x65: {  	s31 =	simm.s32 $0x480;
	s8 =	simm.s32 $0x2900;
	[sflag:s29] =	ssyncadd.s32 $0xFFFFFC00  }
0x66: {  	[spmem:s2] =	stream.indirect.scatter.add.f32 [tilespmem:s28], [sflag:$0x3], $0x8, s8, s21, $0xb8;
	[tilespmem:$0x9688] =	vst v63  }
0x67: {  	s9 =	simm.s32 $0x380;
	s24 =	simm.s32 $0x6B00;
	s26 =	simm.s32 $0x4000  }
0x68: {  	[tilespmem:s24], [sflag:$0x2] =	stream.indirect.gather [spmem:s3], $0x8, s9, s21, $0xb8;
	[tilespmem:$0x9688] =	vst v63  }
0x69: {  	s1 =	simm.s32 $0x8000;
	s5 =	sand.u32 $0x7000, s26;
	_ =	swait.ge [sflag:s29], $0x400  }
0x6a: {  	s1 =	sand.u32 @!p0 $0x7000, s1;
	s5 =	sshrl.u32 s5, $0x2;
	[sflag:s29] =	ssyncset.done $0x0  }
0x6b: {  	s5 =	sadd.s32 $0x4F00, s5;
	s8 =	simm.s32 $0x2980;
	[sflag:s29] =	ssyncadd.s32 $0xFFFFFC00  }
0x6c: {  	[spmem:s2] =	stream.indirect.scatter.add.f32 [tilespmem:s5], [sflag:$0x3], $0x8, s8, s21, $0xb8;
	[tilespmem:$0x9688] =	vst v63  }
0x6d: {  	s26 =	simm.s32 $0x5;
	s24 =	simm.s32 $0x400;
	_ =	swait.ge [sflag:s0], $0x400  }
0x6e: {  	s5 =	sshrl.u32 @!p0 s1, $0x2;
	s1 =	simm.s32 $0x9000;
	[sflag:s0] =	ssyncset.done $0x0  }
0x6f: {  	s8 =	simm.s32 @!p0 $0x80;
	s5 =	sadd.s32 @!p0 $0x4F00, s5;
	[sflag:s0] =	ssyncadd.s32 $0xFFFFFC00  }
.LBB2_2:
0x70: {  	[tilespmem:s5], [sflag:$0x2] =	stream.indirect.gather @!p0 [spmem:s3], $0x8, s24, s8, $0xb8;
	[tilespmem:$0x9688] =	vst v63  }
0x71: {  	s5 =	smov.u32 s26;
	s8 =	smov.u32 s30;
	s24 =	smov.u32 s31  }
0x72: {  	s9 =	sadd.s32 $0xFFFFC000, s1;
	s26 =	sadd.s32 $0x1, s26;
	_ =	swait.ge [sflag:s29], $0x400  }
0x73: {  	s9 =	sand.u32 $0x7000, s9;
	p1 =	sne.s32 s26, $0x4F;
	[sflag:s29] =	ssyncset.done $0x0  }
0x74: {  	s30 =	sadd.s32 $0x80, s30;
	s9 =	sshrl.u32 s9, $0x2;
	[sflag:s29] =	ssyncadd.s32 $0xFFFFFC00  }
.Ltmp0:
0x75: {  	p0 =	sgt.u32 s5, $0x4A;
	s9 =	sadd.s32 $0x4F00, s9;
	(pc) =	sbr.rel @p1 .LBB2_2-.Ltmp0, $4  }
0x76: {  	[spmem:s2] =	stream.indirect.scatter.add.f32 [tilespmem:s9], [sflag:$0x3], $0x8, s8, s21, $0xb8;
	[tilespmem:$0x9688] =	vst v63  }
0x77: {  	s31 =	sadd.s32 $0x80, s31;
	s5 =	sand.u32 @!p0 $0x7000, s1;
	_ =	swait.ge [sflag:s0], $0x400  }
0x78: {  	s1 =	sadd.s32 $0x1000, s1;
	s5 =	sshrl.u32 @!p0 s5, $0x2;
	[sflag:s0] =	ssyncset.done $0x0  }
0x79: {  	s5 =	sadd.s32 @!p0 $0x4F00, s5;
	s8 =	simm.s32 @!p0 $0x80;
	[sflag:s0] =	ssyncadd.s32 $0xFFFFFC00  }
0x7a: {  	[tilespmem:s5], [sflag:$0x2] =	stream.indirect.gather @!p0 [spmem:s3], $0x8, s24, s8, $0xb8;
	[tilespmem:$0x9688] =	vst v63  }
0x7b: {  	_ =	swait.ge [sflag:s0], $0x400  }
0x7c: {  	[sflag:s0] =	ssyncset.done $0x0  }
0x7d: {  	[sflag:s0] =	ssyncadd.s32 $0xFFFFFC00  }
0x7e: {  	_ =	swait.ge [sflag:s0], $0x400  }
0x7f: {  	[sflag:s0] =	ssyncset.done $0x0  }
0x80: {  	[sflag:s0] =	ssyncadd.s32 $0xFFFFFC00  }
0x81: {  	_ =	swait.ge [sflag:s0], $0x400  }
0x82: {  	[sflag:s0] =	ssyncset.done $0x0  }
0x83: {  	[sflag:s0] =	ssyncadd.s32 $0xFFFFFC00  }
0x84: {  	_ =	swait.ge [sflag:s0], $0x400  }
0x85: {  	s20 =	sadd.s32 $0x1, s20;
	[sflag:s0] =	ssyncset.done $0x0  }
0x86: {  	p0 =	sne.s32 s20, s13;
	[sflag:s0] =	ssyncadd.s32 $0xFFFFFC00  }
.Ltmp1:
0x87: {  	[bflag:$0x0] =	sbarrier.arrive $0xFFFF;
	(pc) =	sbr.rel @p0 .LBB2_1-.Ltmp1, $4  }
0x88: {  	[hbm:s12@s17], [sflag:s6] =	dma.strided [spmem:s14@s16], $0x280, s16, $0x1   }
0x89: {  	_ =	swait.ge [sflag:s18], $0x280  }
0x8a: {  	[sflag:s18] =	ssyncset.done $0x0  }
0x8b: {  	[sflag:s18] =	ssyncadd.s32 $0xFFFFFD80  }
0x8c: {  	_ =	sfence.sel $0x180000  }
0x8d: {  	[bflag:$0x0] =	sbarrier.arrive $0xFFFF  }
0x8e: {  	_ =	strace $0x9000004A  }
0x8f: {  	s0 =	stileid.u32;
	[bflag:$0x2] =	sbarrier.arrive $0xFFFF  }
0x90: {  	p0 =	sne.s32 s0, $0x0;
	s0 =	rddreg [dreg:$0x4]  }
0x91: {  	s0 =	sadd.s32 @!p0 $0x100000, s0  }
0x92: {  	[sflag:s0] =	ssyncadd.tile.s32 @!p0 $0x1;
	_ =	shalt  }
.Lfunc_end2:
_tile_overlayer_lowered:
.L_overlay_start_2:
0x93: {  	(tag) =	ssettag $0x2  }
0x94: {  	s0 =	rddreg [dreg:$0x0];
	s2 =	stileid.u32  }
0x95: {  	s1 =	rddreg [dreg:$0x1];
	p0 =	sne.s32 s2, $0x0  }
0x96: {  	s3 =	rddreg [dreg:$0x2];
	[bflag:$0x3] =	sbarrier.arrive $0xFFFF;
	s2 =	simm.s32 @!p0 $0x1C04  }
0x97: {  	[timem:s3], [sflag:s2] =	dma.local @!p0 [hbm:s0], s1  }
0x98: {  	s0 =	simm.s32 @!p0 $0x4  }
0x99: {  	_ =	swait.ge @!p0 [sflag:s0], s1  }
0x9a: {  	s1 =	ssub.s32 @!p0 $0x0, s1;
	[sflag:s0] =	ssyncset.done @!p0 $0x0  }
0x9b: {  	[sflag:s0] =	ssyncadd.s32 @!p0 s1  }
0x9c: {  	[bflag:$0x3] =	sbarrier.arrive $0xFFFF  }
0x9d: {  	_ =	shalt  }

// kernel: kernel.14.cloned.1.call-start
scs
__scs_entry_jumppad:
0x0: {  	(pc) =	sbr.rel $0x88, $3  }
0x1: {  	(tag) =	ssettag $0x0;
	lr =	simm.s32 $0x1  }
0x2: {  	[smem:$0x3F9B] =	sst lr;
	_ =	strace $0xD0000000  }
0x3: {  	_ = 	snop  }
0x4: {  	_ = 	snop  }
0x5: {  	_ = 	snop  }
0x6: {  	_ = 	snop  }
0x7: {  	_ = 	snop  }
__scs_overlays_trampoline_lowered:
0x8: {  	[smem:$0x3FAA] =	sst s0  }
0x9: {  	[smem:$0x3FAB] =	sst s1  }
0xa: {  	[smem:$0x3FAC] =	sst s2  }
0xb: {  	[smem:$0x3FAD] =	sst s3  }
0xc: {  	[smem:$0x3FAE] =	sst s4  }
0xd: {  	[smem:$0x3FAF] =	sst s5  }
0xe: {  	[smem:$0x3FB0] =	sst s6  }
0xf: {  	[smem:$0x3FB1] =	sst s7  }
0x10: {  	[smem:$0x3FB2] =	sst s8  }
0x11: {  	[smem:$0x3FB3] =	sst s9;
	s0 =	simm.s32 @!p0 $0x0  }
0x12: {  	s1 =	sld [smem:$0x3F99];
	s0 =	simm.s32 @p0 $0x1  }
0x13: {  	[smem:$0x3FB4] =	sst s0;
	s0 =	simm.s32 @!p1 $0x0  }
0x14: {  	s2 =	sld [smem:$0x3F98];
	s0 =	simm.s32 @p1 $0x1  }
0x15: {  	[smem:$0x3FB5] =	sst s0;
	s0 =	simm.s32 @!p2 $0x0  }
0x16: {  	s3 =	sld [smem:$0x3FDB];
	s0 =	simm.s32 @p2 $0x1  }
0x17: {  	s4 =	simm.s32 $0x1BF5;
	[smem:$0x3FB7] =	sst s0  }
0x18: {  	s0 =	sld [smem:$0x3F9A];
	_ =	swait.ge [sflag:s4], $0x0  }
0x19: {  	s7 =	sld [smem:$0x3F9B]  }
0x1a: {  	s8 =	sadd.s32 $0xFFFFE003, lr  }
0x1b: {  	s9 =	sadd.s32 $0xFFFFFEF7, lr;
	s5 =	simm.s32 $0xFFFFFFFF;
	p2 =	slt.u32 s8, $0xFFFFF086  }
0x1c: {  	p1 =	slt.u32 s9, $0xF7A;
	s5 =	simm.s32 @!p2 $0x0  }
0x1d: {  	s5 =	simm.s32 @p1 $0x1;
	p0 =	seq.s32 s7, s2  }
0x1e: {  	s7 =	smul.u32 @!p0 $0xF7A, s2;
	p2 =	seq.s32 @!p0 s5, $0x0  }
0x1f: {  	s9 =	smul.u32 $0xF7A, s1;
	s8 =	simm.s32 @!p0 $0x1BF5;
	p2 =	por !p2, p0  }
0x20: {  	[sflag:s8] =	ssyncset.s32 @!p0 $0xFFFFF086;
	s6 =	sadd.s32 @!p0 s3, s7;
	s7 =	simm.s32 @!p0 $0x108  }
0x21: {  	s3 =	sadd.s32 s3, s9;
	s6 =	sadd.s32 @!p0 $0x88, s6;
	s7 =	simm.s32 @p2 $0x1082  }
0x22: {  	[simem:s7], [sflag:s8] =	dma.local @!p0 [hbm:s6], $0xF7A  }
0x23: {  	s9 =	sor.u32 $0xD0000000, s2;
	s6 =	simm.s32 $0x108;
	_ =	swait.ge @!p0 [sflag:s8], $0x0  }
0x24: {  	s3 =	sadd.s32 $0x88, s3;
	s6 =	simm.s32 @!p1 $0x1082;
	[sflag:s4] =	ssyncset.s32 $0xFFFFF086  }
0x25: {  	[simem:s6], [sflag:s4] =	dma.local [hbm:s3], $0xF7A  }
0x26: {  	[smem:$0x3F9B] =	sst s1;
	(tag) =	ssettag s2;
	_ =	strace s9  }
0x27: {  	s1 =	sld [smem:$0x3FAB]  }
0x28: {  	s2 =	sld [smem:$0x3FAC]  }
0x29: {  	s4 =	sld [smem:$0x3FAE]  }
0x2a: {  	p0 =	seq.s32 s5, $0x0;
	s5 =	sld [smem:$0x3FAF]  }
0x2b: {  	s6 =	sld [smem:$0x3FB0]  }
0x2c: {  	s7 =	sld [smem:$0x3FB1]  }
0x2d: {  	s3 =	simm.s32 $0x108;
	s8 =	sld [smem:$0x3FB2]  }
0x2e: {  	s3 =	simm.s32 @!p0 $0x1082;
	s9 =	sld [smem:$0x3FB3]  }
0x2f: {  	lr =	sadd.s32 s0, s3;
	s0 =	sld [smem:$0x3FAA]  }
0x30: {  	s3 =	sld [smem:$0x3FAD]  }
0x31: {  	[smem:$0x3FB6] =	sst s10  }
0x32: {  	s10 =	sld [smem:$0x3FB4];
	_ =	sdelay $0x3  }
0x33: {  	p0 =	seq.s32 s10, $0x1;
	s10 =	sld [smem:$0x3FB6];
	_ =	sdelay $0x3  }
0x34: {  	[smem:$0x3FB6] =	sst s10  }
0x35: {  	s10 =	sld [smem:$0x3FB5];
	_ =	sdelay $0x3  }
0x36: {  	p1 =	seq.s32 s10, $0x1;
	s10 =	sld [smem:$0x3FB6];
	_ =	sdelay $0x3  }
0x37: {  	[smem:$0x3FB6] =	sst s10  }
0x38: {  	s10 =	sld [smem:$0x3FB7]  }
0x39: {  	_ = 	snop;
	(pc) =	sbr.ind lr, $3  }
0x3a: {  	_ = 	snop  }
0x3b: {  	_ = 	snop  }
0x3c: {  	p2 =	seq.s32 s10, $0x1;
	s10 =	sld [smem:$0x3FB6]  }
0x3d: {  	_ =	shalt  }
0x3e: {  	_ =	shalt  }
0x3f: {  	_ =	shalt  }
0x40: {  	_ =	shalt  }
0x41: {  	_ =	shalt  }
0x42: {  	_ =	shalt  }
0x43: {  	_ =	shalt  }
0x44: {  	_ =	shalt  }
0x45: {  	_ =	shalt  }
0x46: {  	_ =	shalt  }
0x47: {  	_ =	shalt  }
0x48: {  	_ =	shalt  }
0x49: {  	_ =	shalt  }
0x4a: {  	_ =	shalt  }
0x4b: {  	_ =	shalt  }
0x4c: {  	_ =	shalt  }
0x4d: {  	_ =	shalt  }
0x4e: {  	_ =	shalt  }
0x4f: {  	_ =	shalt  }
0x50: {  	_ =	shalt  }
0x51: {  	_ =	shalt  }
0x52: {  	_ =	shalt  }
0x53: {  	_ =	shalt  }
0x54: {  	_ =	shalt  }
0x55: {  	_ =	shalt  }
0x56: {  	_ =	shalt  }
0x57: {  	_ =	shalt  }
0x58: {  	_ =	shalt  }
0x59: {  	_ =	shalt  }
0x5a: {  	_ =	shalt  }
0x5b: {  	_ =	shalt  }
0x5c: {  	_ =	shalt  }
0x5d: {  	_ =	shalt  }
0x5e: {  	_ =	shalt  }
0x5f: {  	_ =	shalt  }
0x60: {  	_ =	shalt  }
0x61: {  	_ =	shalt  }
0x62: {  	_ =	shalt  }
0x63: {  	_ =	shalt  }
0x64: {  	_ =	shalt  }
0x65: {  	_ =	shalt  }
0x66: {  	_ =	shalt  }
0x67: {  	_ =	shalt  }
0x68: {  	_ =	shalt  }
0x69: {  	_ =	shalt  }
0x6a: {  	_ =	shalt  }
0x6b: {  	_ =	shalt  }
0x6c: {  	_ =	shalt  }
0x6d: {  	_ =	shalt  }
0x6e: {  	_ =	shalt  }
0x6f: {  	_ =	shalt  }
0x70: {  	_ =	shalt  }
0x71: {  	_ =	shalt  }
0x72: {  	_ =	shalt  }
0x73: {  	_ =	shalt  }
0x74: {  	_ =	shalt  }
0x75: {  	_ =	shalt  }
0x76: {  	_ =	shalt  }
0x77: {  	_ =	shalt  }
0x78: {  	_ =	shalt  }
0x79: {  	_ =	shalt  }
0x7a: {  	_ =	shalt  }
0x7b: {  	_ =	shalt  }
0x7c: {  	_ =	shalt  }
0x7d: {  	_ =	shalt  }
0x7e: {  	_ =	shalt  }
0x7f: {  	_ =	shalt  }
0x80: {  	_ =	shalt  }
0x81: {  	_ =	shalt  }
0x82: {  	_ =	shalt  }
0x83: {  	_ =	shalt  }
0x84: {  	_ =	shalt  }
0x85: {  	_ =	shalt  }
0x86: {  	_ =	shalt  }
0x87: {  	_ =	shalt  }
.Lfunc_end0:
.L_simem_size_0:
called_computation.2_lowered:
.L_overlay_start_0:
0x88: {  	s2 =	sld [smem:$0x3FD9]  }
0x89: {  	s3 =	sld [smem:$0x3FFE];
	_ =	sdelay $0x1  }
0x8a: {  	s1 =	srdreg.scid  }
0x8b: {  	s0 =	sand.u32 $0x1, s1  }
0x8c: {  	s16 =	sshll.u32 s0, $0xA;
	s2 =	sadd.s32 s3, s2  }
0x8d: {  	s2 =	sadd.s32 s2, s16  }
0x8e: {  	[smem:$0x3FC2] =	sst s2  }
0x8f: {  	_ = 	snop  }
0x90: {  	(tm) =	ssettm $0x1  }
0x91: {  	s17 =	sld [smem:$0x3FFB];
	_ =	sdelay $0x3  }
0x92: {  	_ =	strace s17  }
0x93: {  	s2 =	sld [smem:$0x3FFC];
	_ =	sdelay $0x3  }
0x94: {  	_ =	strace s2  }
0x95: {  	s2 =	sld [smem:$0x3FFD];
	_ =	sdelay $0x3  }
0x96: {  	_ =	strace s2  }
0x97: {  	_ =	strace $0x8FFFFFFF  }
0x98: {  	s18 =	sld [smem:$0x3FDB];
	_ =	sdelay $0x1  }
0x99: {  	s19 =	simm.s32 $_scs_section_size  }
0x9a: {  	s4 =	simm.s32 $_size__tile_overlayer_lowered;
	s5 =	simm.s32 $_tile_overlayer_lowered  }
0x9b: {  	s22 =	simm.s32 $0x1BFF;
	s21 =	sshll.u32 s5, $0x1;
	s2 =	sadd.s32 s19, s18  }
0x9c: {  	s6 =	simm.s32 $0x0;
	s20 =	sshll.u32 s4, $0x1;
	s4 =	sadd.s32 s21, s2  }
0x9d: {  	[timem:s6], [sflag:s22] =	dma.local [hbm:s4], s20  }
0x9e: {  	_ =	swait.ge [sflag:s22], s20  }
0x9f: {  	s3 =	ssub.s32 $0x0, s20;
	[sflag:s22] =	ssyncset.done $0x0  }
0xa0: {  	[sflag:s22] =	ssyncadd.s32 s3;
	_ =	sdelay $0x1  }
0xa1: {  	s23 =	simm.s32 $0x1B8B  }
0xa2: {  	_ =	swait.ge [sflag:s23], $0x1  }
0xa3: {  	[sflag:s23] =	ssyncset.done $0x0  }
0xa4: {  	s25 =	simm.s32 $0x1B8E;
	s24 =	sld [smem:$0x3FFE];
	[sflag:s23] =	ssyncadd.s32 $0xFFFFFFFF  }
0xa5: {  	s26 =	simm.s32 $execute0_lowered;
	[smem:$0x3FD2] =	sst s25  }
0xa6: {  	s4 =	sshll.u32 s26, $0x1;
	_ =	strace $0x8000004C;
	[dreg:$0x1] =	wrdreg $0xFFFFFFFF  }
0xa7: {  	s28 =	simm.s32 $_size_execute0_lowered;
	s2 =	sadd.s32 s2, s4;
	[dreg:$0x0] =	wrdreg $0x0  }
0xa8: {  	s4 =	sshll.u32 s28, $0x1;
	[dreg:$0x2] =	wrdreg s2  }
0xa9: {  	[dreg:$0x3] =	wrdreg s4  }
0xaa: {  	[dreg:$0x4] =	wrdreg $0xC0  }
0xab: {  	_ =	task [dreg:s6], $0x5FFFF  }
0xac: {  	[dreg:$0x1] =	wrdreg $0xFFFFFFFF  }
0xad: {  	[dreg:$0x0] =	wrdreg $0x60  }
0xae: {  	[dreg:$0x2] =	wrdreg s24  }
0xaf: {  	[dreg:$0x3] =	wrdreg $0x8F000  }
0xb0: {  	[dreg:$0x4] =	wrdreg $0xB7000  }
0xb1: {  	[dreg:$0x5] =	wrdreg $0x9  }
0xb2: {  	_ =	task.clear_ibuf [dreg:s6], $0x6FFFF;
	_ =	strace $0x9000004C  }
0xb3: {  	s29 =	simm.s32 $0x9;
	_ =	strace $0x8000004E  }
0xb4: {  	_ =	swait.ge [sflag:s29], $0x1  }
0xb5: {  	[sflag:s29] =	ssyncadd.s32 $0xFFFFFFFF  }
0xb6: {  	_ =	strace $0x9000004E  }
0xb7: {  	_ =	sfence  }
0xb8: {  	s30 =	sld [smem:$0x0];
	_ =	sdelay $0x2  }
0xb9: {  	s31 =	sshll.u32 s1, $0xD;
	s1 =	sshrl.u32 s1, $0x2  }
0xba: {  	s3 =	sand.u32 $0x4000, s31;
	s1 =	sadd.s32 s1, s30  }
0xbb: {  	s0 =	sor.u32 s3, s0;
	s1 =	sshll.u32 s1, $0x11  }
0xbc: {  	s0 =	sor.u32 s1, s0  }
0xbd: {  	s0 =	sadd.s32 $0x8F2B, s0  }
0xbe: {  	[sflag:s0] =	ssyncadd.remote.s32 $0x1  }
0xbf: {  	_ =	sfence.sel $0xFFFF  }
0xc0: {  	[dreg:$0x0] =	wrdreg $0xFFFFFFFF;
	(pc) =	sbr.abs _section_cstart, $3  }
0xc1: {  	[dreg:$0x1] =	wrdreg $0xFFFFFFFF  }
0xc2: {  	_ =	task.clear_ibuf [dreg:s6], $0x2FFFF;
	_ =	strace $0x9FFFFFFF  }
0xc3: {  	(tm) =	ssettm $0x7FFFFFFF  }
tec
execute0_lowered:
.L_overlay_start_1:
0x0: {  	(tag) =	ssettag $0x1  }
0x1: {  	s0 =	srdreg.scid  }
0x2: {  	s2 =	sand.u32 $0x1, s0  }
0x3: {  	s14 =	stileid.u32;
	s0 =	sshll.u32 s2, $0x4  }
0x4: {  	s5 =	sor.u32 s14, s0  }
0x5: {  	s0 =	smul.u32 $0x70, s5  }
0x6: {  	v4 =	vlaneseq.u32  }
0x7: {  	v0 =	vor.u32 s0, v4;
	s9 =	sadd.s32 $0x10, s0  }
0x8: {  	v1 =	vmulhi.u32 $0x88888889, v0;
	v2 =	vor.u32 s9, v4  }
0x9: {  	s11 =	sadd.s32 $0x20, s0;
	v3 =	vmulhi.u32 $0xD1B71759, v2  }
0xa: {  	s6 =	rddreg [dreg:$0x0];
	s20 =	sadd.s32 $0x30, s0;
	v6 =	vor.u32 s11, v4;
	v5 =	vmulhi.u32 $0x88888889, v2  }
0xb: {  	s1 =	rddreg [dreg:$0x1];
	v9 =	vor.u32 s20, v4;
	v7 =	vmulhi.u32 $0xD1B71759, v6;
	v1 =	vshrl.u32 v1, $0x7  }
0xc: {  	s3 =	rddreg [dreg:$0x2];
	s7 =	smul.u32 $0x2710, s14;
	v10 =	vmulhi.u32 $0xD1B71759, v9;
	v3 =	vshrl.u32 v3, $0xD;
	v8 =	vmul.u32 $0xF0, v1  }
0xd: {  	s4 =	simm.s32 $0x0;
	s29 =	simm.s32 $0x6700;
	s8 =	smul.u32 $0x2800, s14;
	v1 =	vmul.u32 $0x2710, v3;
	v3 =	vshrl.u32 v5, $0x7;
	v5 =	vshrl.u32 v7, $0xD  }
0xe: {  	s16 =	simm.s32 $0x1;
	s17 =	smul.u32 $0x14000, s14;
	s28 =	sadd.s32 $0x50, s0;
	v7 =	vmulhi.u32 $0x88888889, v6;
	v3 =	vmul.u32 $0xF0, v3;
	v5 =	vmul.u32 $0x2710, v5  }
0xf: {  	[smem:$0x7FF] =	sst s4;
	s18 =	sadd.s32 $0x2800, s6;
	s22 =	smul.u32 $0x9C40, s14;
	v14 =	vor.u32 s28, v4;
	v11 =	vmulhi.u32 $0x88888889, v9;
	v1 =	vsub.s32 v2, v1  }
0x10: {  	s24 =	sshll.u32 s14, $0x6;
	s10 =	smul.u32 $0x140000, s2;
	s26 =	sadd.s32 $0x40, s0;
	v7 =	vshrl.u32 v7, $0x7;
	v12 =	vsub.s32 v2, v3;
	v2 =	vsub.s32 v6, v5  }
0x11: {  	_ =	strace $0x8000004D;
	s2 =	ssub.s32 $0x2, s2;
	s12 =	sadd.s32 s7, s6;
	v3 =	vmul.u32 $0xF0, v7;
	v5 =	vshrl.u32 v10, $0xD;
	v10 =	vor.u32 s26, v4  }
0x12: {  	s19 =	sshrl.u32 s8, $0x3;
	s21 =	sshrl.u32 s2, $0x1;
	s8 =	sadd.s32 s8, s1;
	v7 =	vshrl.u32 v11, $0x7;
	v5 =	vmul.u32 $0x2710, v5;
	v11 =	vmulhi.u32 $0xD1B71759, v10  }
0x13: {  	s7 =	sadd.s32 s19, s6;
	s2 =	ssub.s32 s2, s21;
	s0 =	sadd.s32 $0x60, s0;
	v7 =	vmul.u32 $0xF0, v7;
	v13 =	vsub.s32 v6, v3;
	v6 =	vmulhi.u32 $0x88888889, v10  }
0x14: {  	s25 =	smul.u32 $0x2700, s5;
	s5 =	sshll.u32 s5, $0x1;
	s30 =	sadd.s32 $0x16200, s12;
	v15 =	vor.u32 s0, v4;
	v3 =	vsub.s32 v9, v5;
	v5 =	vmulhi.u32 $0xD1B71759, v14  }
0x15: {  	s14 =	sshrl.u32 s8, $0x3;
	s19 =	simm.s32 $0x4;
	s21 =	simm.s32 $0x0;
	v9 =	vsub.s32 v9, v7;
	v7 =	vshrl.u32 v11, $0xD;
	v11 =	vmulhi.u32 $0x88888889, v14  }
0x16: {  	s23 =	sadd.s32 $0x3D400, s7;
	s5 =	sadd.s32 s5, s18;
	[dreg:$0x5] =	wrdreg s30;
	v6 =	vshrl.u32 v6, $0x7;
	v7 =	vmul.u32 $0x2710, v7;
	v5 =	vshrl.u32 v5, $0xD  }
0x17: {  	[dreg:$0x4] =	wrdreg s23;
	s7 =	sshrl.u32 s25, $0x3;
	s31 =	sadd.s32 $0x9C00, s5;
	v6 =	vmul.u32 $0xF0, v6;
	v11 =	vshrl.u32 v11, $0x7;
	v5 =	vmul.u32 $0x2710, v5  }
0x18: {  	s23 =	simm.s32 $0x4F00;
	s9 =	sadd.s32 s17, s10;
	s7 =	sadd.s32 s18, s7;
	v4 =	vsub.s32 v10, v7;
	v7 =	vmul.u32 $0xF0, v11;
	v11 =	vmulhi.u32 $0x88888889, v15  }
0x19: {  	[dreg:$0x6] =	wrdreg s31;
	s11 =	sadd.s32 $0x13840, s5;
	s17 =	simm.s32 $0x2;
	v16 =	vmulhi.u32 $0xD1B71759, v15;
	v9 =	vadd.s32 $0x2710, v9;
	v10 =	vsub.s32 v10, v6  }
0x1a: {  	s18 =	simm.s32 $0x10;
	s20 =	simm.s32 $0x2780;
	s9 =	sshrl.u32 s9, $0x3;
	v5 =	vsub.s32 v14, v5;
	v14 =	vsub.s32 v14, v7;
	v7 =	vshrl.u32 v11, $0x7  }
0x1b: {  	s0 =	simm.s32 $0x3;
	s10 =	sadd.s32 $0x9C40, s7;
	s13 =	sadd.s32 s9, s6;
	v6 =	vsub.s32 v0, v8;
	v11 =	vshrl.u32 v16, $0xD;
	v63 =	vmul.u32 $0xF0, v7  }
0x1c: {  	s6 =	sor.u32 $0x1C04, s24;
	s9 =	sshrl.u32 s22, $0x2;
	s22 =	simm.s32 $0x80;
	v8 =	vadd.s32 $0x2710, v13;
	v7 =	vadd.s32 $0x2710, v12;
	v12 =	vmul.u32 $0x2710, v11  }
0x1d: {  	s24 =	simm.s32 $0x5700;
	s15 =	sadd.s32 s9, s3;
	s12 =	sadd.s32 $0x42400, s13;
	v6 =	vadd.s32 $0x2710, v6;
	v10 =	vadd.s32 $0x2710, v10;
	v13 =	vsub.s32 v15, v63  }
0x1e: {  	s13 =	smax.u32 s2, $0x1;
	s15 =	sshrl.u32 s15, $0x3;
	s26 =	simm.s32 $0x5F00;
	v11 =	vadd.s32 $0x2710, v14;
	v12 =	vsub.s32 v15, v12;
	v13 =	vadd.s32 $0x2710, v13  }
.LBB2_1:
0x1f: {  	s2 =	rddreg [dreg:$0x4]  }
0x20: {  	[spmem:s14], [sflag:s6] =	dma.local [hbm:s2], $0x500  }
0x21: {  	_ =	swait.ge [sflag:s19], $0x500  }
0x22: {  	[sflag:s19] =	ssyncset.done $0x0  }
0x23: {  	s8 =	rddreg [dreg:$0x5];
	[sflag:s19] =	ssyncadd.s32 $0xFFFFFB00  }
0x24: {  	[spmem:s15@s17], [sflag:s6] =	dma.strided [hbm:s8@s18], $0x4E2, s16, $0x2   }
0x25: {  	_ =	swait.ge [sflag:s19], $0x4E2  }
0x26: {  	[sflag:s19] =	ssyncset.done $0x0  }
0x27: {  	[sflag:s19] =	ssyncadd.s32 $0xFFFFFB1E  }
0x28: {  	[tilespmem:s4], [sflag:$0x1] =	stream.linear.gather [hbm4b:s7+s4], $0x2700, $0x38;
	[tilespmem:$0xDE10] =	vst v63  }
0x29: {  	s5 =	simm.s32 $0x2700;
	s9 =	rddreg [dreg:$0x6]  }
0x2a: {  	[tilespmem:s5], [sflag:$0x1] =	stream.linear.gather [hbm4b:s9+s4], $0x10, $0x38;
	[tilespmem:$0xDE10] =	vst v63  }
0x2b: {  	_ = 	snop  }
0x2c: {  	[tilespmem:s20], [sflag:$0x1] =	stream.linear.gather [hbm4b:s10+s4], $0x2700, $0x38;
	[tilespmem:$0xDE10] =	vst v63  }
0x2d: {  	s25 =	simm.s32 $0x4E80  }
0x2e: {  	[tilespmem:s25], [sflag:$0x1] =	stream.linear.gather [hbm4b:s11+s4], $0x10, $0x38;
	[tilespmem:$0xDE10] =	vst v63  }
0x2f: {  	[tilespmem:$0x2710] =	vst v0  }
0x30: {  	[tilespmem:$0x4E90] =	vst v6  }
0x31: {  	[tilespmem:$0x2720] =	vst v1  }
0x32: {  	[tilespmem:$0x4EA0] =	vst v7  }
0x33: {  	[tilespmem:$0x2730] =	vst v2  }
0x34: {  	[tilespmem:$0x4EB0] =	vst v8  }
0x35: {  	[tilespmem:$0x2740] =	vst v3  }
0x36: {  	[tilespmem:$0x4EC0] =	vst v9  }
0x37: {  	[tilespmem:$0x2750] =	vst v4  }
0x38: {  	[tilespmem:$0x4ED0] =	vst v10  }
0x39: {  	[tilespmem:$0x2760] =	vst v5  }
0x3a: {  	[tilespmem:$0x4EE0] =	vst v11  }
0x3b: {  	[tilespmem:$0x2770] =	vst v12  }
0x3c: {  	[tilespmem:$0x4EF0] =	vst v13  }
0x3d: {  	_ =	swait.ge [sflag:s16], $0x2700  }
0x3e: {  	[sflag:s16] =	ssyncset.done $0x0  }
0x3f: {  	[sflag:s16] =	ssyncadd.s32 $0xFFFFD900  }
0x40: {  	_ =	swait.ge [sflag:s16], $0x10  }
0x41: {  	[sflag:s16] =	ssyncset.done $0x0  }
0x42: {  	[sflag:s16] =	ssyncadd.s32 $0xFFFFFFF0  }
0x43: {  	_ =	swait.ge [sflag:s16], $0x2700  }
0x44: {  	[sflag:s16] =	ssyncset.done $0x0  }
0x45: {  	[sflag:s16] =	ssyncadd.s32 $0xFFFFD900  }
0x46: {  	_ =	swait.ge [sflag:s16], $0x10  }
0x47: {  	[sflag:s16] =	ssyncset.done $0x0  }
0x48: {  	[sflag:s16] =	ssyncadd.s32 $0xFFFFFFF0  }
0x49: {  	[bflag:$0x0] =	sbarrier.arrive $0xFFFF  }
0x4a: {  	[tilespmem:s23], [sflag:$0x2] =	stream.indirect.gather [spmem:s3], $0x10, s4, s22, $0xb8;
	[tilespmem:$0xDE10] =	vst v63  }
0x4b: {  	_ = 	snop  }
0x4c: {  	[tilespmem:s24], [sflag:$0x2] =	stream.indirect.gather [spmem:s3], $0x10, s22, s22, $0xb8;
	[tilespmem:$0xDE10] =	vst v63  }
0x4d: {  	s5 =	simm.s32 $0x100  }
0x4e: {  	[tilespmem:s26], [sflag:$0x2] =	stream.indirect.gather [spmem:s3], $0x10, s5, s22, $0xb8;
	[tilespmem:$0xDE10] =	vst v63  }
0x4f: {  	s8 =	simm.s32 $0x180  }
0x50: {  	[tilespmem:s29], [sflag:$0x2] =	stream.indirect.gather [spmem:s3], $0x10, s8, s22, $0xb8;
	[tilespmem:$0xDE10] =	vst v63  }
0x51: {  	_ =	swait.ge [sflag:s17], $0x800  }
0x52: {  	[sflag:s17] =	ssyncset.done $0x0  }
0x53: {  	[sflag:s17] =	ssyncadd.s32 $0xFFFFF800  }
0x54: {  	[spmem:s1] =	stream.indirect.scatter.add.f32 [tilespmem:s23], [sflag:$0x3], $0x10, s20, s22, $0xb8;
	[tilespmem:$0xDE10] =	vst v63  }
0x55: {  	s9 =	simm.s32 $0x200;
	s25 =	simm.s32 $0x6F00  }
0x56: {  	[tilespmem:s25], [sflag:$0x2] =	stream.indirect.gather [spmem:s3], $0x10, s9, s22, $0xb8;
	[tilespmem:$0xDE10] =	vst v63  }
0x57: {  	_ =	swait.ge [sflag:s17], $0x800  }
0x58: {  	[sflag:s17] =	ssyncset.done $0x0  }
0x59: {  	s8 =	simm.s32 $0x2800;
	[sflag:s17] =	ssyncadd.s32 $0xFFFFF800  }
0x5a: {  	[spmem:s1] =	stream.indirect.scatter.add.f32 [tilespmem:s24], [sflag:$0x3], $0x10, s8, s22, $0xb8;
	[tilespmem:$0xDE10] =	vst v63  }
0x5b: {  	s9 =	simm.s32 $0x280;
	s25 =	simm.s32 $0x7700  }
0x5c: {  	[tilespmem:s25], [sflag:$0x2] =	stream.indirect.gather [spmem:s3], $0x10, s9, s22, $0xb8;
	[tilespmem:$0xDE10] =	vst v63  }
0x5d: {  	_ =	swait.ge [sflag:s17], $0x800  }
0x5e: {  	[sflag:s17] =	ssyncset.done $0x0  }
0x5f: {  	s5 =	simm.s32 $0x2880;
	[sflag:s17] =	ssyncadd.s32 $0xFFFFF800  }
0x60: {  	[spmem:s1] =	stream.indirect.scatter.add.f32 [tilespmem:s26], [sflag:$0x3], $0x10, s5, s22, $0xb8;
	[tilespmem:$0xDE10] =	vst v63  }
0x61: {  	s8 =	simm.s32 $0x300;
	s9 =	simm.s32 $0x7F00  }
0x62: {  	[tilespmem:s9], [sflag:$0x2] =	stream.indirect.gather [spmem:s3], $0x10, s8, s22, $0xb8;
	[tilespmem:$0xDE10] =	vst v63  }
0x63: {  	_ =	swait.ge [sflag:s17], $0x800  }
0x64: {  	s28 =	simm.s32 $0x5;
	s30 =	simm.s32 $0x2A00;
	[sflag:s17] =	ssyncset.done $0x0  }
0x65: {  	p0 =	por $0x0, $0x0;
	s25 =	simm.s32 $0x2900;
	[sflag:s17] =	ssyncadd.s32 $0xFFFFF800  }
0x66: {  	[spmem:s1] =	stream.indirect.scatter.add.f32 [tilespmem:s29], [sflag:$0x3], $0x10, s25, s22, $0xb8;
	[tilespmem:$0xDE10] =	vst v63  }
0x67: {  	s5 =	simm.s32 $0x380;
	s8 =	simm.s32 $0x8700;
	s9 =	simm.s32 $0x8000  }
0x68: {  	[tilespmem:s8], [sflag:$0x2] =	stream.indirect.gather [spmem:s3], $0x10, s5, s22, $0xb8;
	[tilespmem:$0xDE10] =	vst v63  }
0x69: {  	s31 =	simm.s32 $0x480;
	s5 =	sand.u32 $0xE000, s9;
	_ =	swait.ge [sflag:s17], $0x800  }
0x6a: {  	s2 =	simm.s32 $0x10000;
	s5 =	sshrl.u32 s5, $0x2;
	[sflag:s17] =	ssyncset.done $0x0  }
0x6b: {  	s8 =	simm.s32 $0x2980;
	s5 =	sadd.s32 $0x4F00, s5;
	[sflag:s17] =	ssyncadd.s32 $0xFFFFF800  }
0x6c: {  	[spmem:s1] =	stream.indirect.scatter.add.f32 [tilespmem:s5], [sflag:$0x3], $0x10, s8, s22, $0xb8;
	[tilespmem:$0xDE10] =	vst v63  }
0x6d: {  	s2 =	sand.u32 @!p0 $0xE000, s2;
	s25 =	simm.s32 $0x400;
	_ =	swait.ge [sflag:s0], $0x800  }
0x6e: {  	s5 =	sshrl.u32 @!p0 s2, $0x2;
	s2 =	simm.s32 $0x12000;
	[sflag:s0] =	ssyncset.done $0x0  }
0x6f: {  	s8 =	simm.s32 @!p0 $0x80;
	s5 =	sadd.s32 @!p0 $0x4F00, s5;
	[sflag:s0] =	ssyncadd.s32 $0xFFFFF800  }
.LBB2_2:
0x70: {  	[tilespmem:s5], [sflag:$0x2] =	stream.indirect.gather @!p0 [spmem:s3], $0x10, s25, s8, $0xb8;
	[tilespmem:$0xDE10] =	vst v63  }
0x71: {  	s5 =	smov.u32 s28;
	s8 =	smov.u32 s30;
	s25 =	smov.u32 s31  }
0x72: {  	s9 =	sadd.s32 $0xFFFF8000, s2;
	s28 =	sadd.s32 $0x1, s28;
	_ =	swait.ge [sflag:s17], $0x800  }
0x73: {  	s9 =	sand.u32 $0xE000, s9;
	p1 =	sne.s32 s28, $0x4F;
	[sflag:s17] =	ssyncset.done $0x0  }
0x74: {  	s30 =	sadd.s32 $0x80, s30;
	s9 =	sshrl.u32 s9, $0x2;
	[sflag:s17] =	ssyncadd.s32 $0xFFFFF800  }
.Ltmp0:
0x75: {  	p0 =	sgt.u32 s5, $0x4A;
	s9 =	sadd.s32 $0x4F00, s9;
	(pc) =	sbr.rel @p1 .LBB2_2-.Ltmp0, $4  }
0x76: {  	[spmem:s1] =	stream.indirect.scatter.add.f32 [tilespmem:s9], [sflag:$0x3], $0x10, s8, s22, $0xb8;
	[tilespmem:$0xDE10] =	vst v63  }
0x77: {  	s31 =	sadd.s32 $0x80, s31;
	s5 =	sand.u32 @!p0 $0xE000, s2;
	_ =	swait.ge [sflag:s0], $0x800  }
0x78: {  	s2 =	sadd.s32 $0x2000, s2;
	s5 =	sshrl.u32 @!p0 s5, $0x2;
	[sflag:s0] =	ssyncset.done $0x0  }
0x79: {  	s5 =	sadd.s32 @!p0 $0x4F00, s5;
	s8 =	simm.s32 @!p0 $0x80;
	[sflag:s0] =	ssyncadd.s32 $0xFFFFF800  }
0x7a: {  	[tilespmem:s5], [sflag:$0x2] =	stream.indirect.gather @!p0 [spmem:s3], $0x10, s25, s8, $0xb8;
	[tilespmem:$0xDE10] =	vst v63  }
0x7b: {  	_ =	swait.ge [sflag:s0], $0x800  }
0x7c: {  	[sflag:s0] =	ssyncset.done $0x0  }
0x7d: {  	[sflag:s0] =	ssyncadd.s32 $0xFFFFF800  }
0x7e: {  	_ =	swait.ge [sflag:s0], $0x800  }
0x7f: {  	[sflag:s0] =	ssyncset.done $0x0  }
0x80: {  	[sflag:s0] =	ssyncadd.s32 $0xFFFFF800  }
0x81: {  	_ =	swait.ge [sflag:s0], $0x800  }
0x82: {  	[sflag:s0] =	ssyncset.done $0x0  }
0x83: {  	[sflag:s0] =	ssyncadd.s32 $0xFFFFF800  }
0x84: {  	_ =	swait.ge [sflag:s0], $0x800  }
0x85: {  	s21 =	sadd.s32 $0x1, s21;
	[sflag:s0] =	ssyncset.done $0x0  }
0x86: {  	p0 =	sne.s32 s21, s13;
	[sflag:s0] =	ssyncadd.s32 $0xFFFFF800  }
.Ltmp1:
0x87: {  	[bflag:$0x0] =	sbarrier.arrive $0xFFFF;
	(pc) =	sbr.rel @p0 .LBB2_1-.Ltmp1, $4  }
0x88: {  	[hbm:s12@s18], [sflag:s6] =	dma.strided [spmem:s14@s17], $0x500, s16, $0x2   }
0x89: {  	_ =	swait.ge [sflag:s19], $0x500  }
0x8a: {  	[sflag:s19] =	ssyncset.done $0x0  }
0x8b: {  	[sflag:s19] =	ssyncadd.s32 $0xFFFFFB00  }
0x8c: {  	_ =	sfence.sel $0x180000  }
0x8d: {  	[bflag:$0x0] =	sbarrier.arrive $0xFFFF  }
0x8e: {  	_ =	strace $0x9000004D  }
0x8f: {  	s0 =	stileid.u32;
	[bflag:$0x2] =	sbarrier.arrive $0xFFFF  }
0x90: {  	p0 =	sne.s32 s0, $0x0;
	s0 =	rddreg [dreg:$0x3]  }
0x91: {  	s0 =	sadd.s32 @!p0 $0x100000, s0  }
0x92: {  	[sflag:s0] =	ssyncadd.tile.s32 @!p0 $0x1;
	_ =	shalt  }
.Lfunc_end2:
_tile_overlayer_lowered:
.L_overlay_start_2:
0x93: {  	(tag) =	ssettag $0x2  }
0x94: {  	s0 =	rddreg [dreg:$0x0];
	s2 =	stileid.u32  }
0x95: {  	s1 =	rddreg [dreg:$0x1];
	p0 =	sne.s32 s2, $0x0  }
0x96: {  	s3 =	rddreg [dreg:$0x2];
	[bflag:$0x3] =	sbarrier.arrive $0xFFFF;
	s2 =	simm.s32 @!p0 $0x1C04  }
0x97: {  	[timem:s3], [sflag:s2] =	dma.local @!p0 [hbm:s0], s1  }
0x98: {  	s0 =	simm.s32 @!p0 $0x4  }
0x99: {  	_ =	swait.ge @!p0 [sflag:s0], s1  }
0x9a: {  	s1 =	ssub.s32 @!p0 $0x0, s1;
	[sflag:s0] =	ssyncset.done @!p0 $0x0  }
0x9b: {  	[sflag:s0] =	ssyncadd.s32 @!p0 s1  }
0x9c: {  	[bflag:$0x3] =	sbarrier.arrive $0xFFFF  }
0x9d: {  	_ =	shalt  }

// kernel: kernel.8.cloned.1.call-start
scs
__scs_entry_jumppad:
0x0: {  	(pc) =	sbr.rel $0x88, $3  }
0x1: {  	(tag) =	ssettag $0x0;
	lr =	simm.s32 $0x1  }
0x2: {  	[smem:$0x3F9B] =	sst lr;
	_ =	strace $0xD0000000  }
0x3: {  	_ = 	snop  }
0x4: {  	_ = 	snop  }
0x5: {  	_ = 	snop  }
0x6: {  	_ = 	snop  }
0x7: {  	_ = 	snop  }
__scs_overlays_trampoline_lowered:
0x8: {  	[smem:$0x3FAA] =	sst s0  }
0x9: {  	[smem:$0x3FAB] =	sst s1  }
0xa: {  	[smem:$0x3FAC] =	sst s2  }
0xb: {  	[smem:$0x3FAD] =	sst s3  }
0xc: {  	[smem:$0x3FAE] =	sst s4  }
0xd: {  	[smem:$0x3FAF] =	sst s5  }
0xe: {  	[smem:$0x3FB0] =	sst s6  }
0xf: {  	[smem:$0x3FB1] =	sst s7  }
0x10: {  	[smem:$0x3FB2] =	sst s8  }
0x11: {  	[smem:$0x3FB3] =	sst s9;
	s0 =	simm.s32 @!p0 $0x0  }
0x12: {  	s1 =	sld [smem:$0x3F99];
	s0 =	simm.s32 @p0 $0x1  }
0x13: {  	[smem:$0x3FB4] =	sst s0;
	s0 =	simm.s32 @!p1 $0x0  }
0x14: {  	s2 =	sld [smem:$0x3F98];
	s0 =	simm.s32 @p1 $0x1  }
0x15: {  	[smem:$0x3FB5] =	sst s0;
	s0 =	simm.s32 @!p2 $0x0  }
0x16: {  	s3 =	sld [smem:$0x3FDB];
	s0 =	simm.s32 @p2 $0x1  }
0x17: {  	s4 =	simm.s32 $0x1BF5;
	[smem:$0x3FB7] =	sst s0  }
0x18: {  	s0 =	sld [smem:$0x3F9A];
	_ =	swait.ge [sflag:s4], $0x0  }
0x19: {  	s7 =	sld [smem:$0x3F9B]  }
0x1a: {  	s8 =	sadd.s32 $0xFFFFE003, lr  }
0x1b: {  	s9 =	sadd.s32 $0xFFFFFEF7, lr;
	s5 =	simm.s32 $0xFFFFFFFF;
	p2 =	slt.u32 s8, $0xFFFFF086  }
0x1c: {  	p1 =	slt.u32 s9, $0xF7A;
	s5 =	simm.s32 @!p2 $0x0  }
0x1d: {  	s5 =	simm.s32 @p1 $0x1;
	p0 =	seq.s32 s7, s2  }
0x1e: {  	s7 =	smul.u32 @!p0 $0xF7A, s2;
	p2 =	seq.s32 @!p0 s5, $0x0  }
0x1f: {  	s9 =	smul.u32 $0xF7A, s1;
	s8 =	simm.s32 @!p0 $0x1BF5;
	p2 =	por !p2, p0  }
0x20: {  	[sflag:s8] =	ssyncset.s32 @!p0 $0xFFFFF086;
	s6 =	sadd.s32 @!p0 s3, s7;
	s7 =	simm.s32 @!p0 $0x108  }
0x21: {  	s3 =	sadd.s32 s3, s9;
	s6 =	sadd.s32 @!p0 $0x88, s6;
	s7 =	simm.s32 @p2 $0x1082  }
0x22: {  	[simem:s7], [sflag:s8] =	dma.local @!p0 [hbm:s6], $0xF7A  }
0x23: {  	s9 =	sor.u32 $0xD0000000, s2;
	s6 =	simm.s32 $0x108;
	_ =	swait.ge @!p0 [sflag:s8], $0x0  }
0x24: {  	s3 =	sadd.s32 $0x88, s3;
	s6 =	simm.s32 @!p1 $0x1082;
	[sflag:s4] =	ssyncset.s32 $0xFFFFF086  }
0x25: {  	[simem:s6], [sflag:s4] =	dma.local [hbm:s3], $0xF7A  }
0x26: {  	[smem:$0x3F9B] =	sst s1;
	(tag) =	ssettag s2;
	_ =	strace s9  }
0x27: {  	s1 =	sld [smem:$0x3FAB]  }
0x28: {  	s2 =	sld [smem:$0x3FAC]  }
0x29: {  	s4 =	sld [smem:$0x3FAE]  }
0x2a: {  	p0 =	seq.s32 s5, $0x0;
	s5 =	sld [smem:$0x3FAF]  }
0x2b: {  	s6 =	sld [smem:$0x3FB0]  }
0x2c: {  	s7 =	sld [smem:$0x3FB1]  }
0x2d: {  	s3 =	simm.s32 $0x108;
	s8 =	sld [smem:$0x3FB2]  }
0x2e: {  	s3 =	simm.s32 @!p0 $0x1082;
	s9 =	sld [smem:$0x3FB3]  }
0x2f: {  	lr =	sadd.s32 s0, s3;
	s0 =	sld [smem:$0x3FAA]  }
0x30: {  	s3 =	sld [smem:$0x3FAD]  }
0x31: {  	[smem:$0x3FB6] =	sst s10  }
0x32: {  	s10 =	sld [smem:$0x3FB4];
	_ =	sdelay $0x3  }
0x33: {  	p0 =	seq.s32 s10, $0x1;
	s10 =	sld [smem:$0x3FB6];
	_ =	sdelay $0x3  }
0x34: {  	[smem:$0x3FB6] =	sst s10  }
0x35: {  	s10 =	sld [smem:$0x3FB5];
	_ =	sdelay $0x3  }
0x36: {  	p1 =	seq.s32 s10, $0x1;
	s10 =	sld [smem:$0x3FB6];
	_ =	sdelay $0x3  }
0x37: {  	[smem:$0x3FB6] =	sst s10  }
0x38: {  	s10 =	sld [smem:$0x3FB7]  }
0x39: {  	_ = 	snop;
	(pc) =	sbr.ind lr, $3  }
0x3a: {  	_ = 	snop  }
0x3b: {  	_ = 	snop  }
0x3c: {  	p2 =	seq.s32 s10, $0x1;
	s10 =	sld [smem:$0x3FB6]  }
0x3d: {  	_ =	shalt  }
0x3e: {  	_ =	shalt  }
0x3f: {  	_ =	shalt  }
0x40: {  	_ =	shalt  }
0x41: {  	_ =	shalt  }
0x42: {  	_ =	shalt  }
0x43: {  	_ =	shalt  }
0x44: {  	_ =	shalt  }
0x45: {  	_ =	shalt  }
0x46: {  	_ =	shalt  }
0x47: {  	_ =	shalt  }
0x48: {  	_ =	shalt  }
0x49: {  	_ =	shalt  }
0x4a: {  	_ =	shalt  }
0x4b: {  	_ =	shalt  }
0x4c: {  	_ =	shalt  }
0x4d: {  	_ =	shalt  }
0x4e: {  	_ =	shalt  }
0x4f: {  	_ =	shalt  }
0x50: {  	_ =	shalt  }
0x51: {  	_ =	shalt  }
0x52: {  	_ =	shalt  }
0x53: {  	_ =	shalt  }
0x54: {  	_ =	shalt  }
0x55: {  	_ =	shalt  }
0x56: {  	_ =	shalt  }
0x57: {  	_ =	shalt  }
0x58: {  	_ =	shalt  }
0x59: {  	_ =	shalt  }
0x5a: {  	_ =	shalt  }
0x5b: {  	_ =	shalt  }
0x5c: {  	_ =	shalt  }
0x5d: {  	_ =	shalt  }
0x5e: {  	_ =	shalt  }
0x5f: {  	_ =	shalt  }
0x60: {  	_ =	shalt  }
0x61: {  	_ =	shalt  }
0x62: {  	_ =	shalt  }
0x63: {  	_ =	shalt  }
0x64: {  	_ =	shalt  }
0x65: {  	_ =	shalt  }
0x66: {  	_ =	shalt  }
0x67: {  	_ =	shalt  }
0x68: {  	_ =	shalt  }
0x69: {  	_ =	shalt  }
0x6a: {  	_ =	shalt  }
0x6b: {  	_ =	shalt  }
0x6c: {  	_ =	shalt  }
0x6d: {  	_ =	shalt  }
0x6e: {  	_ =	shalt  }
0x6f: {  	_ =	shalt  }
0x70: {  	_ =	shalt  }
0x71: {  	_ =	shalt  }
0x72: {  	_ =	shalt  }
0x73: {  	_ =	shalt  }
0x74: {  	_ =	shalt  }
0x75: {  	_ =	shalt  }
0x76: {  	_ =	shalt  }
0x77: {  	_ =	shalt  }
0x78: {  	_ =	shalt  }
0x79: {  	_ =	shalt  }
0x7a: {  	_ =	shalt  }
0x7b: {  	_ =	shalt  }
0x7c: {  	_ =	shalt  }
0x7d: {  	_ =	shalt  }
0x7e: {  	_ =	shalt  }
0x7f: {  	_ =	shalt  }
0x80: {  	_ =	shalt  }
0x81: {  	_ =	shalt  }
0x82: {  	_ =	shalt  }
0x83: {  	_ =	shalt  }
0x84: {  	_ =	shalt  }
0x85: {  	_ =	shalt  }
0x86: {  	_ =	shalt  }
0x87: {  	_ =	shalt  }
.Lfunc_end0:
.L_simem_size_0:
called_computation_lowered:
.L_overlay_start_0:
0x88: {  	s2 =	sld [smem:$0x3FD9]  }
0x89: {  	s3 =	sld [smem:$0x3FFE];
	_ =	sdelay $0x1  }
0x8a: {  	s1 =	srdreg.scid  }
0x8b: {  	s0 =	sand.u32 $0x1, s1  }
0x8c: {  	s17 =	sshll.u32 s0, $0xA;
	s2 =	sadd.s32 s3, s2  }
0x8d: {  	s2 =	sadd.s32 s2, s17  }
0x8e: {  	[smem:$0x3FC2] =	sst s2  }
0x8f: {  	_ = 	snop  }
0x90: {  	s2 =	sld [smem:$0x3FD0];
	(tm) =	ssettm $0x1  }
0x91: {  	s18 =	sld [smem:$0x3FFB];
	_ =	sdelay $0x3  }
0x92: {  	_ =	strace s18  }
0x93: {  	s3 =	sld [smem:$0x3FFC];
	_ =	sdelay $0x3  }
0x94: {  	_ =	strace s3  }
0x95: {  	s3 =	sld [smem:$0x3FFD];
	_ =	sdelay $0x3  }
0x96: {  	_ =	strace s3  }
0x97: {  	_ =	strace $0x8FFFFFFF  }
0x98: {  	s19 =	sld [smem:$0x3FDB];
	_ =	sdelay $0x1  }
0x99: {  	s4 =	simm.s32 $_scs_section_size  }
0x9a: {  	s5 =	simm.s32 $_size__tile_overlayer_lowered;
	s6 =	simm.s32 $_tile_overlayer_lowered  }
0x9b: {  	s22 =	simm.s32 $0x1BFF;
	s21 =	sshll.u32 s6, $0x1;
	s3 =	sadd.s32 s4, s19  }
0x9c: {  	s7 =	simm.s32 $0x0;
	s20 =	sshll.u32 s5, $0x1;
	s5 =	sadd.s32 s21, s3  }
0x9d: {  	[timem:s7], [sflag:s22] =	dma.local [hbm:s5], s20  }
0x9e: {  	_ =	swait.ge [sflag:s22], s20  }
0x9f: {  	s4 =	ssub.s32 $0x0, s20;
	[sflag:s22] =	ssyncset.done $0x0  }
0xa0: {  	[sflag:s22] =	ssyncadd.s32 s4;
	_ =	sdelay $0x1  }
0xa1: {  	s23 =	simm.s32 $0x1B8B  }
0xa2: {  	_ =	swait.ge [sflag:s23], $0x1  }
0xa3: {  	[sflag:s23] =	ssyncset.done $0x0  }
0xa4: {  	s25 =	simm.s32 $0x1B8E;
	s24 =	sld [smem:$0x3FFE];
	[sflag:s23] =	ssyncadd.s32 $0xFFFFFFFF  }
0xa5: {  	s26 =	simm.s32 $execute0_lowered;
	[smem:$0x3FD2] =	sst s25  }
0xa6: {  	s5 =	sshll.u32 s26, $0x1;
	_ =	strace $0x80000046;
	[dreg:$0x1] =	wrdreg $0xFFFFFFFF  }
0xa7: {  	s28 =	simm.s32 $_size_execute0_lowered;
	s3 =	sadd.s32 s3, s5;
	[dreg:$0x0] =	wrdreg $0x0  }
0xa8: {  	s5 =	sshll.u32 s28, $0x1;
	[dreg:$0x2] =	wrdreg s3  }
0xa9: {  	[dreg:$0x3] =	wrdreg s5  }
0xaa: {  	[dreg:$0x4] =	wrdreg $0xC0  }
0xab: {  	_ =	task [dreg:s7], $0x5FFFF  }
0xac: {  	[dreg:$0x1] =	wrdreg $0xFFFFFFFF  }
0xad: {  	[dreg:$0x0] =	wrdreg $0x60  }
0xae: {  	[dreg:$0x2] =	wrdreg s24  }
0xaf: {  	[dreg:$0x3] =	wrdreg s2  }
0xb0: {  	[dreg:$0x4] =	wrdreg $0x52000  }
0xb1: {  	[dreg:$0x5] =	wrdreg $0x9  }
0xb2: {  	_ =	task.clear_ibuf [dreg:s7], $0x6FFFF;
	_ =	strace $0x90000046  }
0xb3: {  	s29 =	simm.s32 $0x9;
	_ =	strace $0x80000048  }
0xb4: {  	_ =	swait.ge [sflag:s29], $0x1  }
0xb5: {  	[sflag:s29] =	ssyncadd.s32 $0xFFFFFFFF  }
0xb6: {  	_ =	strace $0x90000048  }
0xb7: {  	_ =	sfence  }
0xb8: {  	s30 =	sld [smem:$0x0];
	_ =	sdelay $0x2  }
0xb9: {  	s31 =	sshll.u32 s1, $0xD;
	s1 =	sshrl.u32 s1, $0x2  }
0xba: {  	s3 =	sand.u32 $0x4000, s31;
	s1 =	sadd.s32 s1, s30  }
0xbb: {  	s0 =	sor.u32 s3, s0;
	s1 =	sshll.u32 s1, $0x11  }
0xbc: {  	s0 =	sor.u32 s1, s0  }
0xbd: {  	s0 =	sadd.s32 $0x8F2B, s0  }
0xbe: {  	[sflag:s0] =	ssyncadd.remote.s32 $0x1  }
0xbf: {  	_ =	sfence.sel $0xFFFF  }
0xc0: {  	[dreg:$0x0] =	wrdreg $0xFFFFFFFF;
	(pc) =	sbr.abs _section_cstart, $3  }
0xc1: {  	[dreg:$0x1] =	wrdreg $0xFFFFFFFF  }
0xc2: {  	_ =	task.clear_ibuf [dreg:s7], $0x2FFFF;
	_ =	strace $0x9FFFFFFF  }
0xc3: {  	(tm) =	ssettm $0x7FFFFFFF  }
tec
execute0_lowered:
.L_overlay_start_1:
0x0: {  	(tag) =	ssettag $0x1  }
0x1: {  	s0 =	srdreg.scid  }
0x2: {  	s4 =	sand.u32 $0x1, s0  }
0x3: {  	s0 =	stileid.u32;
	s1 =	sshll.u32 s4, $0x4  }
0x4: {  	s5 =	sor.u32 s0, s1  }
0x5: {  	s6 =	smul.u32 $0x70, s5  }
0x6: {  	v6 =	vlaneseq.u32  }
0x7: {  	v0 =	vor.u32 s6, v6;
	s23 =	sadd.s32 $0x10, s6  }
0x8: {  	v1 =	vmulhi.u32 $0x88888889, v0;
	v3 =	vor.u32 s23, v6  }
0x9: {  	v2 =	vmulhi.u32 $0xD1B71759, v3  }
0xa: {  	s24 =	sadd.s32 $0x20, s6;
	s25 =	sadd.s32 $0x30, s6;
	s8 =	sadd.s32 $0x40, s6;
	v4 =	vmulhi.u32 $0x88888889, v3  }
0xb: {  	v5 =	vor.u32 s24, v6;
	v9 =	vor.u32 s25, v6;
	v12 =	vor.u32 s8, v6  }
0xc: {  	v7 =	vmulhi.u32 $0xD1B71759, v5;
	v2 =	vshrl.u32 v2, $0xD;
	v4 =	vshrl.u32 v4, $0x7  }
0xd: {  	s26 =	sadd.s32 $0x50, s6;
	s6 =	sadd.s32 $0x60, s6;
	v8 =	vmulhi.u32 $0x88888889, v5;
	v2 =	vmul.u32 $0x2710, v2;
	v4 =	vmul.u32 $0xF0, v4  }
0xe: {  	v13 =	vor.u32 s26, v6;
	v16 =	vor.u32 s6, v6;
	v11 =	vmulhi.u32 $0x88888889, v9  }
0xf: {  	v2 =	vsub.s32 v3, v2;
	v3 =	vsub.s32 v3, v4;
	v4 =	vmulhi.u32 $0xD1B71759, v9  }
0x10: {  	v1 =	vshrl.u32 v1, $0x7;
	v7 =	vshrl.u32 v7, $0xD;
	v8 =	vshrl.u32 v8, $0x7  }
0x11: {  	s7 =	rddreg [dreg:$0x0];
	v7 =	vmul.u32 $0x2710, v7;
	v8 =	vmul.u32 $0xF0, v8;
	v4 =	vshrl.u32 v4, $0xD  }
0x12: {  	s9 =	rddreg [dreg:$0x1];
	v14 =	vmulhi.u32 $0xD1B71759, v13;
	v1 =	vmul.u32 $0xF0, v1;
	v10 =	vmul.u32 $0x2710, v4  }
0x13: {  	s2 =	rddreg [dreg:$0x2];
	v4 =	vsub.s32 v5, v7;
	v7 =	vsub.s32 v5, v8;
	v8 =	vmulhi.u32 $0xD1B71759, v12  }
0x14: {  	s3 =	simm.s32 $0x0;
	s13 =	simm.s32 $0x2700;
	s14 =	simm.s32 $0x2780;
	v5 =	vsub.s32 v9, v10;
	v10 =	vshrl.u32 v11, $0x7;
	v11 =	vmulhi.u32 $0x88888889, v12  }
0x15: {  	s15 =	simm.s32 $0x4E80;
	s16 =	simm.s32 $0x1;
	s17 =	simm.s32 $0x80;
	v15 =	vmulhi.u32 $0x88888889, v13;
	v1 =	vsub.s32 v0, v1;
	v8 =	vshrl.u32 v8, $0xD  }
0x16: {  	s18 =	simm.s32 $0x4F00;
	s19 =	simm.s32 $0x2;
	s22 =	simm.s32 $0x0;
	v1 =	vadd.s32 $0x2710, v1;
	v8 =	vmul.u32 $0x2710, v8;
	v11 =	vshrl.u32 v11, $0x7  }
0x17: {  	[smem:$0x7FF] =	sst s3;
	s7 =	sadd.s32 $0x2800, s7;
	s11 =	smul.u32 $0x280, s0;
	v3 =	vadd.s32 $0x2710, v3;
	v10 =	vmul.u32 $0xF0, v10;
	v11 =	vmul.u32 $0xF0, v11  }
0x18: {  	s10 =	ssub.s32 $0x2, s4;
	s29 =	smul.u32 $0x2800, s4;
	s20 =	sshll.u32 s0, $0x6;
	v7 =	vadd.s32 $0x2710, v7;
	v6 =	vsub.s32 v12, v8;
	v8 =	vmulhi.u32 $0xD1B71759, v16  }
0x19: {  	s1 =	rddreg [dreg:$0x3];
	_ =	strace $0x80000047;
	s28 =	sshrl.u32 s10, $0x1;
	v9 =	vsub.s32 v9, v10;
	v10 =	vsub.s32 v12, v11;
	v12 =	vmulhi.u32 $0x88888889, v16  }
0x1a: {  	s20 =	sor.u32 $0x1C03, s20;
	s12 =	smul.u32 $0x2700, s5;
	s10 =	ssub.s32 s10, s28;
	v11 =	vshrl.u32 v14, $0xD;
	v14 =	vshrl.u32 v15, $0x7;
	v15 =	vshrl.u32 v8, $0xD  }
0x1b: {  	s5 =	sshll.u32 s5, $0x1;
	s4 =	sadd.s32 s11, s2;
	s11 =	sadd.s32 s11, s29;
	v11 =	vmul.u32 $0x2710, v11;
	v14 =	vmul.u32 $0xF0, v14;
	v12 =	vshrl.u32 v12, $0x7  }
0x1c: {  	s31 =	sadd.s32 s5, s7;
	s11 =	sshrl.u32 s11, $0x3;
	s10 =	smax.u32 s10, $0x1;
	v8 =	vadd.s32 $0x2710, v9;
	v15 =	vmul.u32 $0x2710, v15;
	v17 =	vmul.u32 $0xF0, v12  }
0x1d: {  	s21 =	sshrl.u32 s4, $0x3;
	s30 =	sshrl.u32 s12, $0x3;
	s9 =	sadd.s32 s9, s11;
	v9 =	vadd.s32 $0x2710, v10;
	v10 =	vsub.s32 v13, v11;
	v11 =	vsub.s32 v13, v14  }
0x1e: {  	s11 =	simm.s32 $0x4F80;
	s12 =	simm.s32 $0x3;
	s5 =	sadd.s32 s7, s30;
	v12 =	vsub.s32 v16, v15;
	v14 =	vimm.f32 $1.000000000e+00;
	v13 =	vsub.s32 v16, v17  }
0x1f: {  	s6 =	sadd.s32 $0x9C00, s31;
	s8 =	sadd.s32 $0x13840, s31;
	s7 =	sadd.s32 $0x9C40, s5;
	v15 =	vimm.f32 $0.0e+00;
	v11 =	vadd.s32 $0x2710, v11;
	v13 =	vadd.s32 $0x2710, v13  }
.LBB2_1:
0x20: {  	[tilespmem:$0x4F00] =	vst v14  }
0x21: {  	[tilespmem:$0x4F80] =	vst v15  }
0x22: {  	[tilespmem:$0x4F10] =	vst v14  }
0x23: {  	[tilespmem:$0x4F90] =	vst v15  }
0x24: {  	[tilespmem:$0x4F20] =	vst v14  }
0x25: {  	[tilespmem:$0x4FA0] =	vst v15  }
0x26: {  	[tilespmem:$0x4F30] =	vst v14  }
0x27: {  	[tilespmem:$0x4FB0] =	vst v15  }
0x28: {  	[tilespmem:$0x4F40] =	vst v14  }
0x29: {  	[tilespmem:$0x4FC0] =	vst v15  }
0x2a: {  	[tilespmem:$0x4F50] =	vst v14  }
0x2b: {  	[tilespmem:$0x4FD0] =	vst v15  }
0x2c: {  	[tilespmem:$0x4F60] =	vst v14  }
0x2d: {  	[tilespmem:$0x4FE0] =	vst v15  }
0x2e: {  	[tilespmem:$0x4F70] =	vst v14  }
0x2f: {  	[tilespmem:$0x4FF0] =	vst v15  }
0x30: {  	[tilespmem:$0x5000] =	vst v15  }
0x31: {  	[tilespmem:$0x5010] =	vst v15  }
0x32: {  	[tilespmem:$0x5020] =	vst v15  }
0x33: {  	[tilespmem:$0x5030] =	vst v15  }
0x34: {  	[tilespmem:$0x5040] =	vst v15  }
0x35: {  	[tilespmem:$0x5050] =	vst v15  }
0x36: {  	[tilespmem:$0x5060] =	vst v15  }
0x37: {  	[tilespmem:$0x5070] =	vst v15  }
0x38: {  	[tilespmem:$0x5080] =	vst v15  }
0x39: {  	[tilespmem:$0x5090] =	vst v15  }
0x3a: {  	[tilespmem:$0x50A0] =	vst v15  }
0x3b: {  	[tilespmem:$0x50B0] =	vst v15  }
0x3c: {  	[tilespmem:$0x50C0] =	vst v15  }
0x3d: {  	[tilespmem:$0x50D0] =	vst v15  }
0x3e: {  	[tilespmem:$0x50E0] =	vst v15  }
0x3f: {  	[tilespmem:$0x50F0] =	vst v15  }
0x40: {  	[tilespmem:$0x5100] =	vst v15  }
0x41: {  	[tilespmem:$0x5110] =	vst v15  }
0x42: {  	[tilespmem:$0x5120] =	vst v15  }
0x43: {  	[tilespmem:$0x5130] =	vst v15  }
0x44: {  	[tilespmem:$0x5140] =	vst v15  }
0x45: {  	[tilespmem:$0x5150] =	vst v15  }
0x46: {  	[tilespmem:$0x5160] =	vst v15  }
0x47: {  	[tilespmem:$0x5170] =	vst v15  }
0x48: {  	[tilespmem:$0x5180] =	vst v15  }
0x49: {  	[tilespmem:$0x5190] =	vst v15  }
0x4a: {  	[tilespmem:$0x51A0] =	vst v15  }
0x4b: {  	[tilespmem:$0x51B0] =	vst v15  }
0x4c: {  	[tilespmem:$0x51C0] =	vst v15  }
0x4d: {  	[tilespmem:$0x51D0] =	vst v15  }
0x4e: {  	[tilespmem:$0x51E0] =	vst v15  }
0x4f: {  	[tilespmem:$0x51F0] =	vst v15  }
0x50: {  	[spmem:s4] =	stream.linear.scatter [tilespmem:s11], [sflag:$0x3], $0x280, $0x38;
	[tilespmem:$0x5480] =	vst v63  }
0x51: {  	_ =	swait.ge [sflag:s12], $0x280  }
0x52: {  	[sflag:s12] =	ssyncset.done $0x0  }
0x53: {  	[sflag:s12] =	ssyncadd.s32 $0xFFFFFD80  }
0x54: {  	[tilespmem:s3], [sflag:$0x1] =	stream.linear.gather [hbm4b:s5+s3], $0x2700, $0x38;
	[tilespmem:$0x5480] =	vst v63  }
0x55: {  	_ = 	snop  }
0x56: {  	[tilespmem:s13], [sflag:$0x1] =	stream.linear.gather [hbm4b:s6+s3], $0x10, $0x38;
	[tilespmem:$0x5480] =	vst v63  }
0x57: {  	_ = 	snop  }
0x58: {  	[tilespmem:s14], [sflag:$0x1] =	stream.linear.gather [hbm4b:s7+s3], $0x2700, $0x38;
	[tilespmem:$0x5480] =	vst v63  }
0x59: {  	_ = 	snop  }
0x5a: {  	[tilespmem:s15], [sflag:$0x1] =	stream.linear.gather [hbm4b:s8+s3], $0x10, $0x38;
	[tilespmem:$0x5480] =	vst v63  }
0x5b: {  	[tilespmem:$0x2710] =	vst v0  }
0x5c: {  	[tilespmem:$0x4E90] =	vst v1  }
0x5d: {  	[tilespmem:$0x2720] =	vst v2  }
0x5e: {  	[tilespmem:$0x4EA0] =	vst v3  }
0x5f: {  	[tilespmem:$0x2730] =	vst v4  }
0x60: {  	[tilespmem:$0x4EB0] =	vst v7  }
0x61: {  	[tilespmem:$0x2740] =	vst v5  }
0x62: {  	[tilespmem:$0x4EC0] =	vst v8  }
0x63: {  	[tilespmem:$0x2750] =	vst v6  }
0x64: {  	[tilespmem:$0x4ED0] =	vst v9  }
0x65: {  	[tilespmem:$0x2760] =	vst v10  }
0x66: {  	[tilespmem:$0x4EE0] =	vst v11  }
0x67: {  	[tilespmem:$0x2770] =	vst v12  }
0x68: {  	[tilespmem:$0x4EF0] =	vst v13  }
0x69: {  	_ =	swait.ge [sflag:s16], $0x2700  }
0x6a: {  	[sflag:s16] =	ssyncset.done $0x0  }
0x6b: {  	[sflag:s16] =	ssyncadd.s32 $0xFFFFD900  }
0x6c: {  	_ =	swait.ge [sflag:s16], $0x10  }
0x6d: {  	[sflag:s16] =	ssyncset.done $0x0  }
0x6e: {  	[sflag:s16] =	ssyncadd.s32 $0xFFFFFFF0  }
0x6f: {  	_ =	swait.ge [sflag:s16], $0x2700  }
0x70: {  	[sflag:s16] =	ssyncset.done $0x0  }
0x71: {  	[sflag:s16] =	ssyncadd.s32 $0xFFFFD900  }
0x72: {  	_ =	swait.ge [sflag:s16], $0x10  }
0x73: {  	[sflag:s16] =	ssyncset.done $0x0  }
0x74: {  	[sflag:s16] =	ssyncadd.s32 $0xFFFFFFF0  }
0x75: {  	s23 =	simm.s32 $0x0;
	[bflag:$0x0] =	sbarrier.arrive $0xFFFF  }
.LBB2_2:
0x76: {  	p0 =	sne.s32 s23, $0x9C00  }
.Ltmp0:
0x77: {  	_ = 	snop;
	(pc) =	sbr.rel @p0 .LBB2_2-.Ltmp0, $4  }
0x78: {  	_ = 	snop  }
0x79: {  	s24 =	sshra.s32 s23, $0x2  }
0x7a: {  	s23 =	sadd.s32 $0x200, s23;
	s24 =	sadd.s32 $0x2780, s24  }
0x7b: {  	[spmem:s2] =	stream.indirect.scatter.add.f32 [tilespmem:s18], [sflag:$0x2], $0x1, s24, s17, $0xb8;
	[tilespmem:$0x5480] =	vst v63  }
0x7c: {  	_ =	swait.ge [sflag:s19], $0x80  }
0x7d: {  	s23 =	simm.s32 $0x4E;
	[sflag:s19] =	ssyncset.done $0x0  }
.LBB2_4:
0x7e: {  	p0 =	sne.s32 s23, $0x1;
	s23 =	sadd.s32 $0xFFFFFFFF, s23;
	[sflag:s19] =	ssyncadd.s32 $0xFFFFFF80  }
.Ltmp1:
0x7f: {  	(pc) =	sbr.rel @p0 .LBB2_4-.Ltmp1, $3  }
0x80: {  	_ =	sdelay $0x1  }
0x81: {  	_ =	swait.ge [sflag:s19], $0x80  }
0x82: {  	[sflag:s19] =	ssyncset.done $0x0  }
0x83: {  	s22 =	sadd.s32 $0x1, s22  }
0x84: {  	[sflag:s19] =	ssyncadd.s32 $0xFFFFFF80;
	p0 =	sne.s32 s22, s10  }
.Ltmp2:
0x85: {  	[bflag:$0x0] =	sbarrier.arrive $0xFFFF;
	(pc) =	sbr.rel @p0 .LBB2_1-.Ltmp2, $4  }
0x86: {  	[hbm:s9], [sflag:s20] =	dma.local [spmem:s21], $0x50  }
0x87: {  	_ =	swait.ge [sflag:s12], $0x50  }
0x88: {  	[sflag:s12] =	ssyncset.done $0x0  }
0x89: {  	[sflag:s12] =	ssyncadd.s32 $0xFFFFFFB0  }
0x8a: {  	_ =	sfence.sel $0x180000  }
0x8b: {  	[bflag:$0x0] =	sbarrier.arrive $0xFFFF  }
0x8c: {  	p0 =	sne.s32 s0, $0x0;
	_ =	strace $0x90000047  }
0x8d: {  	s0 =	sadd.s32 @!p0 $0x100000, s1;
	[bflag:$0x2] =	sbarrier.arrive $0xFFFF  }
0x8e: {  	[sflag:s0] =	ssyncadd.tile.s32 @!p0 $0x1;
	_ =	shalt  }
.Lfunc_end2:
_tile_overlayer_lowered:
.L_overlay_start_2:
0x8f: {  	(tag) =	ssettag $0x2  }
0x90: {  	s0 =	rddreg [dreg:$0x0];
	s2 =	stileid.u32  }
0x91: {  	s1 =	rddreg [dreg:$0x1];
	p0 =	sne.s32 s2, $0x0  }
0x92: {  	s3 =	rddreg [dreg:$0x2];
	[bflag:$0x3] =	sbarrier.arrive $0xFFFF;
	s2 =	simm.s32 @!p0 $0x1C03  }
0x93: {  	[timem:s3], [sflag:s2] =	dma.local @!p0 [hbm:s0], s1  }
0x94: {  	s0 =	simm.s32 @!p0 $0x3  }
0x95: {  	_ =	swait.ge @!p0 [sflag:s0], s1  }
0x96: {  	s1 =	ssub.s32 @!p0 $0x0, s1;
	[sflag:s0] =	ssyncset.done @!p0 $0x0  }
0x97: {  	[sflag:s0] =	ssyncadd.s32 @!p0 s1  }
0x98: {  	[bflag:$0x3] =	sbarrier.arrive $0xFFFF  }
0x99: {  	_ =	shalt  }

</sc_bundles>
